<compile_context>
chip_gen: v7x
topology: tpu7x:2x2x1
jax: 0.10.2.dev20260603
libtpu: 0.0.44.dev20260713+nightly
codegen_flags: <defaults>
</compile_context>

<pallas_src>
import functools

import jax
import jax.numpy as jnp
from jax import lax
from jax.experimental import pallas as pl
from jax.experimental.pallas import tpu as pltpu
from jax.experimental.pallas import tpu_sc as plsc

N = 10000
D = 128
H = 64
E = 320000

NC = 2
NS = 16
NW = NC * NS
CH = 128
PC = 80
NCHUNK = NW * PC
E_PAD = NCHUNK * CH
N_PAD = 10240
RPT = N_PAD // NS

_mesh = plsc.VectorSubcoreMesh(core_axis_name="c", subcore_axis_name="s")
_sc_params = pltpu.CompilerParams(use_tc_tiling_on_sc=False,
                                 disable_bounds_checks=True)



@functools.partial(
    pl.kernel,
    out_type=jax.ShapeDtypeStruct((NC, N_PAD, 8), jnp.float32),
    mesh=_mesh,
    compiler_params=_sc_params,
    scratch_types=[
        pltpu.VMEM((PC, CH), jnp.int32),
        pltpu.VMEM((CH, 8), jnp.float32),
        pltpu.VMEM_SHARED((N_PAD, 8), jnp.float32),
    ],
)
def _sc_degree(dst_hbm, ones_hbm, zeros_hbm, out_hbm, dst_v, ones_v, acc):
    cid = lax.axis_index("c")
    sid = lax.axis_index("s")
    gwid = cid * NS + sid
    pltpu.sync_copy(zeros_hbm, acc.at[pl.ds(sid * RPT, RPT)])
    pltpu.sync_copy(dst_hbm.at[pl.ds(gwid * PC, PC)], dst_v)
    pltpu.sync_copy(ones_hbm, ones_v)
    plsc.subcore_barrier()

    def chunk(j, carry):
        pltpu.sync_copy(ones_v, acc.at[dst_v.at[j]], add=True)
        return carry

    lax.fori_loop(0, PC, chunk, 0, unroll=False)
    plsc.subcore_barrier()
    pltpu.sync_copy(acc.at[pl.ds(sid * RPT, RPT)],
                    out_hbm.at[cid, pl.ds(sid * RPT, RPT)])



NB = 8
NG = PC // NB


@functools.partial(
    pl.kernel,
    out_type=jax.ShapeDtypeStruct((NC, N_PAD, H), jnp.float32),
    mesh=_mesh,
    compiler_params=_sc_params,
    scratch_types=[
        pltpu.VMEM((PC, CH), jnp.int32),
        pltpu.VMEM((PC, CH), jnp.int32),
        [pltpu.VMEM((CH, H), jnp.float32)] * NB,
        pltpu.VMEM_SHARED((N_PAD, H), jnp.float32),
        [pltpu.SemaphoreType.DMA] * NB,
    ],
)
def _sc_scatter(y_hbm, src_hbm, dst_hbm, zeros_hbm, out_hbm,
                src_v, dst_v, rows, acc, sems):
    cid = lax.axis_index("c")
    sid = lax.axis_index("s")
    gwid = cid * NS + sid
    pltpu.sync_copy(zeros_hbm, acc.at[pl.ds(sid * RPT, RPT)])
    pltpu.sync_copy(src_hbm.at[pl.ds(gwid * PC, PC)], src_v)
    pltpu.sync_copy(dst_hbm.at[pl.ds(gwid * PC, PC)], dst_v)
    plsc.subcore_barrier()

    for b in range(NB):
        pltpu.async_copy(y_hbm.at[src_v.at[b]], rows[b], sems[b])

    def group(g, carry):
        for b in range(NB):
            j = g * NB + b
            pltpu.make_async_copy(y_hbm.at[src_v.at[j]], rows[b],
                                  sems[b]).wait()
            pltpu.sync_copy(rows[b], acc.at[dst_v.at[j]], add=True)

            @pl.when(g < NG - 1)
            def _prefetch(b=b, j=j):
                pltpu.async_copy(y_hbm.at[src_v.at[j + NB]], rows[b], sems[b])
        return carry

    lax.fori_loop(0, NG, group, 0, unroll=False)
    plsc.subcore_barrier()
    pltpu.sync_copy(acc.at[pl.ds(sid * RPT, RPT)],
                    out_hbm.at[cid, pl.ds(sid * RPT, RPT)])



NF = N // 2


def _tc_mm_body(x_ref, w_ref, xw_ref):
    xw_ref[...] = jnp.dot(
        x_ref[...], w_ref[...], preferred_element_type=jnp.float32)


def _tc_bn_body(acc_ref, y_ref, dinv_ref, b_ref, g_ref, be_ref, w_ref,
                yn_ref):
    dinv = dinv_ref[...]
    t = ((acc_ref[0, :NF] + acc_ref[1, :NF] + y_ref[...]) * dinv + b_ref[...])
    cs = jnp.sum(t, axis=0, keepdims=True)
    m = (cs[:, :H] + cs[:, H:]) * (1.0 / N)
    mb = jnp.concatenate([m, m], axis=1)
    c = t - mb
    vs = jnp.sum(c * c, axis=0, keepdims=True)
    v = (vs[:, :H] + vs[:, H:]) * (1.0 / N)
    vb = jnp.concatenate([v, v], axis=1)
    h = jnp.maximum(c * lax.rsqrt(vb + 1e-5) * g_ref[...] + be_ref[...], 0.0)
    yn_ref[...] = jnp.dot(
        h, w_ref[...], preferred_element_type=jnp.float32) * dinv


def _tc_fc_body(acc_ref, y_ref, dinv_ref, b_ref, fcw_ref, fcb_ref, out_ref):
    t = ((acc_ref[0, :NF] + acc_ref[1, :NF] + y_ref[...]) * dinv_ref[...]
         + b_ref[...])
    h = jnp.maximum(t, 0.0)
    out_ref[...] = jnp.dot(
        h, fcw_ref[...], preferred_element_type=jnp.float32) + fcb_ref[...]


_tc_mm = pl.pallas_call(
    _tc_mm_body,
    out_shape=jax.ShapeDtypeStruct((N, H), jnp.float32),
)

_tc_bn = pl.pallas_call(
    _tc_bn_body,
    out_shape=jax.ShapeDtypeStruct((NF, 2 * H), jnp.float32),
)

_tc_fc = pl.pallas_call(
    _tc_fc_body,
    out_shape=jax.ShapeDtypeStruct((NF, 4), jnp.float32),
)


def _dup(p):
    return jnp.concatenate([p.reshape(1, -1), p.reshape(1, -1)], axis=1)


def _blockdiag(w):
    k, m = w.shape
    z = jnp.zeros((k, m), w.dtype)
    return jnp.concatenate(
        [jnp.concatenate([w, z], axis=1), jnp.concatenate([z, w], axis=1)],
        axis=0)


def kernel(x, edge_index, edge_attr, W1, b1, W2, b2, W3, b3, g1, be1, g2, be2,
           fcW, fcb):
    pad = E_PAD - E
    pad_src = jnp.arange(pad, dtype=jnp.int32) % N
    pad_dst = N + jnp.arange(pad, dtype=jnp.int32) % (N_PAD - N)
    dst2d = jnp.concatenate([edge_index[1].astype(jnp.int32),
                             pad_dst]).reshape(NCHUNK, CH)

    ones1 = jnp.ones((CH, 8), jnp.float32)
    zeros1 = jnp.zeros((RPT, 8), jnp.float32)
    zerosH = jnp.zeros((RPT, H), jnp.float32)

    cnt = _sc_degree(dst2d, ones1, zeros1)
    xw1 = _tc_mm(x, W1)
    src2d = jnp.concatenate([edge_index[0].astype(jnp.int32),
                             pad_src]).reshape(NCHUNK, CH)

    dinv = lax.rsqrt(cnt[0, :N, 0:1] + cnt[1, :N, 0:1] + 1.0)
    dinv_f = jnp.broadcast_to(dinv.reshape(NF, 2, 1),
                              (NF, 2, H)).reshape(NF, 2 * H)
    y1_f = (xw1 * dinv).reshape(NF, 2 * H)

    W2d, W3d = _blockdiag(W2), _blockdiag(W3)
    fcWd = _blockdiag(fcW)

    acc1 = _sc_scatter(y1_f.reshape(N, H), src2d, dst2d, zerosH)
    y2_f = _tc_bn(acc1.reshape(NC, N_PAD // 2, 2 * H), y1_f, dinv_f,
                  _dup(b1), _dup(g1), _dup(be1), W2d)
    acc2 = _sc_scatter(y2_f.reshape(N, H), src2d, dst2d, zerosH)
    y3_f = _tc_bn(acc2.reshape(NC, N_PAD // 2, 2 * H), y2_f, dinv_f,
                  _dup(b2), _dup(g2), _dup(be2), W3d)
    acc3 = _sc_scatter(y3_f.reshape(N, H), src2d, dst2d, zerosH)
    out_f = _tc_fc(acc3.reshape(NC, N_PAD // 2, 2 * H), y3_f, dinv_f,
                   _dup(b3), fcWd, _dup(fcb))
    return out_f.reshape(N, 2)

# --- scband reference (transcript-rebuilt; emitter-appended) ---
"""Pipeline reference for scband-temporal-gnn-30365418783390 (READ-ONLY COPY).

The authoritative reference and input builder live on the scoring server;
editing this copy changes nothing except your own understanding.
"""

import jax, jax.numpy as jnp
import numpy as np

N = 10000
E = 320000
D = 128
H = 64
C = 2


def setup_inputs(seed: int = 0) -> dict:
    key = jax.random.key(seed)
    ks = jax.random.split(key, 18)
    x = jax.random.normal(ks[0], (N, D), dtype=jnp.float32)
    edge_index = jax.random.randint(ks[1], (2, E), 0, N)
    edge_attr = jax.random.normal(ks[2], (E, 4), dtype=jnp.float32)
    W1 = jax.random.normal(ks[3], (D, H), dtype=jnp.float32) * (1.0 / np.sqrt(D))
    b1 = jnp.zeros((H,), dtype=jnp.float32)
    W2 = jax.random.normal(ks[4], (H, H), dtype=jnp.float32) * (1.0 / np.sqrt(H))
    b2 = jnp.zeros((H,), dtype=jnp.float32)
    W3 = jax.random.normal(ks[5], (H, H), dtype=jnp.float32) * (1.0 / np.sqrt(H))
    b3 = jnp.zeros((H,), dtype=jnp.float32)
    g1 = jnp.ones((H,), dtype=jnp.float32)
    be1 = jnp.zeros((H,), dtype=jnp.float32)
    g2 = jnp.ones((H,), dtype=jnp.float32)
    be2 = jnp.zeros((H,), dtype=jnp.float32)
    fcW = jax.random.normal(ks[6], (H, C), dtype=jnp.float32) * (1.0 / np.sqrt(H))
    fcb = jnp.zeros((C,), dtype=jnp.float32)
    return {"x": x, "edge_index": edge_index, "edge_attr": edge_attr,
            "W1": W1, "b1": b1, "W2": W2, "b2": b2, "W3": W3, "b3": b3,
            "g1": g1, "be1": be1, "g2": g2, "be2": be2, "fcW": fcW, "fcb": fcb}


def _gcn_conv(x, src, dst, W, b):
    n = x.shape[0]
    xw = x @ W
    ones = jnp.ones(src.shape[0], dtype=xw.dtype)
    deg = jax.ops.segment_sum(ones, dst, num_segments=n)
    dinv = jnp.where(deg > 0, jax.lax.rsqrt(jnp.maximum(deg, 1e-12)), 0.0)
    norm = dinv[src] * dinv[dst]
    msg = xw[src] * norm[:, None]
    out = jax.ops.segment_sum(msg, dst, num_segments=n)
    return out + b


def _batchnorm(x, gamma, beta, eps=1e-5):
    mean = jnp.mean(x, axis=0)
    var = jnp.var(x, axis=0)
    return (x - mean) * jax.lax.rsqrt(var + eps) * gamma + beta


def reference(x, edge_index, edge_attr, W1, b1, W2, b2, W3, b3, g1, be1, g2, be2, fcW, fcb):
    # edge_attr is carried by the data object but unused by this forward.
    n = x.shape[0]
    loops = jnp.arange(n, dtype=edge_index.dtype)
    src = jnp.concatenate([edge_index[0], loops])
    dst = jnp.concatenate([edge_index[1], loops])
    h = _gcn_conv(x, src, dst, W1, b1)
    h = _batchnorm(h, g1, be1)
    h = jax.nn.relu(h)
    h = _gcn_conv(h, src, dst, W2, b2)
    h = _batchnorm(h, g2, be2)
    h = jax.nn.relu(h)
    h = _gcn_conv(h, src, dst, W3, b3)
    h = jax.nn.relu(h)
    return h @ fcW + fcb

if __name__ == "__main__":
    import jax
    _d = setup_inputs()
    print(jax.jit(kernel)(*tuple(_d.values())))

</pallas_src>

<mosaic_0001>
#map = affine_map<(d0, d1) -> (0, 0)>
#map1 = affine_map<(d0, d1) -> (0, 0, 0)>
module attributes {stable_mosaic.version = 14 : i64} {
  func.func @_sc_scatter(%arg0: i32, %arg1: i32, %arg2: memref<10000x64xf32, #tpu.memory_space<hbm>>, %arg3: memref<2560x128xi32, #tpu.memory_space<hbm>>, %arg4: memref<2560x128xi32, #tpu.memory_space<hbm>>, %arg5: memref<640x64xf32, #tpu.memory_space<hbm>>, %arg6: memref<2x10240x64xf32, #tpu.memory_space<hbm>>, %arg7: memref<80x128xi32, #tpu.memory_space<vmem>>, %arg8: memref<80x128xi32, #tpu.memory_space<vmem>>, %arg9: memref<128x64xf32, #tpu.memory_space<vmem>>, %arg10: memref<128x64xf32, #tpu.memory_space<vmem>>, %arg11: memref<128x64xf32, #tpu.memory_space<vmem>>, %arg12: memref<128x64xf32, #tpu.memory_space<vmem>>, %arg13: memref<128x64xf32, #tpu.memory_space<vmem>>, %arg14: memref<128x64xf32, #tpu.memory_space<vmem>>, %arg15: memref<128x64xf32, #tpu.memory_space<vmem>>, %arg16: memref<128x64xf32, #tpu.memory_space<vmem>>, %arg17: memref<10240x64xf32, #tpu.memory_space<vmem_shared>>, %arg18: memref<!tpu.dma_semaphore, #tpu.memory_space<semaphore_mem>>, %arg19: memref<!tpu.dma_semaphore, #tpu.memory_space<semaphore_mem>>, %arg20: memref<!tpu.dma_semaphore, #tpu.memory_space<semaphore_mem>>, %arg21: memref<!tpu.dma_semaphore, #tpu.memory_space<semaphore_mem>>, %arg22: memref<!tpu.dma_semaphore, #tpu.memory_space<semaphore_mem>>, %arg23: memref<!tpu.dma_semaphore, #tpu.memory_space<semaphore_mem>>, %arg24: memref<!tpu.dma_semaphore, #tpu.memory_space<semaphore_mem>>, %arg25: memref<!tpu.dma_semaphore, #tpu.memory_space<semaphore_mem>>) attributes {dimension_semantics = [#tpu.dimension_semantics<core_parallel>, #tpu.dimension_semantics<subcore_parallel>], iteration_bounds = array<i64: 2, 16>, scalar_prefetch = 0 : i64, scratch_operands = 19 : i64, tpu.core_type = #tpu.core_type<sc_vector_subcore>, window_params = [{transform_indices = #map}, {transform_indices = #map}, {transform_indices = #map}, {transform_indices = #map}, {transform_indices = #map1}]} {
    %mul3A = arith.constant 16 : i32
    %mul3A_0 = arith.muli %arg0, %mul3A : i32
    %add3A = arith.addi %mul3A_0, %arg1 : i32
    %mul3A_1 = arith.constant 640 : i32
    %mul3A_2 = arith.muli %arg1, %mul3A_1 : i32
    "tpu.region"() ({
      %run_scoped3A = tpu.sem_alloc : memref<!tpu.dma_semaphore, #tpu.memory_space<semaphore_mem>>
      %dma_start3A_72 = arith.constant 0 : i32
      %dma_start3A_73 = tpu.memref_slice %arg17[%mul3A_2, %dma_start3A_72] : memref<10240x64xf32, #tpu.memory_space<vmem_shared>> -> memref<640x64xf32, #tpu.memory_space<vmem_shared>>
      tpu.enqueue_dma source(%arg5 : memref<640x64xf32, #tpu.memory_space<hbm>>) target(%dma_start3A_73 : memref<640x64xf32, #tpu.memory_space<vmem_shared>>) target_semaphore(%run_scoped3A : memref<!tpu.dma_semaphore, #tpu.memory_space<semaphore_mem>>)
      %dma_wait3A = arith.constant 0 : i32
      %dma_wait3A_74 = tpu.memref_slice %arg17[%mul3A_2, %dma_wait3A] : memref<10240x64xf32, #tpu.memory_space<vmem_shared>> -> memref<640x64xf32, #tpu.memory_space<vmem_shared>>
      tpu.wait_dma2 semaphore(%run_scoped3A : memref<!tpu.dma_semaphore, #tpu.memory_space<semaphore_mem>>) src(%arg5 : memref<640x64xf32, #tpu.memory_space<hbm>>) dst(%dma_wait3A_74 : memref<640x64xf32, #tpu.memory_space<vmem_shared>>)
      tpu.yield
    }) : () -> ()
    %mul3A_3 = arith.constant 80 : i32
    %mul3A_4 = arith.muli %add3A, %mul3A_3 : i32
    "tpu.region"() ({
      %run_scoped3A = tpu.sem_alloc : memref<!tpu.dma_semaphore, #tpu.memory_space<semaphore_mem>>
      %dma_start3A_72 = arith.constant 0 : i32
      %dma_start3A_73 = tpu.memref_slice %arg3[%mul3A_4, %dma_start3A_72] : memref<2560x128xi32, #tpu.memory_space<hbm>> -> memref<80x128xi32, #tpu.memory_space<hbm>>
      %dma_start3A_74 = arith.constant 0 : i32
      %dma_start3A_75 = tpu.memref_slice %arg3[%mul3A_4, %dma_start3A_74] : memref<2560x128xi32, #tpu.memory_space<hbm>> -> memref<80x128xi32, #tpu.memory_space<hbm>>
      tpu.enqueue_dma source(%dma_start3A_75 : memref<80x128xi32, #tpu.memory_space<hbm>>) target(%arg7 : memref<80x128xi32, #tpu.memory_space<vmem>>) target_semaphore(%run_scoped3A : memref<!tpu.dma_semaphore, #tpu.memory_space<semaphore_mem>>)
      %dma_wait3A = arith.constant 0 : i32
      %dma_wait3A_76 = tpu.memref_slice %arg3[%mul3A_4, %dma_wait3A] : memref<2560x128xi32, #tpu.memory_space<hbm>> -> memref<80x128xi32, #tpu.memory_space<hbm>>
      %dma_wait3A_77 = arith.constant 0 : i32
      %dma_wait3A_78 = tpu.memref_slice %arg3[%mul3A_4, %dma_wait3A_77] : memref<2560x128xi32, #tpu.memory_space<hbm>> -> memref<80x128xi32, #tpu.memory_space<hbm>>
      tpu.wait_dma2 semaphore(%run_scoped3A : memref<!tpu.dma_semaphore, #tpu.memory_space<semaphore_mem>>) src(%dma_wait3A_78 : memref<80x128xi32, #tpu.memory_space<hbm>>) dst(%arg7 : memref<80x128xi32, #tpu.memory_space<vmem>>)
      tpu.yield
    }) : () -> ()
    %mul3A_5 = arith.constant 80 : i32
    %mul3A_6 = arith.muli %add3A, %mul3A_5 : i32
    "tpu.region"() ({
      %run_scoped3A = tpu.sem_alloc : memref<!tpu.dma_semaphore, #tpu.memory_space<semaphore_mem>>
      %dma_start3A_72 = arith.constant 0 : i32
      %dma_start3A_73 = tpu.memref_slice %arg4[%mul3A_6, %dma_start3A_72] : memref<2560x128xi32, #tpu.memory_space<hbm>> -> memref<80x128xi32, #tpu.memory_space<hbm>>
      %dma_start3A_74 = arith.constant 0 : i32
      %dma_start3A_75 = tpu.memref_slice %arg4[%mul3A_6, %dma_start3A_74] : memref<2560x128xi32, #tpu.memory_space<hbm>> -> memref<80x128xi32, #tpu.memory_space<hbm>>
      tpu.enqueue_dma source(%dma_start3A_75 : memref<80x128xi32, #tpu.memory_space<hbm>>) target(%arg8 : memref<80x128xi32, #tpu.memory_space<vmem>>) target_semaphore(%run_scoped3A : memref<!tpu.dma_semaphore, #tpu.memory_space<semaphore_mem>>)
      %dma_wait3A = arith.constant 0 : i32
      %dma_wait3A_76 = tpu.memref_slice %arg4[%mul3A_6, %dma_wait3A] : memref<2560x128xi32, #tpu.memory_space<hbm>> -> memref<80x128xi32, #tpu.memory_space<hbm>>
      %dma_wait3A_77 = arith.constant 0 : i32
      %dma_wait3A_78 = tpu.memref_slice %arg4[%mul3A_6, %dma_wait3A_77] : memref<2560x128xi32, #tpu.memory_space<hbm>> -> memref<80x128xi32, #tpu.memory_space<hbm>>
      tpu.wait_dma2 semaphore(%run_scoped3A : memref<!tpu.dma_semaphore, #tpu.memory_space<semaphore_mem>>) src(%dma_wait3A_78 : memref<80x128xi32, #tpu.memory_space<hbm>>) dst(%arg8 : memref<80x128xi32, #tpu.memory_space<vmem>>)
      tpu.yield
    }) : () -> ()
    %barrier3A = arith.constant 0 : index
    tpu.barrier barrier_id(%barrier3A)
    %dma_start3A = arith.constant 0 : i32
    %dma_start3A_7 = arith.constant 0 : i32
    %dma_start3A_8 = tpu.memref_slice %arg7[%dma_start3A, %dma_start3A_7] : memref<80x128xi32, #tpu.memory_space<vmem>> -> memref<1x128xi32, #tpu.memory_space<vmem>>
    %dma_start3A_9 = tpu.memref_squeeze %dma_start3A_8 : memref<1x128xi32, #tpu.memory_space<vmem>> -> memref<128xi32, #tpu.memory_space<vmem>>
    %dma_start3A_10 = arith.constant 0 : i32
    %dma_start3A_11 = arith.constant 0 : i32
    %dma_start3A_12 = tpu.memref_slice %arg2[%dma_start3A_10, %dma_start3A_11] : memref<10000x64xf32, #tpu.memory_space<hbm>> -> memref<10000x64xf32, #tpu.memory_space<hbm>>
    tpu.enqueue_indirect_dma source(%dma_start3A_12 : memref<10000x64xf32, #tpu.memory_space<hbm>>) target(%arg9 : memref<128x64xf32, #tpu.memory_space<vmem>>) offsets(%dma_start3A_9 : memref<128xi32, #tpu.memory_space<vmem>>) semaphore(%arg18 : memref<!tpu.dma_semaphore, #tpu.memory_space<semaphore_mem>>)
    %dma_start3A_13 = arith.constant 1 : i32
    %dma_start3A_14 = arith.constant 0 : i32
    %dma_start3A_15 = tpu.memref_slice %arg7[%dma_start3A_13, %dma_start3A_14] : memref<80x128xi32, #tpu.memory_space<vmem>> -> memref<1x128xi32, #tpu.memory_space<vmem>>
    %dma_start3A_16 = tpu.memref_squeeze %dma_start3A_15 : memref<1x128xi32, #tpu.memory_space<vmem>> -> memref<128xi32, #tpu.memory_space<vmem>>
    %dma_start3A_17 = arith.constant 0 : i32
    %dma_start3A_18 = arith.constant 0 : i32
    %dma_start3A_19 = tpu.memref_slice %arg2[%dma_start3A_17, %dma_start3A_18] : memref<10000x64xf32, #tpu.memory_space<hbm>> -> memref<10000x64xf32, #tpu.memory_space<hbm>>
    tpu.enqueue_indirect_dma source(%dma_start3A_19 : memref<10000x64xf32, #tpu.memory_space<hbm>>) target(%arg10 : memref<128x64xf32, #tpu.memory_space<vmem>>) offsets(%dma_start3A_16 : memref<128xi32, #tpu.memory_space<vmem>>) semaphore(%arg19 : memref<!tpu.dma_semaphore, #tpu.memory_space<semaphore_mem>>)
    %dma_start3A_20 = arith.constant 2 : i32
    %dma_start3A_21 = arith.constant 0 : i32
    %dma_start3A_22 = tpu.memref_slice %arg7[%dma_start3A_20, %dma_start3A_21] : memref<80x128xi32, #tpu.memory_space<vmem>> -> memref<1x128xi32, #tpu.memory_space<vmem>>
    %dma_start3A_23 = tpu.memref_squeeze %dma_start3A_22 : memref<1x128xi32, #tpu.memory_space<vmem>> -> memref<128xi32, #tpu.memory_space<vmem>>
    %dma_start3A_24 = arith.constant 0 : i32
    %dma_start3A_25 = arith.constant 0 : i32
    %dma_start3A_26 = tpu.memref_slice %arg2[%dma_start3A_24, %dma_start3A_25] : memref<10000x64xf32, #tpu.memory_space<hbm>> -> memref<10000x64xf32, #tpu.memory_space<hbm>>
    tpu.enqueue_indirect_dma source(%dma_start3A_26 : memref<10000x64xf32, #tpu.memory_space<hbm>>) target(%arg11 : memref<128x64xf32, #tpu.memory_space<vmem>>) offsets(%dma_start3A_23 : memref<128xi32, #tpu.memory_space<vmem>>) semaphore(%arg20 : memref<!tpu.dma_semaphore, #tpu.memory_space<semaphore_mem>>)
    %dma_start3A_27 = arith.constant 3 : i32
    %dma_start3A_28 = arith.constant 0 : i32
    %dma_start3A_29 = tpu.memref_slice %arg7[%dma_start3A_27, %dma_start3A_28] : memref<80x128xi32, #tpu.memory_space<vmem>> -> memref<1x128xi32, #tpu.memory_space<vmem>>
    %dma_start3A_30 = tpu.memref_squeeze %dma_start3A_29 : memref<1x128xi32, #tpu.memory_space<vmem>> -> memref<128xi32, #tpu.memory_space<vmem>>
    %dma_start3A_31 = arith.constant 0 : i32
    %dma_start3A_32 = arith.constant 0 : i32
    %dma_start3A_33 = tpu.memref_slice %arg2[%dma_start3A_31, %dma_start3A_32] : memref<10000x64xf32, #tpu.memory_space<hbm>> -> memref<10000x64xf32, #tpu.memory_space<hbm>>
    tpu.enqueue_indirect_dma source(%dma_start3A_33 : memref<10000x64xf32, #tpu.memory_space<hbm>>) target(%arg12 : memref<128x64xf32, #tpu.memory_space<vmem>>) offsets(%dma_start3A_30 : memref<128xi32, #tpu.memory_space<vmem>>) semaphore(%arg21 : memref<!tpu.dma_semaphore, #tpu.memory_space<semaphore_mem>>)
    %dma_start3A_34 = arith.constant 4 : i32
    %dma_start3A_35 = arith.constant 0 : i32
    %dma_start3A_36 = tpu.memref_slice %arg7[%dma_start3A_34, %dma_start3A_35] : memref<80x128xi32, #tpu.memory_space<vmem>> -> memref<1x128xi32, #tpu.memory_space<vmem>>
    %dma_start3A_37 = tpu.memref_squeeze %dma_start3A_36 : memref<1x128xi32, #tpu.memory_space<vmem>> -> memref<128xi32, #tpu.memory_space<vmem>>
    %dma_start3A_38 = arith.constant 0 : i32
    %dma_start3A_39 = arith.constant 0 : i32
    %dma_start3A_40 = tpu.memref_slice %arg2[%dma_start3A_38, %dma_start3A_39] : memref<10000x64xf32, #tpu.memory_space<hbm>> -> memref<10000x64xf32, #tpu.memory_space<hbm>>
    tpu.enqueue_indirect_dma source(%dma_start3A_40 : memref<10000x64xf32, #tpu.memory_space<hbm>>) target(%arg13 : memref<128x64xf32, #tpu.memory_space<vmem>>) offsets(%dma_start3A_37 : memref<128xi32, #tpu.memory_space<vmem>>) semaphore(%arg22 : memref<!tpu.dma_semaphore, #tpu.memory_space<semaphore_mem>>)
    %dma_start3A_41 = arith.constant 5 : i32
    %dma_start3A_42 = arith.constant 0 : i32
    %dma_start3A_43 = tpu.memref_slice %arg7[%dma_start3A_41, %dma_start3A_42] : memref<80x128xi32, #tpu.memory_space<vmem>> -> memref<1x128xi32, #tpu.memory_space<vmem>>
    %dma_start3A_44 = tpu.memref_squeeze %dma_start3A_43 : memref<1x128xi32, #tpu.memory_space<vmem>> -> memref<128xi32, #tpu.memory_space<vmem>>
    %dma_start3A_45 = arith.constant 0 : i32
    %dma_start3A_46 = arith.constant 0 : i32
    %dma_start3A_47 = tpu.memref_slice %arg2[%dma_start3A_45, %dma_start3A_46] : memref<10000x64xf32, #tpu.memory_space<hbm>> -> memref<10000x64xf32, #tpu.memory_space<hbm>>
    tpu.enqueue_indirect_dma source(%dma_start3A_47 : memref<10000x64xf32, #tpu.memory_space<hbm>>) target(%arg14 : memref<128x64xf32, #tpu.memory_space<vmem>>) offsets(%dma_start3A_44 : memref<128xi32, #tpu.memory_space<vmem>>) semaphore(%arg23 : memref<!tpu.dma_semaphore, #tpu.memory_space<semaphore_mem>>)
    %dma_start3A_48 = arith.constant 6 : i32
    %dma_start3A_49 = arith.constant 0 : i32
    %dma_start3A_50 = tpu.memref_slice %arg7[%dma_start3A_48, %dma_start3A_49] : memref<80x128xi32, #tpu.memory_space<vmem>> -> memref<1x128xi32, #tpu.memory_space<vmem>>
    %dma_start3A_51 = tpu.memref_squeeze %dma_start3A_50 : memref<1x128xi32, #tpu.memory_space<vmem>> -> memref<128xi32, #tpu.memory_space<vmem>>
    %dma_start3A_52 = arith.constant 0 : i32
    %dma_start3A_53 = arith.constant 0 : i32
    %dma_start3A_54 = tpu.memref_slice %arg2[%dma_start3A_52, %dma_start3A_53] : memref<10000x64xf32, #tpu.memory_space<hbm>> -> memref<10000x64xf32, #tpu.memory_space<hbm>>
    tpu.enqueue_indirect_dma source(%dma_start3A_54 : memref<10000x64xf32, #tpu.memory_space<hbm>>) target(%arg15 : memref<128x64xf32, #tpu.memory_space<vmem>>) offsets(%dma_start3A_51 : memref<128xi32, #tpu.memory_space<vmem>>) semaphore(%arg24 : memref<!tpu.dma_semaphore, #tpu.memory_space<semaphore_mem>>)
    %dma_start3A_55 = arith.constant 7 : i32
    %dma_start3A_56 = arith.constant 0 : i32
    %dma_start3A_57 = tpu.memref_slice %arg7[%dma_start3A_55, %dma_start3A_56] : memref<80x128xi32, #tpu.memory_space<vmem>> -> memref<1x128xi32, #tpu.memory_space<vmem>>
    %dma_start3A_58 = tpu.memref_squeeze %dma_start3A_57 : memref<1x128xi32, #tpu.memory_space<vmem>> -> memref<128xi32, #tpu.memory_space<vmem>>
    %dma_start3A_59 = arith.constant 0 : i32
    %dma_start3A_60 = arith.constant 0 : i32
    %dma_start3A_61 = tpu.memref_slice %arg2[%dma_start3A_59, %dma_start3A_60] : memref<10000x64xf32, #tpu.memory_space<hbm>> -> memref<10000x64xf32, #tpu.memory_space<hbm>>
    tpu.enqueue_indirect_dma source(%dma_start3A_61 : memref<10000x64xf32, #tpu.memory_space<hbm>>) target(%arg16 : memref<128x64xf32, #tpu.memory_space<vmem>>) offsets(%dma_start3A_58 : memref<128xi32, #tpu.memory_space<vmem>>) semaphore(%arg25 : memref<!tpu.dma_semaphore, #tpu.memory_space<semaphore_mem>>)
    %scan3A = arith.constant 0 : i32
    %scan3A_62 = arith.constant 0 : i32
    %scan3A_63 = arith.constant 10 : i32
    %scan3A_64 = arith.addi %scan3A_62, %scan3A_63 : i32
    %scan3A_65 = arith.constant 1 : i32
    scf.for %scan3A_72 = %scan3A_62 to %scan3A_64 step %scan3A_65  : i32 {
      %mul3A_73 = arith.constant 8 : i32
      %mul3A_74 = arith.muli %scan3A_72, %mul3A_73 : i32
      %add3A_75 = arith.constant 0 : i32
      %add3A_76 = arith.addi %mul3A_74, %add3A_75 : i32
      %dma_wait3A = arith.constant 0 : i32
      %dma_wait3A_77 = tpu.memref_slice %arg7[%add3A_76, %dma_wait3A] : memref<80x128xi32, #tpu.memory_space<vmem>> -> memref<1x128xi32, #tpu.memory_space<vmem>>
      %dma_wait3A_78 = tpu.memref_squeeze %dma_wait3A_77 : memref<1x128xi32, #tpu.memory_space<vmem>> -> memref<128xi32, #tpu.memory_space<vmem>>
      %dma_wait3A_79 = arith.constant 0 : i32
      %dma_wait3A_80 = arith.constant 0 : i32
      %dma_wait3A_81 = tpu.memref_slice %arg2[%dma_wait3A_79, %dma_wait3A_80] : memref<10000x64xf32, #tpu.memory_space<hbm>> -> memref<10000x64xf32, #tpu.memory_space<hbm>>
      tpu.wait_indirect_dma semaphore(%arg18 : memref<!tpu.dma_semaphore, #tpu.memory_space<semaphore_mem>>) src(%dma_wait3A_81 : memref<10000x64xf32, #tpu.memory_space<hbm>>) dst(%arg9 : memref<128x64xf32, #tpu.memory_space<vmem>>)
      "tpu.region"() ({
        %run_scoped3A = tpu.sem_alloc : memref<!tpu.dma_semaphore, #tpu.memory_space<semaphore_mem>>
        %dma_start3A_189 = arith.constant 0 : i32
        %dma_start3A_190 = tpu.memref_slice %arg8[%add3A_76, %dma_start3A_189] : memref<80x128xi32, #tpu.memory_space<vmem>> -> memref<1x128xi32, #tpu.memory_space<vmem>>
        %dma_start3A_191 = tpu.memref_squeeze %dma_start3A_190 : memref<1x128xi32, #tpu.memory_space<vmem>> -> memref<128xi32, #tpu.memory_space<vmem>>
        %dma_start3A_192 = arith.constant 0 : i32
        %dma_start3A_193 = arith.constant 0 : i32
        %dma_start3A_194 = tpu.memref_slice %arg17[%dma_start3A_192, %dma_start3A_193] : memref<10240x64xf32, #tpu.memory_space<vmem_shared>> -> memref<10240x64xf32, #tpu.memory_space<vmem_shared>>
        tpu.enqueue_indirect_dma source(%arg9 : memref<128x64xf32, #tpu.memory_space<vmem>>) target(%dma_start3A_194 : memref<10240x64xf32, #tpu.memory_space<vmem_shared>>) offsets(%dma_start3A_191 : memref<128xi32, #tpu.memory_space<vmem>>) semaphore(%run_scoped3A : memref<!tpu.dma_semaphore, #tpu.memory_space<semaphore_mem>>) {add = true}
        %dma_wait3A_195 = arith.constant 0 : i32
        %dma_wait3A_196 = tpu.memref_slice %arg8[%add3A_76, %dma_wait3A_195] : memref<80x128xi32, #tpu.memory_space<vmem>> -> memref<1x128xi32, #tpu.memory_space<vmem>>
        %dma_wait3A_197 = tpu.memref_squeeze %dma_wait3A_196 : memref<1x128xi32, #tpu.memory_space<vmem>> -> memref<128xi32, #tpu.memory_space<vmem>>
        %dma_wait3A_198 = arith.constant 0 : i32
        %dma_wait3A_199 = arith.constant 0 : i32
        %dma_wait3A_200 = tpu.memref_slice %arg17[%dma_wait3A_198, %dma_wait3A_199] : memref<10240x64xf32, #tpu.memory_space<vmem_shared>> -> memref<10240x64xf32, #tpu.memory_space<vmem_shared>>
        tpu.wait_indirect_dma semaphore(%run_scoped3A : memref<!tpu.dma_semaphore, #tpu.memory_space<semaphore_mem>>) src(%arg9 : memref<128x64xf32, #tpu.memory_space<vmem>>) dst(%dma_wait3A_200 : memref<10240x64xf32, #tpu.memory_space<vmem_shared>>)
        tpu.yield
      }) : () -> ()
      %lt3A = arith.constant 9 : i32
      %lt3A_82 = arith.cmpi slt, %scan3A_72, %lt3A : i32
      %convert_element_type3A = arith.extui %lt3A_82 : i1 to i32
      %cond3A = arith.constant 0 : i32
      %cond3A_83 = arith.cmpi ne, %convert_element_type3A, %cond3A : i32
      scf.if %cond3A_83 {
        %add3A_189 = arith.constant 8 : i32
        %add3A_190 = arith.addi %add3A_76, %add3A_189 : i32
        %dma_start3A_191 = arith.constant 0 : i32
        %dma_start3A_192 = tpu.memref_slice %arg7[%add3A_190, %dma_start3A_191] : memref<80x128xi32, #tpu.memory_space<vmem>> -> memref<1x128xi32, #tpu.memory_space<vmem>>
        %dma_start3A_193 = tpu.memref_squeeze %dma_start3A_192 : memref<1x128xi32, #tpu.memory_space<vmem>> -> memref<128xi32, #tpu.memory_space<vmem>>
        %dma_start3A_194 = arith.constant 0 : i32
        %dma_start3A_195 = arith.constant 0 : i32
        %dma_start3A_196 = tpu.memref_slice %arg2[%dma_start3A_194, %dma_start3A_195] : memref<10000x64xf32, #tpu.memory_space<hbm>> -> memref<10000x64xf32, #tpu.memory_space<hbm>>
        tpu.enqueue_indirect_dma source(%dma_start3A_196 : memref<10000x64xf32, #tpu.memory_space<hbm>>) target(%arg9 : memref<128x64xf32, #tpu.memory_space<vmem>>) offsets(%dma_start3A_193 : memref<128xi32, #tpu.memory_space<vmem>>) semaphore(%arg18 : memref<!tpu.dma_semaphore, #tpu.memory_space<semaphore_mem>>)
      } else {
      }
      %mul3A_84 = arith.constant 8 : i32
      %mul3A_85 = arith.muli %scan3A_72, %mul3A_84 : i32
      %add3A_86 = arith.constant 1 : i32
      %add3A_87 = arith.addi %mul3A_85, %add3A_86 : i32
      %dma_wait3A_88 = arith.constant 0 : i32
      %dma_wait3A_89 = tpu.memref_slice %arg7[%add3A_87, %dma_wait3A_88] : memref<80x128xi32, #tpu.memory_space<vmem>> -> memref<1x128xi32, #tpu.memory_space<vmem>>
      %dma_wait3A_90 = tpu.memref_squeeze %dma_wait3A_89 : memref<1x128xi32, #tpu.memory_space<vmem>> -> memref<128xi32, #tpu.memory_space<vmem>>
      %dma_wait3A_91 = arith.constant 0 : i32
      %dma_wait3A_92 = arith.constant 0 : i32
      %dma_wait3A_93 = tpu.memref_slice %arg2[%dma_wait3A_91, %dma_wait3A_92] : memref<10000x64xf32, #tpu.memory_space<hbm>> -> memref<10000x64xf32, #tpu.memory_space<hbm>>
      tpu.wait_indirect_dma semaphore(%arg19 : memref<!tpu.dma_semaphore, #tpu.memory_space<semaphore_mem>>) src(%dma_wait3A_93 : memref<10000x64xf32, #tpu.memory_space<hbm>>) dst(%arg10 : memref<128x64xf32, #tpu.memory_space<vmem>>)
      "tpu.region"() ({
        %run_scoped3A = tpu.sem_alloc : memref<!tpu.dma_semaphore, #tpu.memory_space<semaphore_mem>>
        %dma_start3A_189 = arith.constant 0 : i32
        %dma_start3A_190 = tpu.memref_slice %arg8[%add3A_87, %dma_start3A_189] : memref<80x128xi32, #tpu.memory_space<vmem>> -> memref<1x128xi32, #tpu.memory_space<vmem>>
        %dma_start3A_191 = tpu.memref_squeeze %dma_start3A_190 : memref<1x128xi32, #tpu.memory_space<vmem>> -> memref<128xi32, #tpu.memory_space<vmem>>
        %dma_start3A_192 = arith.constant 0 : i32
        %dma_start3A_193 = arith.constant 0 : i32
        %dma_start3A_194 = tpu.memref_slice %arg17[%dma_start3A_192, %dma_start3A_193] : memref<10240x64xf32, #tpu.memory_space<vmem_shared>> -> memref<10240x64xf32, #tpu.memory_space<vmem_shared>>
        tpu.enqueue_indirect_dma source(%arg10 : memref<128x64xf32, #tpu.memory_space<vmem>>) target(%dma_start3A_194 : memref<10240x64xf32, #tpu.memory_space<vmem_shared>>) offsets(%dma_start3A_191 : memref<128xi32, #tpu.memory_space<vmem>>) semaphore(%run_scoped3A : memref<!tpu.dma_semaphore, #tpu.memory_space<semaphore_mem>>) {add = true}
        %dma_wait3A_195 = arith.constant 0 : i32
        %dma_wait3A_196 = tpu.memref_slice %arg8[%add3A_87, %dma_wait3A_195] : memref<80x128xi32, #tpu.memory_space<vmem>> -> memref<1x128xi32, #tpu.memory_space<vmem>>
        %dma_wait3A_197 = tpu.memref_squeeze %dma_wait3A_196 : memref<1x128xi32, #tpu.memory_space<vmem>> -> memref<128xi32, #tpu.memory_space<vmem>>
        %dma_wait3A_198 = arith.constant 0 : i32
        %dma_wait3A_199 = arith.constant 0 : i32
        %dma_wait3A_200 = tpu.memref_slice %arg17[%dma_wait3A_198, %dma_wait3A_199] : memref<10240x64xf32, #tpu.memory_space<vmem_shared>> -> memref<10240x64xf32, #tpu.memory_space<vmem_shared>>
        tpu.wait_indirect_dma semaphore(%run_scoped3A : memref<!tpu.dma_semaphore, #tpu.memory_space<semaphore_mem>>) src(%arg10 : memref<128x64xf32, #tpu.memory_space<vmem>>) dst(%dma_wait3A_200 : memref<10240x64xf32, #tpu.memory_space<vmem_shared>>)
        tpu.yield
      }) : () -> ()
      %lt3A_94 = arith.constant 9 : i32
      %lt3A_95 = arith.cmpi slt, %scan3A_72, %lt3A_94 : i32
      %convert_element_type3A_96 = arith.extui %lt3A_95 : i1 to i32
      %cond3A_97 = arith.constant 0 : i32
      %cond3A_98 = arith.cmpi ne, %convert_element_type3A_96, %cond3A_97 : i32
      scf.if %cond3A_98 {
        %add3A_189 = arith.constant 8 : i32
        %add3A_190 = arith.addi %add3A_87, %add3A_189 : i32
        %dma_start3A_191 = arith.constant 0 : i32
        %dma_start3A_192 = tpu.memref_slice %arg7[%add3A_190, %dma_start3A_191] : memref<80x128xi32, #tpu.memory_space<vmem>> -> memref<1x128xi32, #tpu.memory_space<vmem>>
        %dma_start3A_193 = tpu.memref_squeeze %dma_start3A_192 : memref<1x128xi32, #tpu.memory_space<vmem>> -> memref<128xi32, #tpu.memory_space<vmem>>
        %dma_start3A_194 = arith.constant 0 : i32
        %dma_start3A_195 = arith.constant 0 : i32
        %dma_start3A_196 = tpu.memref_slice %arg2[%dma_start3A_194, %dma_start3A_195] : memref<10000x64xf32, #tpu.memory_space<hbm>> -> memref<10000x64xf32, #tpu.memory_space<hbm>>
        tpu.enqueue_indirect_dma source(%dma_start3A_196 : memref<10000x64xf32, #tpu.memory_space<hbm>>) target(%arg10 : memref<128x64xf32, #tpu.memory_space<vmem>>) offsets(%dma_start3A_193 : memref<128xi32, #tpu.memory_space<vmem>>) semaphore(%arg19 : memref<!tpu.dma_semaphore, #tpu.memory_space<semaphore_mem>>)
      } else {
      }
      %mul3A_99 = arith.constant 8 : i32
      %mul3A_100 = arith.muli %scan3A_72, %mul3A_99 : i32
      %add3A_101 = arith.constant 2 : i32
      %add3A_102 = arith.addi %mul3A_100, %add3A_101 : i32
      %dma_wait3A_103 = arith.constant 0 : i32
      %dma_wait3A_104 = tpu.memref_slice %arg7[%add3A_102, %dma_wait3A_103] : memref<80x128xi32, #tpu.memory_space<vmem>> -> memref<1x128xi32, #tpu.memory_space<vmem>>
      %dma_wait3A_105 = tpu.memref_squeeze %dma_wait3A_104 : memref<1x128xi32, #tpu.memory_space<vmem>> -> memref<128xi32, #tpu.memory_space<vmem>>
      %dma_wait3A_106 = arith.constant 0 : i32
      %dma_wait3A_107 = arith.constant 0 : i32
      %dma_wait3A_108 = tpu.memref_slice %arg2[%dma_wait3A_106, %dma_wait3A_107] : memref<10000x64xf32, #tpu.memory_space<hbm>> -> memref<10000x64xf32, #tpu.memory_space<hbm>>
      tpu.wait_indirect_dma semaphore(%arg20 : memref<!tpu.dma_semaphore, #tpu.memory_space<semaphore_mem>>) src(%dma_wait3A_108 : memref<10000x64xf32, #tpu.memory_space<hbm>>) dst(%arg11 : memref<128x64xf32, #tpu.memory_space<vmem>>)
      "tpu.region"() ({
        %run_scoped3A = tpu.sem_alloc : memref<!tpu.dma_semaphore, #tpu.memory_space<semaphore_mem>>
        %dma_start3A_189 = arith.constant 0 : i32
        %dma_start3A_190 = tpu.memref_slice %arg8[%add3A_102, %dma_start3A_189] : memref<80x128xi32, #tpu.memory_space<vmem>> -> memref<1x128xi32, #tpu.memory_space<vmem>>
        %dma_start3A_191 = tpu.memref_squeeze %dma_start3A_190 : memref<1x128xi32, #tpu.memory_space<vmem>> -> memref<128xi32, #tpu.memory_space<vmem>>
        %dma_start3A_192 = arith.constant 0 : i32
        %dma_start3A_193 = arith.constant 0 : i32
        %dma_start3A_194 = tpu.memref_slice %arg17[%dma_start3A_192, %dma_start3A_193] : memref<10240x64xf32, #tpu.memory_space<vmem_shared>> -> memref<10240x64xf32, #tpu.memory_space<vmem_shared>>
        tpu.enqueue_indirect_dma source(%arg11 : memref<128x64xf32, #tpu.memory_space<vmem>>) target(%dma_start3A_194 : memref<10240x64xf32, #tpu.memory_space<vmem_shared>>) offsets(%dma_start3A_191 : memref<128xi32, #tpu.memory_space<vmem>>) semaphore(%run_scoped3A : memref<!tpu.dma_semaphore, #tpu.memory_space<semaphore_mem>>) {add = true}
        %dma_wait3A_195 = arith.constant 0 : i32
        %dma_wait3A_196 = tpu.memref_slice %arg8[%add3A_102, %dma_wait3A_195] : memref<80x128xi32, #tpu.memory_space<vmem>> -> memref<1x128xi32, #tpu.memory_space<vmem>>
        %dma_wait3A_197 = tpu.memref_squeeze %dma_wait3A_196 : memref<1x128xi32, #tpu.memory_space<vmem>> -> memref<128xi32, #tpu.memory_space<vmem>>
        %dma_wait3A_198 = arith.constant 0 : i32
        %dma_wait3A_199 = arith.constant 0 : i32
        %dma_wait3A_200 = tpu.memref_slice %arg17[%dma_wait3A_198, %dma_wait3A_199] : memref<10240x64xf32, #tpu.memory_space<vmem_shared>> -> memref<10240x64xf32, #tpu.memory_space<vmem_shared>>
        tpu.wait_indirect_dma semaphore(%run_scoped3A : memref<!tpu.dma_semaphore, #tpu.memory_space<semaphore_mem>>) src(%arg11 : memref<128x64xf32, #tpu.memory_space<vmem>>) dst(%dma_wait3A_200 : memref<10240x64xf32, #tpu.memory_space<vmem_shared>>)
        tpu.yield
      }) : () -> ()
      %lt3A_109 = arith.constant 9 : i32
      %lt3A_110 = arith.cmpi slt, %scan3A_72, %lt3A_109 : i32
      %convert_element_type3A_111 = arith.extui %lt3A_110 : i1 to i32
      %cond3A_112 = arith.constant 0 : i32
      %cond3A_113 = arith.cmpi ne, %convert_element_type3A_111, %cond3A_112 : i32
      scf.if %cond3A_113 {
        %add3A_189 = arith.constant 8 : i32
        %add3A_190 = arith.addi %add3A_102, %add3A_189 : i32
        %dma_start3A_191 = arith.constant 0 : i32
        %dma_start3A_192 = tpu.memref_slice %arg7[%add3A_190, %dma_start3A_191] : memref<80x128xi32, #tpu.memory_space<vmem>> -> memref<1x128xi32, #tpu.memory_space<vmem>>
        %dma_start3A_193 = tpu.memref_squeeze %dma_start3A_192 : memref<1x128xi32, #tpu.memory_space<vmem>> -> memref<128xi32, #tpu.memory_space<vmem>>
        %dma_start3A_194 = arith.constant 0 : i32
        %dma_start3A_195 = arith.constant 0 : i32
        %dma_start3A_196 = tpu.memref_slice %arg2[%dma_start3A_194, %dma_start3A_195] : memref<10000x64xf32, #tpu.memory_space<hbm>> -> memref<10000x64xf32, #tpu.memory_space<hbm>>
        tpu.enqueue_indirect_dma source(%dma_start3A_196 : memref<10000x64xf32, #tpu.memory_space<hbm>>) target(%arg11 : memref<128x64xf32, #tpu.memory_space<vmem>>) offsets(%dma_start3A_193 : memref<128xi32, #tpu.memory_space<vmem>>) semaphore(%arg20 : memref<!tpu.dma_semaphore, #tpu.memory_space<semaphore_mem>>)
      } else {
      }
      %mul3A_114 = arith.constant 8 : i32
      %mul3A_115 = arith.muli %scan3A_72, %mul3A_114 : i32
      %add3A_116 = arith.constant 3 : i32
      %add3A_117 = arith.addi %mul3A_115, %add3A_116 : i32
      %dma_wait3A_118 = arith.constant 0 : i32
      %dma_wait3A_119 = tpu.memref_slice %arg7[%add3A_117, %dma_wait3A_118] : memref<80x128xi32, #tpu.memory_space<vmem>> -> memref<1x128xi32, #tpu.memory_space<vmem>>
      %dma_wait3A_120 = tpu.memref_squeeze %dma_wait3A_119 : memref<1x128xi32, #tpu.memory_space<vmem>> -> memref<128xi32, #tpu.memory_space<vmem>>
      %dma_wait3A_121 = arith.constant 0 : i32
      %dma_wait3A_122 = arith.constant 0 : i32
      %dma_wait3A_123 = tpu.memref_slice %arg2[%dma_wait3A_121, %dma_wait3A_122] : memref<10000x64xf32, #tpu.memory_space<hbm>> -> memref<10000x64xf32, #tpu.memory_space<hbm>>
      tpu.wait_indirect_dma semaphore(%arg21 : memref<!tpu.dma_semaphore, #tpu.memory_space<semaphore_mem>>) src(%dma_wait3A_123 : memref<10000x64xf32, #tpu.memory_space<hbm>>) dst(%arg12 : memref<128x64xf32, #tpu.memory_space<vmem>>)
      "tpu.region"() ({
        %run_scoped3A = tpu.sem_alloc : memref<!tpu.dma_semaphore, #tpu.memory_space<semaphore_mem>>
        %dma_start3A_189 = arith.constant 0 : i32
        %dma_start3A_190 = tpu.memref_slice %arg8[%add3A_117, %dma_start3A_189] : memref<80x128xi32, #tpu.memory_space<vmem>> -> memref<1x128xi32, #tpu.memory_space<vmem>>
        %dma_start3A_191 = tpu.memref_squeeze %dma_start3A_190 : memref<1x128xi32, #tpu.memory_space<vmem>> -> memref<128xi32, #tpu.memory_space<vmem>>
        %dma_start3A_192 = arith.constant 0 : i32
        %dma_start3A_193 = arith.constant 0 : i32
        %dma_start3A_194 = tpu.memref_slice %arg17[%dma_start3A_192, %dma_start3A_193] : memref<10240x64xf32, #tpu.memory_space<vmem_shared>> -> memref<10240x64xf32, #tpu.memory_space<vmem_shared>>
        tpu.enqueue_indirect_dma source(%arg12 : memref<128x64xf32, #tpu.memory_space<vmem>>) target(%dma_start3A_194 : memref<10240x64xf32, #tpu.memory_space<vmem_shared>>) offsets(%dma_start3A_191 : memref<128xi32, #tpu.memory_space<vmem>>) semaphore(%run_scoped3A : memref<!tpu.dma_semaphore, #tpu.memory_space<semaphore_mem>>) {add = true}
        %dma_wait3A_195 = arith.constant 0 : i32
        %dma_wait3A_196 = tpu.memref_slice %arg8[%add3A_117, %dma_wait3A_195] : memref<80x128xi32, #tpu.memory_space<vmem>> -> memref<1x128xi32, #tpu.memory_space<vmem>>
        %dma_wait3A_197 = tpu.memref_squeeze %dma_wait3A_196 : memref<1x128xi32, #tpu.memory_space<vmem>> -> memref<128xi32, #tpu.memory_space<vmem>>
        %dma_wait3A_198 = arith.constant 0 : i32
        %dma_wait3A_199 = arith.constant 0 : i32
        %dma_wait3A_200 = tpu.memref_slice %arg17[%dma_wait3A_198, %dma_wait3A_199] : memref<10240x64xf32, #tpu.memory_space<vmem_shared>> -> memref<10240x64xf32, #tpu.memory_space<vmem_shared>>
        tpu.wait_indirect_dma semaphore(%run_scoped3A : memref<!tpu.dma_semaphore, #tpu.memory_space<semaphore_mem>>) src(%arg12 : memref<128x64xf32, #tpu.memory_space<vmem>>) dst(%dma_wait3A_200 : memref<10240x64xf32, #tpu.memory_space<vmem_shared>>)
        tpu.yield
      }) : () -> ()
      %lt3A_124 = arith.constant 9 : i32
      %lt3A_125 = arith.cmpi slt, %scan3A_72, %lt3A_124 : i32
      %convert_element_type3A_126 = arith.extui %lt3A_125 : i1 to i32
      %cond3A_127 = arith.constant 0 : i32
      %cond3A_128 = arith.cmpi ne, %convert_element_type3A_126, %cond3A_127 : i32
      scf.if %cond3A_128 {
        %add3A_189 = arith.constant 8 : i32
        %add3A_190 = arith.addi %add3A_117, %add3A_189 : i32
        %dma_start3A_191 = arith.constant 0 : i32
        %dma_start3A_192 = tpu.memref_slice %arg7[%add3A_190, %dma_start3A_191] : memref<80x128xi32, #tpu.memory_space<vmem>> -> memref<1x128xi32, #tpu.memory_space<vmem>>
        %dma_start3A_193 = tpu.memref_squeeze %dma_start3A_192 : memref<1x128xi32, #tpu.memory_space<vmem>> -> memref<128xi32, #tpu.memory_space<vmem>>
        %dma_start3A_194 = arith.constant 0 : i32
        %dma_start3A_195 = arith.constant 0 : i32
        %dma_start3A_196 = tpu.memref_slice %arg2[%dma_start3A_194, %dma_start3A_195] : memref<10000x64xf32, #tpu.memory_space<hbm>> -> memref<10000x64xf32, #tpu.memory_space<hbm>>
        tpu.enqueue_indirect_dma source(%dma_start3A_196 : memref<10000x64xf32, #tpu.memory_space<hbm>>) target(%arg12 : memref<128x64xf32, #tpu.memory_space<vmem>>) offsets(%dma_start3A_193 : memref<128xi32, #tpu.memory_space<vmem>>) semaphore(%arg21 : memref<!tpu.dma_semaphore, #tpu.memory_space<semaphore_mem>>)
      } else {
      }
      %mul3A_129 = arith.constant 8 : i32
      %mul3A_130 = arith.muli %scan3A_72, %mul3A_129 : i32
      %add3A_131 = arith.constant 4 : i32
      %add3A_132 = arith.addi %mul3A_130, %add3A_131 : i32
      %dma_wait3A_133 = arith.constant 0 : i32
      %dma_wait3A_134 = tpu.memref_slice %arg7[%add3A_132, %dma_wait3A_133] : memref<80x128xi32, #tpu.memory_space<vmem>> -> memref<1x128xi32, #tpu.memory_space<vmem>>
      %dma_wait3A_135 = tpu.memref_squeeze %dma_wait3A_134 : memref<1x128xi32, #tpu.memory_space<vmem>> -> memref<128xi32, #tpu.memory_space<vmem>>
      %dma_wait3A_136 = arith.constant 0 : i32
      %dma_wait3A_137 = arith.constant 0 : i32
      %dma_wait3A_138 = tpu.memref_slice %arg2[%dma_wait3A_136, %dma_wait3A_137] : memref<10000x64xf32, #tpu.memory_space<hbm>> -> memref<10000x64xf32, #tpu.memory_space<hbm>>
      tpu.wait_indirect_dma semaphore(%arg22 : memref<!tpu.dma_semaphore, #tpu.memory_space<semaphore_mem>>) src(%dma_wait3A_138 : memref<10000x64xf32, #tpu.memory_space<hbm>>) dst(%arg13 : memref<128x64xf32, #tpu.memory_space<vmem>>)
      "tpu.region"() ({
        %run_scoped3A = tpu.sem_alloc : memref<!tpu.dma_semaphore, #tpu.memory_space<semaphore_mem>>
        %dma_start3A_189 = arith.constant 0 : i32
        %dma_start3A_190 = tpu.memref_slice %arg8[%add3A_132, %dma_start3A_189] : memref<80x128xi32, #tpu.memory_space<vmem>> -> memref<1x128xi32, #tpu.memory_space<vmem>>
        %dma_start3A_191 = tpu.memref_squeeze %dma_start3A_190 : memref<1x128xi32, #tpu.memory_space<vmem>> -> memref<128xi32, #tpu.memory_space<vmem>>
        %dma_start3A_192 = arith.constant 0 : i32
        %dma_start3A_193 = arith.constant 0 : i32
        %dma_start3A_194 = tpu.memref_slice %arg17[%dma_start3A_192, %dma_start3A_193] : memref<10240x64xf32, #tpu.memory_space<vmem_shared>> -> memref<10240x64xf32, #tpu.memory_space<vmem_shared>>
        tpu.enqueue_indirect_dma source(%arg13 : memref<128x64xf32, #tpu.memory_space<vmem>>) target(%dma_start3A_194 : memref<10240x64xf32, #tpu.memory_space<vmem_shared>>) offsets(%dma_start3A_191 : memref<128xi32, #tpu.memory_space<vmem>>) semaphore(%run_scoped3A : memref<!tpu.dma_semaphore, #tpu.memory_space<semaphore_mem>>) {add = true}
        %dma_wait3A_195 = arith.constant 0 : i32
        %dma_wait3A_196 = tpu.memref_slice %arg8[%add3A_132, %dma_wait3A_195] : memref<80x128xi32, #tpu.memory_space<vmem>> -> memref<1x128xi32, #tpu.memory_space<vmem>>
        %dma_wait3A_197 = tpu.memref_squeeze %dma_wait3A_196 : memref<1x128xi32, #tpu.memory_space<vmem>> -> memref<128xi32, #tpu.memory_space<vmem>>
        %dma_wait3A_198 = arith.constant 0 : i32
        %dma_wait3A_199 = arith.constant 0 : i32
        %dma_wait3A_200 = tpu.memref_slice %arg17[%dma_wait3A_198, %dma_wait3A_199] : memref<10240x64xf32, #tpu.memory_space<vmem_shared>> -> memref<10240x64xf32, #tpu.memory_space<vmem_shared>>
        tpu.wait_indirect_dma semaphore(%run_scoped3A : memref<!tpu.dma_semaphore, #tpu.memory_space<semaphore_mem>>) src(%arg13 : memref<128x64xf32, #tpu.memory_space<vmem>>) dst(%dma_wait3A_200 : memref<10240x64xf32, #tpu.memory_space<vmem_shared>>)
        tpu.yield
      }) : () -> ()
      %lt3A_139 = arith.constant 9 : i32
      %lt3A_140 = arith.cmpi slt, %scan3A_72, %lt3A_139 : i32
      %convert_element_type3A_141 = arith.extui %lt3A_140 : i1 to i32
      %cond3A_142 = arith.constant 0 : i32
      %cond3A_143 = arith.cmpi ne, %convert_element_type3A_141, %cond3A_142 : i32
      scf.if %cond3A_143 {
        %add3A_189 = arith.constant 8 : i32
        %add3A_190 = arith.addi %add3A_132, %add3A_189 : i32
        %dma_start3A_191 = arith.constant 0 : i32
        %dma_start3A_192 = tpu.memref_slice %arg7[%add3A_190, %dma_start3A_191] : memref<80x128xi32, #tpu.memory_space<vmem>> -> memref<1x128xi32, #tpu.memory_space<vmem>>
        %dma_start3A_193 = tpu.memref_squeeze %dma_start3A_192 : memref<1x128xi32, #tpu.memory_space<vmem>> -> memref<128xi32, #tpu.memory_space<vmem>>
        %dma_start3A_194 = arith.constant 0 : i32
        %dma_start3A_195 = arith.constant 0 : i32
        %dma_start3A_196 = tpu.memref_slice %arg2[%dma_start3A_194, %dma_start3A_195] : memref<10000x64xf32, #tpu.memory_space<hbm>> -> memref<10000x64xf32, #tpu.memory_space<hbm>>
        tpu.enqueue_indirect_dma source(%dma_start3A_196 : memref<10000x64xf32, #tpu.memory_space<hbm>>) target(%arg13 : memref<128x64xf32, #tpu.memory_space<vmem>>) offsets(%dma_start3A_193 : memref<128xi32, #tpu.memory_space<vmem>>) semaphore(%arg22 : memref<!tpu.dma_semaphore, #tpu.memory_space<semaphore_mem>>)
      } else {
      }
      %mul3A_144 = arith.constant 8 : i32
      %mul3A_145 = arith.muli %scan3A_72, %mul3A_144 : i32
      %add3A_146 = arith.constant 5 : i32
      %add3A_147 = arith.addi %mul3A_145, %add3A_146 : i32
      %dma_wait3A_148 = arith.constant 0 : i32
      %dma_wait3A_149 = tpu.memref_slice %arg7[%add3A_147, %dma_wait3A_148] : memref<80x128xi32, #tpu.memory_space<vmem>> -> memref<1x128xi32, #tpu.memory_space<vmem>>
      %dma_wait3A_150 = tpu.memref_squeeze %dma_wait3A_149 : memref<1x128xi32, #tpu.memory_space<vmem>> -> memref<128xi32, #tpu.memory_space<vmem>>
      %dma_wait3A_151 = arith.constant 0 : i32
      %dma_wait3A_152 = arith.constant 0 : i32
      %dma_wait3A_153 = tpu.memref_slice %arg2[%dma_wait3A_151, %dma_wait3A_152] : memref<10000x64xf32, #tpu.memory_space<hbm>> -> memref<10000x64xf32, #tpu.memory_space<hbm>>
      tpu.wait_indirect_dma semaphore(%arg23 : memref<!tpu.dma_semaphore, #tpu.memory_space<semaphore_mem>>) src(%dma_wait3A_153 : memref<10000x64xf32, #tpu.memory_space<hbm>>) dst(%arg14 : memref<128x64xf32, #tpu.memory_space<vmem>>)
      "tpu.region"() ({
        %run_scoped3A = tpu.sem_alloc : memref<!tpu.dma_semaphore, #tpu.memory_space<semaphore_mem>>
        %dma_start3A_189 = arith.constant 0 : i32
        %dma_start3A_190 = tpu.memref_slice %arg8[%add3A_147, %dma_start3A_189] : memref<80x128xi32, #tpu.memory_space<vmem>> -> memref<1x128xi32, #tpu.memory_space<vmem>>
        %dma_start3A_191 = tpu.memref_squeeze %dma_start3A_190 : memref<1x128xi32, #tpu.memory_space<vmem>> -> memref<128xi32, #tpu.memory_space<vmem>>
        %dma_start3A_192 = arith.constant 0 : i32
        %dma_start3A_193 = arith.constant 0 : i32
        %dma_start3A_194 = tpu.memref_slice %arg17[%dma_start3A_192, %dma_start3A_193] : memref<10240x64xf32, #tpu.memory_space<vmem_shared>> -> memref<10240x64xf32, #tpu.memory_space<vmem_shared>>
        tpu.enqueue_indirect_dma source(%arg14 : memref<128x64xf32, #tpu.memory_space<vmem>>) target(%dma_start3A_194 : memref<10240x64xf32, #tpu.memory_space<vmem_shared>>) offsets(%dma_start3A_191 : memref<128xi32, #tpu.memory_space<vmem>>) semaphore(%run_scoped3A : memref<!tpu.dma_semaphore, #tpu.memory_space<semaphore_mem>>) {add = true}
        %dma_wait3A_195 = arith.constant 0 : i32
        %dma_wait3A_196 = tpu.memref_slice %arg8[%add3A_147, %dma_wait3A_195] : memref<80x128xi32, #tpu.memory_space<vmem>> -> memref<1x128xi32, #tpu.memory_space<vmem>>
        %dma_wait3A_197 = tpu.memref_squeeze %dma_wait3A_196 : memref<1x128xi32, #tpu.memory_space<vmem>> -> memref<128xi32, #tpu.memory_space<vmem>>
        %dma_wait3A_198 = arith.constant 0 : i32
        %dma_wait3A_199 = arith.constant 0 : i32
        %dma_wait3A_200 = tpu.memref_slice %arg17[%dma_wait3A_198, %dma_wait3A_199] : memref<10240x64xf32, #tpu.memory_space<vmem_shared>> -> memref<10240x64xf32, #tpu.memory_space<vmem_shared>>
        tpu.wait_indirect_dma semaphore(%run_scoped3A : memref<!tpu.dma_semaphore, #tpu.memory_space<semaphore_mem>>) src(%arg14 : memref<128x64xf32, #tpu.memory_space<vmem>>) dst(%dma_wait3A_200 : memref<10240x64xf32, #tpu.memory_space<vmem_shared>>)
        tpu.yield
      }) : () -> ()
      %lt3A_154 = arith.constant 9 : i32
      %lt3A_155 = arith.cmpi slt, %scan3A_72, %lt3A_154 : i32
      %convert_element_type3A_156 = arith.extui %lt3A_155 : i1 to i32
      %cond3A_157 = arith.constant 0 : i32
      %cond3A_158 = arith.cmpi ne, %convert_element_type3A_156, %cond3A_157 : i32
      scf.if %cond3A_158 {
        %add3A_189 = arith.constant 8 : i32
        %add3A_190 = arith.addi %add3A_147, %add3A_189 : i32
        %dma_start3A_191 = arith.constant 0 : i32
        %dma_start3A_192 = tpu.memref_slice %arg7[%add3A_190, %dma_start3A_191] : memref<80x128xi32, #tpu.memory_space<vmem>> -> memref<1x128xi32, #tpu.memory_space<vmem>>
        %dma_start3A_193 = tpu.memref_squeeze %dma_start3A_192 : memref<1x128xi32, #tpu.memory_space<vmem>> -> memref<128xi32, #tpu.memory_space<vmem>>
        %dma_start3A_194 = arith.constant 0 : i32
        %dma_start3A_195 = arith.constant 0 : i32
        %dma_start3A_196 = tpu.memref_slice %arg2[%dma_start3A_194, %dma_start3A_195] : memref<10000x64xf32, #tpu.memory_space<hbm>> -> memref<10000x64xf32, #tpu.memory_space<hbm>>
        tpu.enqueue_indirect_dma source(%dma_start3A_196 : memref<10000x64xf32, #tpu.memory_space<hbm>>) target(%arg14 : memref<128x64xf32, #tpu.memory_space<vmem>>) offsets(%dma_start3A_193 : memref<128xi32, #tpu.memory_space<vmem>>) semaphore(%arg23 : memref<!tpu.dma_semaphore, #tpu.memory_space<semaphore_mem>>)
      } else {
      }
      %mul3A_159 = arith.constant 8 : i32
      %mul3A_160 = arith.muli %scan3A_72, %mul3A_159 : i32
      %add3A_161 = arith.constant 6 : i32
      %add3A_162 = arith.addi %mul3A_160, %add3A_161 : i32
      %dma_wait3A_163 = arith.constant 0 : i32
      %dma_wait3A_164 = tpu.memref_slice %arg7[%add3A_162, %dma_wait3A_163] : memref<80x128xi32, #tpu.memory_space<vmem>> -> memref<1x128xi32, #tpu.memory_space<vmem>>
      %dma_wait3A_165 = tpu.memref_squeeze %dma_wait3A_164 : memref<1x128xi32, #tpu.memory_space<vmem>> -> memref<128xi32, #tpu.memory_space<vmem>>
      %dma_wait3A_166 = arith.constant 0 : i32
      %dma_wait3A_167 = arith.constant 0 : i32
      %dma_wait3A_168 = tpu.memref_slice %arg2[%dma_wait3A_166, %dma_wait3A_167] : memref<10000x64xf32, #tpu.memory_space<hbm>> -> memref<10000x64xf32, #tpu.memory_space<hbm>>
      tpu.wait_indirect_dma semaphore(%arg24 : memref<!tpu.dma_semaphore, #tpu.memory_space<semaphore_mem>>) src(%dma_wait3A_168 : memref<10000x64xf32, #tpu.memory_space<hbm>>) dst(%arg15 : memref<128x64xf32, #tpu.memory_space<vmem>>)
      "tpu.region"() ({
        %run_scoped3A = tpu.sem_alloc : memref<!tpu.dma_semaphore, #tpu.memory_space<semaphore_mem>>
        %dma_start3A_189 = arith.constant 0 : i32
        %dma_start3A_190 = tpu.memref_slice %arg8[%add3A_162, %dma_start3A_189] : memref<80x128xi32, #tpu.memory_space<vmem>> -> memref<1x128xi32, #tpu.memory_space<vmem>>
        %dma_start3A_191 = tpu.memref_squeeze %dma_start3A_190 : memref<1x128xi32, #tpu.memory_space<vmem>> -> memref<128xi32, #tpu.memory_space<vmem>>
        %dma_start3A_192 = arith.constant 0 : i32
        %dma_start3A_193 = arith.constant 0 : i32
        %dma_start3A_194 = tpu.memref_slice %arg17[%dma_start3A_192, %dma_start3A_193] : memref<10240x64xf32, #tpu.memory_space<vmem_shared>> -> memref<10240x64xf32, #tpu.memory_space<vmem_shared>>
        tpu.enqueue_indirect_dma source(%arg15 : memref<128x64xf32, #tpu.memory_space<vmem>>) target(%dma_start3A_194 : memref<10240x64xf32, #tpu.memory_space<vmem_shared>>) offsets(%dma_start3A_191 : memref<128xi32, #tpu.memory_space<vmem>>) semaphore(%run_scoped3A : memref<!tpu.dma_semaphore, #tpu.memory_space<semaphore_mem>>) {add = true}
        %dma_wait3A_195 = arith.constant 0 : i32
        %dma_wait3A_196 = tpu.memref_slice %arg8[%add3A_162, %dma_wait3A_195] : memref<80x128xi32, #tpu.memory_space<vmem>> -> memref<1x128xi32, #tpu.memory_space<vmem>>
        %dma_wait3A_197 = tpu.memref_squeeze %dma_wait3A_196 : memref<1x128xi32, #tpu.memory_space<vmem>> -> memref<128xi32, #tpu.memory_space<vmem>>
        %dma_wait3A_198 = arith.constant 0 : i32
        %dma_wait3A_199 = arith.constant 0 : i32
        %dma_wait3A_200 = tpu.memref_slice %arg17[%dma_wait3A_198, %dma_wait3A_199] : memref<10240x64xf32, #tpu.memory_space<vmem_shared>> -> memref<10240x64xf32, #tpu.memory_space<vmem_shared>>
        tpu.wait_indirect_dma semaphore(%run_scoped3A : memref<!tpu.dma_semaphore, #tpu.memory_space<semaphore_mem>>) src(%arg15 : memref<128x64xf32, #tpu.memory_space<vmem>>) dst(%dma_wait3A_200 : memref<10240x64xf32, #tpu.memory_space<vmem_shared>>)
        tpu.yield
      }) : () -> ()
      %lt3A_169 = arith.constant 9 : i32
      %lt3A_170 = arith.cmpi slt, %scan3A_72, %lt3A_169 : i32
      %convert_element_type3A_171 = arith.extui %lt3A_170 : i1 to i32
      %cond3A_172 = arith.constant 0 : i32
      %cond3A_173 = arith.cmpi ne, %convert_element_type3A_171, %cond3A_172 : i32
      scf.if %cond3A_173 {
        %add3A_189 = arith.constant 8 : i32
        %add3A_190 = arith.addi %add3A_162, %add3A_189 : i32
        %dma_start3A_191 = arith.constant 0 : i32
        %dma_start3A_192 = tpu.memref_slice %arg7[%add3A_190, %dma_start3A_191] : memref<80x128xi32, #tpu.memory_space<vmem>> -> memref<1x128xi32, #tpu.memory_space<vmem>>
        %dma_start3A_193 = tpu.memref_squeeze %dma_start3A_192 : memref<1x128xi32, #tpu.memory_space<vmem>> -> memref<128xi32, #tpu.memory_space<vmem>>
        %dma_start3A_194 = arith.constant 0 : i32
        %dma_start3A_195 = arith.constant 0 : i32
        %dma_start3A_196 = tpu.memref_slice %arg2[%dma_start3A_194, %dma_start3A_195] : memref<10000x64xf32, #tpu.memory_space<hbm>> -> memref<10000x64xf32, #tpu.memory_space<hbm>>
        tpu.enqueue_indirect_dma source(%dma_start3A_196 : memref<10000x64xf32, #tpu.memory_space<hbm>>) target(%arg15 : memref<128x64xf32, #tpu.memory_space<vmem>>) offsets(%dma_start3A_193 : memref<128xi32, #tpu.memory_space<vmem>>) semaphore(%arg24 : memref<!tpu.dma_semaphore, #tpu.memory_space<semaphore_mem>>)
      } else {
      }
      %mul3A_174 = arith.constant 8 : i32
      %mul3A_175 = arith.muli %scan3A_72, %mul3A_174 : i32
      %add3A_176 = arith.constant 7 : i32
      %add3A_177 = arith.addi %mul3A_175, %add3A_176 : i32
      %dma_wait3A_178 = arith.constant 0 : i32
      %dma_wait3A_179 = tpu.memref_slice %arg7[%add3A_177, %dma_wait3A_178] : memref<80x128xi32, #tpu.memory_space<vmem>> -> memref<1x128xi32, #tpu.memory_space<vmem>>
      %dma_wait3A_180 = tpu.memref_squeeze %dma_wait3A_179 : memref<1x128xi32, #tpu.memory_space<vmem>> -> memref<128xi32, #tpu.memory_space<vmem>>
      %dma_wait3A_181 = arith.constant 0 : i32
      %dma_wait3A_182 = arith.constant 0 : i32
      %dma_wait3A_183 = tpu.memref_slice %arg2[%dma_wait3A_181, %dma_wait3A_182] : memref<10000x64xf32, #tpu.memory_space<hbm>> -> memref<10000x64xf32, #tpu.memory_space<hbm>>
      tpu.wait_indirect_dma semaphore(%arg25 : memref<!tpu.dma_semaphore, #tpu.memory_space<semaphore_mem>>) src(%dma_wait3A_183 : memref<10000x64xf32, #tpu.memory_space<hbm>>) dst(%arg16 : memref<128x64xf32, #tpu.memory_space<vmem>>)
      "tpu.region"() ({
        %run_scoped3A = tpu.sem_alloc : memref<!tpu.dma_semaphore, #tpu.memory_space<semaphore_mem>>
        %dma_start3A_189 = arith.constant 0 : i32
        %dma_start3A_190 = tpu.memref_slice %arg8[%add3A_177, %dma_start3A_189] : memref<80x128xi32, #tpu.memory_space<vmem>> -> memref<1x128xi32, #tpu.memory_space<vmem>>
        %dma_start3A_191 = tpu.memref_squeeze %dma_start3A_190 : memref<1x128xi32, #tpu.memory_space<vmem>> -> memref<128xi32, #tpu.memory_space<vmem>>
        %dma_start3A_192 = arith.constant 0 : i32
        %dma_start3A_193 = arith.constant 0 : i32
        %dma_start3A_194 = tpu.memref_slice %arg17[%dma_start3A_192, %dma_start3A_193] : memref<10240x64xf32, #tpu.memory_space<vmem_shared>> -> memref<10240x64xf32, #tpu.memory_space<vmem_shared>>
        tpu.enqueue_indirect_dma source(%arg16 : memref<128x64xf32, #tpu.memory_space<vmem>>) target(%dma_start3A_194 : memref<10240x64xf32, #tpu.memory_space<vmem_shared>>) offsets(%dma_start3A_191 : memref<128xi32, #tpu.memory_space<vmem>>) semaphore(%run_scoped3A : memref<!tpu.dma_semaphore, #tpu.memory_space<semaphore_mem>>) {add = true}
        %dma_wait3A_195 = arith.constant 0 : i32
        %dma_wait3A_196 = tpu.memref_slice %arg8[%add3A_177, %dma_wait3A_195] : memref<80x128xi32, #tpu.memory_space<vmem>> -> memref<1x128xi32, #tpu.memory_space<vmem>>
        %dma_wait3A_197 = tpu.memref_squeeze %dma_wait3A_196 : memref<1x128xi32, #tpu.memory_space<vmem>> -> memref<128xi32, #tpu.memory_space<vmem>>
        %dma_wait3A_198 = arith.constant 0 : i32
        %dma_wait3A_199 = arith.constant 0 : i32
        %dma_wait3A_200 = tpu.memref_slice %arg17[%dma_wait3A_198, %dma_wait3A_199] : memref<10240x64xf32, #tpu.memory_space<vmem_shared>> -> memref<10240x64xf32, #tpu.memory_space<vmem_shared>>
        tpu.wait_indirect_dma semaphore(%run_scoped3A : memref<!tpu.dma_semaphore, #tpu.memory_space<semaphore_mem>>) src(%arg16 : memref<128x64xf32, #tpu.memory_space<vmem>>) dst(%dma_wait3A_200 : memref<10240x64xf32, #tpu.memory_space<vmem_shared>>)
        tpu.yield
      }) : () -> ()
      %lt3A_184 = arith.constant 9 : i32
      %lt3A_185 = arith.cmpi slt, %scan3A_72, %lt3A_184 : i32
      %convert_element_type3A_186 = arith.extui %lt3A_185 : i1 to i32
      %cond3A_187 = arith.constant 0 : i32
      %cond3A_188 = arith.cmpi ne, %convert_element_type3A_186, %cond3A_187 : i32
      scf.if %cond3A_188 {
        %add3A_189 = arith.constant 8 : i32
        %add3A_190 = arith.addi %add3A_177, %add3A_189 : i32
        %dma_start3A_191 = arith.constant 0 : i32
        %dma_start3A_192 = tpu.memref_slice %arg7[%add3A_190, %dma_start3A_191] : memref<80x128xi32, #tpu.memory_space<vmem>> -> memref<1x128xi32, #tpu.memory_space<vmem>>
        %dma_start3A_193 = tpu.memref_squeeze %dma_start3A_192 : memref<1x128xi32, #tpu.memory_space<vmem>> -> memref<128xi32, #tpu.memory_space<vmem>>
        %dma_start3A_194 = arith.constant 0 : i32
        %dma_start3A_195 = arith.constant 0 : i32
        %dma_start3A_196 = tpu.memref_slice %arg2[%dma_start3A_194, %dma_start3A_195] : memref<10000x64xf32, #tpu.memory_space<hbm>> -> memref<10000x64xf32, #tpu.memory_space<hbm>>
        tpu.enqueue_indirect_dma source(%dma_start3A_196 : memref<10000x64xf32, #tpu.memory_space<hbm>>) target(%arg16 : memref<128x64xf32, #tpu.memory_space<vmem>>) offsets(%dma_start3A_193 : memref<128xi32, #tpu.memory_space<vmem>>) semaphore(%arg25 : memref<!tpu.dma_semaphore, #tpu.memory_space<semaphore_mem>>)
      } else {
      }
    }
    %scan3A_66 = arith.constant 10 : i32
    %barrier3A_67 = arith.constant 0 : index
    tpu.barrier barrier_id(%barrier3A_67)
    %mul3A_68 = arith.constant 640 : i32
    %mul3A_69 = arith.muli %arg1, %mul3A_68 : i32
    %mul3A_70 = arith.constant 640 : i32
    %mul3A_71 = arith.muli %arg1, %mul3A_70 : i32
    "tpu.region"() ({
      %run_scoped3A = tpu.sem_alloc : memref<!tpu.dma_semaphore, #tpu.memory_space<semaphore_mem>>
      %dma_start3A_72 = arith.constant 0 : i32
      %dma_start3A_73 = tpu.memref_slice %arg6[%arg0, %mul3A_71, %dma_start3A_72] : memref<2x10240x64xf32, #tpu.memory_space<hbm>> -> memref<1x640x64xf32, #tpu.memory_space<hbm>>
      %dma_start3A_74 = tpu.memref_squeeze %dma_start3A_73 : memref<1x640x64xf32, #tpu.memory_space<hbm>> -> memref<640x64xf32, #tpu.memory_space<hbm>>
      %dma_start3A_75 = arith.constant 0 : i32
      %dma_start3A_76 = tpu.memref_slice %arg17[%mul3A_69, %dma_start3A_75] : memref<10240x64xf32, #tpu.memory_space<vmem_shared>> -> memref<640x64xf32, #tpu.memory_space<vmem_shared>>
      tpu.enqueue_dma source(%dma_start3A_76 : memref<640x64xf32, #tpu.memory_space<vmem_shared>>) target(%dma_start3A_74 : memref<640x64xf32, #tpu.memory_space<hbm>>) target_semaphore(%run_scoped3A : memref<!tpu.dma_semaphore, #tpu.memory_space<semaphore_mem>>)
      %dma_wait3A = arith.constant 0 : i32
      %dma_wait3A_77 = tpu.memref_slice %arg6[%arg0, %mul3A_71, %dma_wait3A] : memref<2x10240x64xf32, #tpu.memory_space<hbm>> -> memref<1x640x64xf32, #tpu.memory_space<hbm>>
      %dma_wait3A_78 = tpu.memref_squeeze %dma_wait3A_77 : memref<1x640x64xf32, #tpu.memory_space<hbm>> -> memref<640x64xf32, #tpu.memory_space<hbm>>
      %dma_wait3A_79 = arith.constant 0 : i32
      %dma_wait3A_80 = tpu.memref_slice %arg17[%mul3A_69, %dma_wait3A_79] : memref<10240x64xf32, #tpu.memory_space<vmem_shared>> -> memref<640x64xf32, #tpu.memory_space<vmem_shared>>
      tpu.wait_dma2 semaphore(%run_scoped3A : memref<!tpu.dma_semaphore, #tpu.memory_space<semaphore_mem>>) src(%dma_wait3A_80 : memref<640x64xf32, #tpu.memory_space<vmem_shared>>) dst(%dma_wait3A_78 : memref<640x64xf32, #tpu.memory_space<hbm>>)
      tpu.yield
    }) : () -> ()
    return
  }
}

#map = affine_map<(d0, d1) -> (0, 0)>
#map1 = affine_map<(d0, d1) -> (0, 0, 0)>
module attributes {stable_mosaic.version = 14 : i64} {
  func.func @_sc_degree(%arg0: i32, %arg1: i32, %arg2: memref<2560x128xi32, #tpu.memory_space<hbm>>, %arg3: memref<128x8xf32, #tpu.memory_space<hbm>>, %arg4: memref<640x8xf32, #tpu.memory_space<hbm>>, %arg5: memref<2x10240x8xf32, #tpu.memory_space<hbm>>, %arg6: memref<80x128xi32, #tpu.memory_space<vmem>>, %arg7: memref<128x8xf32, #tpu.memory_space<vmem>>, %arg8: memref<10240x8xf32, #tpu.memory_space<vmem_shared>>) attributes {dimension_semantics = [#tpu.dimension_semantics<core_parallel>, #tpu.dimension_semantics<subcore_parallel>], iteration_bounds = array<i64: 2, 16>, scalar_prefetch = 0 : i64, scratch_operands = 3 : i64, tpu.core_type = #tpu.core_type<sc_vector_subcore>, window_params = [{transform_indices = #map}, {transform_indices = #map}, {transform_indices = #map}, {transform_indices = #map1}]} {
    %mul3A = arith.constant 16 : i32
    %mul3A_0 = arith.muli %arg0, %mul3A : i32
    %add3A = arith.addi %mul3A_0, %arg1 : i32
    %mul3A_1 = arith.constant 640 : i32
    %mul3A_2 = arith.muli %arg1, %mul3A_1 : i32
    "tpu.region"() ({
      %run_scoped3A = tpu.sem_alloc : memref<!tpu.dma_semaphore, #tpu.memory_space<semaphore_mem>>
      %dma_start3A = arith.constant 0 : i32
      %dma_start3A_15 = tpu.memref_slice %arg8[%mul3A_2, %dma_start3A] : memref<10240x8xf32, #tpu.memory_space<vmem_shared>> -> memref<640x8xf32, #tpu.memory_space<vmem_shared>>
      tpu.enqueue_dma source(%arg4 : memref<640x8xf32, #tpu.memory_space<hbm>>) target(%dma_start3A_15 : memref<640x8xf32, #tpu.memory_space<vmem_shared>>) target_semaphore(%run_scoped3A : memref<!tpu.dma_semaphore, #tpu.memory_space<semaphore_mem>>)
      %dma_wait3A = arith.constant 0 : i32
      %dma_wait3A_16 = tpu.memref_slice %arg8[%mul3A_2, %dma_wait3A] : memref<10240x8xf32, #tpu.memory_space<vmem_shared>> -> memref<640x8xf32, #tpu.memory_space<vmem_shared>>
      tpu.wait_dma2 semaphore(%run_scoped3A : memref<!tpu.dma_semaphore, #tpu.memory_space<semaphore_mem>>) src(%arg4 : memref<640x8xf32, #tpu.memory_space<hbm>>) dst(%dma_wait3A_16 : memref<640x8xf32, #tpu.memory_space<vmem_shared>>)
      tpu.yield
    }) : () -> ()
    %mul3A_3 = arith.constant 80 : i32
    %mul3A_4 = arith.muli %add3A, %mul3A_3 : i32
    "tpu.region"() ({
      %run_scoped3A = tpu.sem_alloc : memref<!tpu.dma_semaphore, #tpu.memory_space<semaphore_mem>>
      %dma_start3A = arith.constant 0 : i32
      %dma_start3A_15 = tpu.memref_slice %arg2[%mul3A_4, %dma_start3A] : memref<2560x128xi32, #tpu.memory_space<hbm>> -> memref<80x128xi32, #tpu.memory_space<hbm>>
      %dma_start3A_16 = arith.constant 0 : i32
      %dma_start3A_17 = tpu.memref_slice %arg2[%mul3A_4, %dma_start3A_16] : memref<2560x128xi32, #tpu.memory_space<hbm>> -> memref<80x128xi32, #tpu.memory_space<hbm>>
      tpu.enqueue_dma source(%dma_start3A_17 : memref<80x128xi32, #tpu.memory_space<hbm>>) target(%arg6 : memref<80x128xi32, #tpu.memory_space<vmem>>) target_semaphore(%run_scoped3A : memref<!tpu.dma_semaphore, #tpu.memory_space<semaphore_mem>>)
      %dma_wait3A = arith.constant 0 : i32
      %dma_wait3A_18 = tpu.memref_slice %arg2[%mul3A_4, %dma_wait3A] : memref<2560x128xi32, #tpu.memory_space<hbm>> -> memref<80x128xi32, #tpu.memory_space<hbm>>
      %dma_wait3A_19 = arith.constant 0 : i32
      %dma_wait3A_20 = tpu.memref_slice %arg2[%mul3A_4, %dma_wait3A_19] : memref<2560x128xi32, #tpu.memory_space<hbm>> -> memref<80x128xi32, #tpu.memory_space<hbm>>
      tpu.wait_dma2 semaphore(%run_scoped3A : memref<!tpu.dma_semaphore, #tpu.memory_space<semaphore_mem>>) src(%dma_wait3A_20 : memref<80x128xi32, #tpu.memory_space<hbm>>) dst(%arg6 : memref<80x128xi32, #tpu.memory_space<vmem>>)
      tpu.yield
    }) : () -> ()
    "tpu.region"() ({
      %run_scoped3A = tpu.sem_alloc : memref<!tpu.dma_semaphore, #tpu.memory_space<semaphore_mem>>
      tpu.enqueue_dma source(%arg3 : memref<128x8xf32, #tpu.memory_space<hbm>>) target(%arg7 : memref<128x8xf32, #tpu.memory_space<vmem>>) target_semaphore(%run_scoped3A : memref<!tpu.dma_semaphore, #tpu.memory_space<semaphore_mem>>)
      tpu.wait_dma2 semaphore(%run_scoped3A : memref<!tpu.dma_semaphore, #tpu.memory_space<semaphore_mem>>) src(%arg3 : memref<128x8xf32, #tpu.memory_space<hbm>>) dst(%arg7 : memref<128x8xf32, #tpu.memory_space<vmem>>)
      tpu.yield
    }) : () -> ()
    %barrier3A = arith.constant 0 : index
    tpu.barrier barrier_id(%barrier3A)
    %scan3A = arith.constant 0 : i32
    %scan3A_5 = arith.constant 0 : i32
    %scan3A_6 = arith.constant 80 : i32
    %scan3A_7 = arith.addi %scan3A_5, %scan3A_6 : i32
    %scan3A_8 = arith.constant 1 : i32
    scf.for %scan3A_15 = %scan3A_5 to %scan3A_7 step %scan3A_8  : i32 {
      "tpu.region"() ({
        %run_scoped3A = tpu.sem_alloc : memref<!tpu.dma_semaphore, #tpu.memory_space<semaphore_mem>>
        %dma_start3A = arith.constant 0 : i32
        %dma_start3A_16 = tpu.memref_slice %arg6[%scan3A_15, %dma_start3A] : memref<80x128xi32, #tpu.memory_space<vmem>> -> memref<1x128xi32, #tpu.memory_space<vmem>>
        %dma_start3A_17 = tpu.memref_squeeze %dma_start3A_16 : memref<1x128xi32, #tpu.memory_space<vmem>> -> memref<128xi32, #tpu.memory_space<vmem>>
        %dma_start3A_18 = arith.constant 0 : i32
        %dma_start3A_19 = arith.constant 0 : i32
        %dma_start3A_20 = tpu.memref_slice %arg8[%dma_start3A_18, %dma_start3A_19] : memref<10240x8xf32, #tpu.memory_space<vmem_shared>> -> memref<10240x8xf32, #tpu.memory_space<vmem_shared>>
        tpu.enqueue_indirect_dma source(%arg7 : memref<128x8xf32, #tpu.memory_space<vmem>>) target(%dma_start3A_20 : memref<10240x8xf32, #tpu.memory_space<vmem_shared>>) offsets(%dma_start3A_17 : memref<128xi32, #tpu.memory_space<vmem>>) semaphore(%run_scoped3A : memref<!tpu.dma_semaphore, #tpu.memory_space<semaphore_mem>>) {add = true}
        %dma_wait3A = arith.constant 0 : i32
        %dma_wait3A_21 = tpu.memref_slice %arg6[%scan3A_15, %dma_wait3A] : memref<80x128xi32, #tpu.memory_space<vmem>> -> memref<1x128xi32, #tpu.memory_space<vmem>>
        %dma_wait3A_22 = tpu.memref_squeeze %dma_wait3A_21 : memref<1x128xi32, #tpu.memory_space<vmem>> -> memref<128xi32, #tpu.memory_space<vmem>>
        %dma_wait3A_23 = arith.constant 0 : i32
        %dma_wait3A_24 = arith.constant 0 : i32
        %dma_wait3A_25 = tpu.memref_slice %arg8[%dma_wait3A_23, %dma_wait3A_24] : memref<10240x8xf32, #tpu.memory_space<vmem_shared>> -> memref<10240x8xf32, #tpu.memory_space<vmem_shared>>
        tpu.wait_indirect_dma semaphore(%run_scoped3A : memref<!tpu.dma_semaphore, #tpu.memory_space<semaphore_mem>>) src(%arg7 : memref<128x8xf32, #tpu.memory_space<vmem>>) dst(%dma_wait3A_25 : memref<10240x8xf32, #tpu.memory_space<vmem_shared>>)
        tpu.yield
      }) : () -> ()
    }
    %scan3A_9 = arith.constant 80 : i32
    %barrier3A_10 = arith.constant 0 : index
    tpu.barrier barrier_id(%barrier3A_10)
    %mul3A_11 = arith.constant 640 : i32
    %mul3A_12 = arith.muli %arg1, %mul3A_11 : i32
    %mul3A_13 = arith.constant 640 : i32
    %mul3A_14 = arith.muli %arg1, %mul3A_13 : i32
    "tpu.region"() ({
      %run_scoped3A = tpu.sem_alloc : memref<!tpu.dma_semaphore, #tpu.memory_space<semaphore_mem>>
      %dma_start3A = arith.constant 0 : i32
      %dma_start3A_15 = tpu.memref_slice %arg5[%arg0, %mul3A_14, %dma_start3A] : memref<2x10240x8xf32, #tpu.memory_space<hbm>> -> memref<1x640x8xf32, #tpu.memory_space<hbm>>
      %dma_start3A_16 = tpu.memref_squeeze %dma_start3A_15 : memref<1x640x8xf32, #tpu.memory_space<hbm>> -> memref<640x8xf32, #tpu.memory_space<hbm>>
      %dma_start3A_17 = arith.constant 0 : i32
      %dma_start3A_18 = tpu.memref_slice %arg8[%mul3A_12, %dma_start3A_17] : memref<10240x8xf32, #tpu.memory_space<vmem_shared>> -> memref<640x8xf32, #tpu.memory_space<vmem_shared>>
      tpu.enqueue_dma source(%dma_start3A_18 : memref<640x8xf32, #tpu.memory_space<vmem_shared>>) target(%dma_start3A_16 : memref<640x8xf32, #tpu.memory_space<hbm>>) target_semaphore(%run_scoped3A : memref<!tpu.dma_semaphore, #tpu.memory_space<semaphore_mem>>)
      %dma_wait3A = arith.constant 0 : i32
      %dma_wait3A_19 = tpu.memref_slice %arg5[%arg0, %mul3A_14, %dma_wait3A] : memref<2x10240x8xf32, #tpu.memory_space<hbm>> -> memref<1x640x8xf32, #tpu.memory_space<hbm>>
      %dma_wait3A_20 = tpu.memref_squeeze %dma_wait3A_19 : memref<1x640x8xf32, #tpu.memory_space<hbm>> -> memref<640x8xf32, #tpu.memory_space<hbm>>
      %dma_wait3A_21 = arith.constant 0 : i32
      %dma_wait3A_22 = tpu.memref_slice %arg8[%mul3A_12, %dma_wait3A_21] : memref<10240x8xf32, #tpu.memory_space<vmem_shared>> -> memref<640x8xf32, #tpu.memory_space<vmem_shared>>
      tpu.wait_dma2 semaphore(%run_scoped3A : memref<!tpu.dma_semaphore, #tpu.memory_space<semaphore_mem>>) src(%dma_wait3A_22 : memref<640x8xf32, #tpu.memory_space<vmem_shared>>) dst(%dma_wait3A_20 : memref<640x8xf32, #tpu.memory_space<hbm>>)
      tpu.yield
    }) : () -> ()
    return
  }
}

#map = affine_map<(d0, d1) -> (0, 0)>
#map1 = affine_map<(d0, d1) -> (0, 0, 0)>
module attributes {stable_mosaic.version = 14 : i64} {
  func.func @_sc_scatter(%arg0: i32, %arg1: i32, %arg2: memref<10000x64xf32, #tpu.memory_space<hbm>>, %arg3: memref<2560x128xi32, #tpu.memory_space<hbm>>, %arg4: memref<2560x128xi32, #tpu.memory_space<hbm>>, %arg5: memref<640x64xf32, #tpu.memory_space<hbm>>, %arg6: memref<2x10240x64xf32, #tpu.memory_space<hbm>>, %arg7: memref<80x128xi32, #tpu.memory_space<vmem>>, %arg8: memref<80x128xi32, #tpu.memory_space<vmem>>, %arg9: memref<128x64xf32, #tpu.memory_space<vmem>>, %arg10: memref<128x64xf32, #tpu.memory_space<vmem>>, %arg11: memref<128x64xf32, #tpu.memory_space<vmem>>, %arg12: memref<128x64xf32, #tpu.memory_space<vmem>>, %arg13: memref<128x64xf32, #tpu.memory_space<vmem>>, %arg14: memref<128x64xf32, #tpu.memory_space<vmem>>, %arg15: memref<128x64xf32, #tpu.memory_space<vmem>>, %arg16: memref<128x64xf32, #tpu.memory_space<vmem>>, %arg17: memref<10240x64xf32, #tpu.memory_space<vmem_shared>>, %arg18: memref<!tpu.dma_semaphore, #tpu.memory_space<semaphore_mem>>, %arg19: memref<!tpu.dma_semaphore, #tpu.memory_space<semaphore_mem>>, %arg20: memref<!tpu.dma_semaphore, #tpu.memory_space<semaphore_mem>>, %arg21: memref<!tpu.dma_semaphore, #tpu.memory_space<semaphore_mem>>, %arg22: memref<!tpu.dma_semaphore, #tpu.memory_space<semaphore_mem>>, %arg23: memref<!tpu.dma_semaphore, #tpu.memory_space<semaphore_mem>>, %arg24: memref<!tpu.dma_semaphore, #tpu.memory_space<semaphore_mem>>, %arg25: memref<!tpu.dma_semaphore, #tpu.memory_space<semaphore_mem>>) attributes {dimension_semantics = [#tpu.dimension_semantics<core_parallel>, #tpu.dimension_semantics<subcore_parallel>], iteration_bounds = array<i64: 2, 16>, scalar_prefetch = 0 : i64, scratch_operands = 19 : i64, tpu.core_type = #tpu.core_type<sc_vector_subcore>, window_params = [{transform_indices = #map}, {transform_indices = #map}, {transform_indices = #map}, {transform_indices = #map}, {transform_indices = #map1}]} {
    %mul3A = arith.constant 16 : i32
    %mul3A_0 = arith.muli %arg0, %mul3A : i32
    %add3A = arith.addi %mul3A_0, %arg1 : i32
    %mul3A_1 = arith.constant 640 : i32
    %mul3A_2 = arith.muli %arg1, %mul3A_1 : i32
    "tpu.region"() ({
      %run_scoped3A = tpu.sem_alloc : memref<!tpu.dma_semaphore, #tpu.memory_space<semaphore_mem>>
      %dma_start3A_72 = arith.constant 0 : i32
      %dma_start3A_73 = tpu.memref_slice %arg17[%mul3A_2, %dma_start3A_72] : memref<10240x64xf32, #tpu.memory_space<vmem_shared>> -> memref<640x64xf32, #tpu.memory_space<vmem_shared>>
      tpu.enqueue_dma source(%arg5 : memref<640x64xf32, #tpu.memory_space<hbm>>) target(%dma_start3A_73 : memref<640x64xf32, #tpu.memory_space<vmem_shared>>) target_semaphore(%run_scoped3A : memref<!tpu.dma_semaphore, #tpu.memory_space<semaphore_mem>>)
      %dma_wait3A = arith.constant 0 : i32
      %dma_wait3A_74 = tpu.memref_slice %arg17[%mul3A_2, %dma_wait3A] : memref<10240x64xf32, #tpu.memory_space<vmem_shared>> -> memref<640x64xf32, #tpu.memory_space<vmem_shared>>
      tpu.wait_dma2 semaphore(%run_scoped3A : memref<!tpu.dma_semaphore, #tpu.memory_space<semaphore_mem>>) src(%arg5 : memref<640x64xf32, #tpu.memory_space<hbm>>) dst(%dma_wait3A_74 : memref<640x64xf32, #tpu.memory_space<vmem_shared>>)
      tpu.yield
    }) : () -> ()
    %mul3A_3 = arith.constant 80 : i32
    %mul3A_4 = arith.muli %add3A, %mul3A_3 : i32
    "tpu.region"() ({
      %run_scoped3A = tpu.sem_alloc : memref<!tpu.dma_semaphore, #tpu.memory_space<semaphore_mem>>
      %dma_start3A_72 = arith.constant 0 : i32
      %dma_start3A_73 = tpu.memref_slice %arg3[%mul3A_4, %dma_start3A_72] : memref<2560x128xi32, #tpu.memory_space<hbm>> -> memref<80x128xi32, #tpu.memory_space<hbm>>
      %dma_start3A_74 = arith.constant 0 : i32
      %dma_start3A_75 = tpu.memref_slice %arg3[%mul3A_4, %dma_start3A_74] : memref<2560x128xi32, #tpu.memory_space<hbm>> -> memref<80x128xi32, #tpu.memory_space<hbm>>
      tpu.enqueue_dma source(%dma_start3A_75 : memref<80x128xi32, #tpu.memory_space<hbm>>) target(%arg7 : memref<80x128xi32, #tpu.memory_space<vmem>>) target_semaphore(%run_scoped3A : memref<!tpu.dma_semaphore, #tpu.memory_space<semaphore_mem>>)
      %dma_wait3A = arith.constant 0 : i32
      %dma_wait3A_76 = tpu.memref_slice %arg3[%mul3A_4, %dma_wait3A] : memref<2560x128xi32, #tpu.memory_space<hbm>> -> memref<80x128xi32, #tpu.memory_space<hbm>>
      %dma_wait3A_77 = arith.constant 0 : i32
      %dma_wait3A_78 = tpu.memref_slice %arg3[%mul3A_4, %dma_wait3A_77] : memref<2560x128xi32, #tpu.memory_space<hbm>> -> memref<80x128xi32, #tpu.memory_space<hbm>>
      tpu.wait_dma2 semaphore(%run_scoped3A : memref<!tpu.dma_semaphore, #tpu.memory_space<semaphore_mem>>) src(%dma_wait3A_78 : memref<80x128xi32, #tpu.memory_space<hbm>>) dst(%arg7 : memref<80x128xi32, #tpu.memory_space<vmem>>)
      tpu.yield
    }) : () -> ()
    %mul3A_5 = arith.constant 80 : i32
    %mul3A_6 = arith.muli %add3A, %mul3A_5 : i32
    "tpu.region"() ({
      %run_scoped3A = tpu.sem_alloc : memref<!tpu.dma_semaphore, #tpu.memory_space<semaphore_mem>>
      %dma_start3A_72 = arith.constant 0 : i32
      %dma_start3A_73 = tpu.memref_slice %arg4[%mul3A_6, %dma_start3A_72] : memref<2560x128xi32, #tpu.memory_space<hbm>> -> memref<80x128xi32, #tpu.memory_space<hbm>>
      %dma_start3A_74 = arith.constant 0 : i32
      %dma_start3A_75 = tpu.memref_slice %arg4[%mul3A_6, %dma_start3A_74] : memref<2560x128xi32, #tpu.memory_space<hbm>> -> memref<80x128xi32, #tpu.memory_space<hbm>>
      tpu.enqueue_dma source(%dma_start3A_75 : memref<80x128xi32, #tpu.memory_space<hbm>>) target(%arg8 : memref<80x128xi32, #tpu.memory_space<vmem>>) target_semaphore(%run_scoped3A : memref<!tpu.dma_semaphore, #tpu.memory_space<semaphore_mem>>)
      %dma_wait3A = arith.constant 0 : i32
      %dma_wait3A_76 = tpu.memref_slice %arg4[%mul3A_6, %dma_wait3A] : memref<2560x128xi32, #tpu.memory_space<hbm>> -> memref<80x128xi32, #tpu.memory_space<hbm>>
      %dma_wait3A_77 = arith.constant 0 : i32
      %dma_wait3A_78 = tpu.memref_slice %arg4[%mul3A_6, %dma_wait3A_77] : memref<2560x128xi32, #tpu.memory_space<hbm>> -> memref<80x128xi32, #tpu.memory_space<hbm>>
      tpu.wait_dma2 semaphore(%run_scoped3A : memref<!tpu.dma_semaphore, #tpu.memory_space<semaphore_mem>>) src(%dma_wait3A_78 : memref<80x128xi32, #tpu.memory_space<hbm>>) dst(%arg8 : memref<80x128xi32, #tpu.memory_space<vmem>>)
      tpu.yield
    }) : () -> ()
    %barrier3A = arith.constant 0 : index
    tpu.barrier barrier_id(%barrier3A)
    %dma_start3A = arith.constant 0 : i32
    %dma_start3A_7 = arith.constant 0 : i32
    %dma_start3A_8 = tpu.memref_slice %arg7[%dma_start3A, %dma_start3A_7] : memref<80x128xi32, #tpu.memory_space<vmem>> -> memref<1x128xi32, #tpu.memory_space<vmem>>
    %dma_start3A_9 = tpu.memref_squeeze %dma_start3A_8 : memref<1x128xi32, #tpu.memory_space<vmem>> -> memref<128xi32, #tpu.memory_space<vmem>>
    %dma_start3A_10 = arith.constant 0 : i32
    %dma_start3A_11 = arith.constant 0 : i32
    %dma_start3A_12 = tpu.memref_slice %arg2[%dma_start3A_10, %dma_start3A_11] : memref<10000x64xf32, #tpu.memory_space<hbm>> -> memref<10000x64xf32, #tpu.memory_space<hbm>>
    tpu.enqueue_indirect_dma source(%dma_start3A_12 : memref<10000x64xf32, #tpu.memory_space<hbm>>) target(%arg9 : memref<128x64xf32, #tpu.memory_space<vmem>>) offsets(%dma_start3A_9 : memref<128xi32, #tpu.memory_space<vmem>>) semaphore(%arg18 : memref<!tpu.dma_semaphore, #tpu.memory_space<semaphore_mem>>)
    %dma_start3A_13 = arith.constant 1 : i32
    %dma_start3A_14 = arith.constant 0 : i32
    %dma_start3A_15 = tpu.memref_slice %arg7[%dma_start3A_13, %dma_start3A_14] : memref<80x128xi32, #tpu.memory_space<vmem>> -> memref<1x128xi32, #tpu.memory_space<vmem>>
    %dma_start3A_16 = tpu.memref_squeeze %dma_start3A_15 : memref<1x128xi32, #tpu.memory_space<vmem>> -> memref<128xi32, #tpu.memory_space<vmem>>
    %dma_start3A_17 = arith.constant 0 : i32
    %dma_start3A_18 = arith.constant 0 : i32
    %dma_start3A_19 = tpu.memref_slice %arg2[%dma_start3A_17, %dma_start3A_18] : memref<10000x64xf32, #tpu.memory_space<hbm>> -> memref<10000x64xf32, #tpu.memory_space<hbm>>
    tpu.enqueue_indirect_dma source(%dma_start3A_19 : memref<10000x64xf32, #tpu.memory_space<hbm>>) target(%arg10 : memref<128x64xf32, #tpu.memory_space<vmem>>) offsets(%dma_start3A_16 : memref<128xi32, #tpu.memory_space<vmem>>) semaphore(%arg19 : memref<!tpu.dma_semaphore, #tpu.memory_space<semaphore_mem>>)
    %dma_start3A_20 = arith.constant 2 : i32
    %dma_start3A_21 = arith.constant 0 : i32
    %dma_start3A_22 = tpu.memref_slice %arg7[%dma_start3A_20, %dma_start3A_21] : memref<80x128xi32, #tpu.memory_space<vmem>> -> memref<1x128xi32, #tpu.memory_space<vmem>>
    %dma_start3A_23 = tpu.memref_squeeze %dma_start3A_22 : memref<1x128xi32, #tpu.memory_space<vmem>> -> memref<128xi32, #tpu.memory_space<vmem>>
    %dma_start3A_24 = arith.constant 0 : i32
    %dma_start3A_25 = arith.constant 0 : i32
    %dma_start3A_26 = tpu.memref_slice %arg2[%dma_start3A_24, %dma_start3A_25] : memref<10000x64xf32, #tpu.memory_space<hbm>> -> memref<10000x64xf32, #tpu.memory_space<hbm>>
    tpu.enqueue_indirect_dma source(%dma_start3A_26 : memref<10000x64xf32, #tpu.memory_space<hbm>>) target(%arg11 : memref<128x64xf32, #tpu.memory_space<vmem>>) offsets(%dma_start3A_23 : memref<128xi32, #tpu.memory_space<vmem>>) semaphore(%arg20 : memref<!tpu.dma_semaphore, #tpu.memory_space<semaphore_mem>>)
    %dma_start3A_27 = arith.constant 3 : i32
    %dma_start3A_28 = arith.constant 0 : i32
    %dma_start3A_29 = tpu.memref_slice %arg7[%dma_start3A_27, %dma_start3A_28] : memref<80x128xi32, #tpu.memory_space<vmem>> -> memref<1x128xi32, #tpu.memory_space<vmem>>
    %dma_start3A_30 = tpu.memref_squeeze %dma_start3A_29 : memref<1x128xi32, #tpu.memory_space<vmem>> -> memref<128xi32, #tpu.memory_space<vmem>>
    %dma_start3A_31 = arith.constant 0 : i32
    %dma_start3A_32 = arith.constant 0 : i32
    %dma_start3A_33 = tpu.memref_slice %arg2[%dma_start3A_31, %dma_start3A_32] : memref<10000x64xf32, #tpu.memory_space<hbm>> -> memref<10000x64xf32, #tpu.memory_space<hbm>>
    tpu.enqueue_indirect_dma source(%dma_start3A_33 : memref<10000x64xf32, #tpu.memory_space<hbm>>) target(%arg12 : memref<128x64xf32, #tpu.memory_space<vmem>>) offsets(%dma_start3A_30 : memref<128xi32, #tpu.memory_space<vmem>>) semaphore(%arg21 : memref<!tpu.dma_semaphore, #tpu.memory_space<semaphore_mem>>)
    %dma_start3A_34 = arith.constant 4 : i32
    %dma_start3A_35 = arith.constant 0 : i32
    %dma_start3A_36 = tpu.memref_slice %arg7[%dma_start3A_34, %dma_start3A_35] : memref<80x128xi32, #tpu.memory_space<vmem>> -> memref<1x128xi32, #tpu.memory_space<vmem>>
    %dma_start3A_37 = tpu.memref_squeeze %dma_start3A_36 : memref<1x128xi32, #tpu.memory_space<vmem>> -> memref<128xi32, #tpu.memory_space<vmem>>
    %dma_start3A_38 = arith.constant 0 : i32
    %dma_start3A_39 = arith.constant 0 : i32
    %dma_start3A_40 = tpu.memref_slice %arg2[%dma_start3A_38, %dma_start3A_39] : memref<10000x64xf32, #tpu.memory_space<hbm>> -> memref<10000x64xf32, #tpu.memory_space<hbm>>
    tpu.enqueue_indirect_dma source(%dma_start3A_40 : memref<10000x64xf32, #tpu.memory_space<hbm>>) target(%arg13 : memref<128x64xf32, #tpu.memory_space<vmem>>) offsets(%dma_start3A_37 : memref<128xi32, #tpu.memory_space<vmem>>) semaphore(%arg22 : memref<!tpu.dma_semaphore, #tpu.memory_space<semaphore_mem>>)
    %dma_start3A_41 = arith.constant 5 : i32
    %dma_start3A_42 = arith.constant 0 : i32
    %dma_start3A_43 = tpu.memref_slice %arg7[%dma_start3A_41, %dma_start3A_42] : memref<80x128xi32, #tpu.memory_space<vmem>> -> memref<1x128xi32, #tpu.memory_space<vmem>>
    %dma_start3A_44 = tpu.memref_squeeze %dma_start3A_43 : memref<1x128xi32, #tpu.memory_space<vmem>> -> memref<128xi32, #tpu.memory_space<vmem>>
    %dma_start3A_45 = arith.constant 0 : i32
    %dma_start3A_46 = arith.constant 0 : i32
    %dma_start3A_47 = tpu.memref_slice %arg2[%dma_start3A_45, %dma_start3A_46] : memref<10000x64xf32, #tpu.memory_space<hbm>> -> memref<10000x64xf32, #tpu.memory_space<hbm>>
    tpu.enqueue_indirect_dma source(%dma_start3A_47 : memref<10000x64xf32, #tpu.memory_space<hbm>>) target(%arg14 : memref<128x64xf32, #tpu.memory_space<vmem>>) offsets(%dma_start3A_44 : memref<128xi32, #tpu.memory_space<vmem>>) semaphore(%arg23 : memref<!tpu.dma_semaphore, #tpu.memory_space<semaphore_mem>>)
    %dma_start3A_48 = arith.constant 6 : i32
    %dma_start3A_49 = arith.constant 0 : i32
    %dma_start3A_50 = tpu.memref_slice %arg7[%dma_start3A_48, %dma_start3A_49] : memref<80x128xi32, #tpu.memory_space<vmem>> -> memref<1x128xi32, #tpu.memory_space<vmem>>
    %dma_start3A_51 = tpu.memref_squeeze %dma_start3A_50 : memref<1x128xi32, #tpu.memory_space<vmem>> -> memref<128xi32, #tpu.memory_space<vmem>>
    %dma_start3A_52 = arith.constant 0 : i32
    %dma_start3A_53 = arith.constant 0 : i32
    %dma_start3A_54 = tpu.memref_slice %arg2[%dma_start3A_52, %dma_start3A_53] : memref<10000x64xf32, #tpu.memory_space<hbm>> -> memref<10000x64xf32, #tpu.memory_space<hbm>>
    tpu.enqueue_indirect_dma source(%dma_start3A_54 : memref<10000x64xf32, #tpu.memory_space<hbm>>) target(%arg15 : memref<128x64xf32, #tpu.memory_space<vmem>>) offsets(%dma_start3A_51 : memref<128xi32, #tpu.memory_space<vmem>>) semaphore(%arg24 : memref<!tpu.dma_semaphore, #tpu.memory_space<semaphore_mem>>)
    %dma_start3A_55 = arith.constant 7 : i32
    %dma_start3A_56 = arith.constant 0 : i32
    %dma_start3A_57 = tpu.memref_slice %arg7[%dma_start3A_55, %dma_start3A_56] : memref<80x128xi32, #tpu.memory_space<vmem>> -> memref<1x128xi32, #tpu.memory_space<vmem>>
    %dma_start3A_58 = tpu.memref_squeeze %dma_start3A_57 : memref<1x128xi32, #tpu.memory_space<vmem>> -> memref<128xi32, #tpu.memory_space<vmem>>
    %dma_start3A_59 = arith.constant 0 : i32
    %dma_start3A_60 = arith.constant 0 : i32
    %dma_start3A_61 = tpu.memref_slice %arg2[%dma_start3A_59, %dma_start3A_60] : memref<10000x64xf32, #tpu.memory_space<hbm>> -> memref<10000x64xf32, #tpu.memory_space<hbm>>
    tpu.enqueue_indirect_dma source(%dma_start3A_61 : memref<10000x64xf32, #tpu.memory_space<hbm>>) target(%arg16 : memref<128x64xf32, #tpu.memory_space<vmem>>) offsets(%dma_start3A_58 : memref<128xi32, #tpu.memory_space<vmem>>) semaphore(%arg25 : memref<!tpu.dma_semaphore, #tpu.memory_space<semaphore_mem>>)
    %scan3A = arith.constant 0 : i32
    %scan3A_62 = arith.constant 0 : i32
    %scan3A_63 = arith.constant 10 : i32
    %scan3A_64 = arith.addi %scan3A_62, %scan3A_63 : i32
    %scan3A_65 = arith.constant 1 : i32
    scf.for %scan3A_72 = %scan3A_62 to %scan3A_64 step %scan3A_65  : i32 {
      %mul3A_73 = arith.constant 8 : i32
      %mul3A_74 = arith.muli %scan3A_72, %mul3A_73 : i32
      %add3A_75 = arith.constant 0 : i32
      %add3A_76 = arith.addi %mul3A_74, %add3A_75 : i32
      %dma_wait3A = arith.constant 0 : i32
      %dma_wait3A_77 = tpu.memref_slice %arg7[%add3A_76, %dma_wait3A] : memref<80x128xi32, #tpu.memory_space<vmem>> -> memref<1x128xi32, #tpu.memory_space<vmem>>
      %dma_wait3A_78 = tpu.memref_squeeze %dma_wait3A_77 : memref<1x128xi32, #tpu.memory_space<vmem>> -> memref<128xi32, #tpu.memory_space<vmem>>
      %dma_wait3A_79 = arith.constant 0 : i32
      %dma_wait3A_80 = arith.constant 0 : i32
      %dma_wait3A_81 = tpu.memref_slice %arg2[%dma_wait3A_79, %dma_wait3A_80] : memref<10000x64xf32, #tpu.memory_space<hbm>> -> memref<10000x64xf32, #tpu.memory_space<hbm>>
      tpu.wait_indirect_dma semaphore(%arg18 : memref<!tpu.dma_semaphore, #tpu.memory_space<semaphore_mem>>) src(%dma_wait3A_81 : memref<10000x64xf32, #tpu.memory_space<hbm>>) dst(%arg9 : memref<128x64xf32, #tpu.memory_space<vmem>>)
      "tpu.region"() ({
        %run_scoped3A = tpu.sem_alloc : memref<!tpu.dma_semaphore, #tpu.memory_space<semaphore_mem>>
        %dma_start3A_189 = arith.constant 0 : i32
        %dma_start3A_190 = tpu.memref_slice %arg8[%add3A_76, %dma_start3A_189] : memref<80x128xi32, #tpu.memory_space<vmem>> -> memref<1x128xi32, #tpu.memory_space<vmem>>
        %dma_start3A_191 = tpu.memref_squeeze %dma_start3A_190 : memref<1x128xi32, #tpu.memory_space<vmem>> -> memref<128xi32, #tpu.memory_space<vmem>>
        %dma_start3A_192 = arith.constant 0 : i32
        %dma_start3A_193 = arith.constant 0 : i32
        %dma_start3A_194 = tpu.memref_slice %arg17[%dma_start3A_192, %dma_start3A_193] : memref<10240x64xf32, #tpu.memory_space<vmem_shared>> -> memref<10240x64xf32, #tpu.memory_space<vmem_shared>>
        tpu.enqueue_indirect_dma source(%arg9 : memref<128x64xf32, #tpu.memory_space<vmem>>) target(%dma_start3A_194 : memref<10240x64xf32, #tpu.memory_space<vmem_shared>>) offsets(%dma_start3A_191 : memref<128xi32, #tpu.memory_space<vmem>>) semaphore(%run_scoped3A : memref<!tpu.dma_semaphore, #tpu.memory_space<semaphore_mem>>) {add = true}
        %dma_wait3A_195 = arith.constant 0 : i32
        %dma_wait3A_196 = tpu.memref_slice %arg8[%add3A_76, %dma_wait3A_195] : memref<80x128xi32, #tpu.memory_space<vmem>> -> memref<1x128xi32, #tpu.memory_space<vmem>>
        %dma_wait3A_197 = tpu.memref_squeeze %dma_wait3A_196 : memref<1x128xi32, #tpu.memory_space<vmem>> -> memref<128xi32, #tpu.memory_space<vmem>>
        %dma_wait3A_198 = arith.constant 0 : i32
        %dma_wait3A_199 = arith.constant 0 : i32
        %dma_wait3A_200 = tpu.memref_slice %arg17[%dma_wait3A_198, %dma_wait3A_199] : memref<10240x64xf32, #tpu.memory_space<vmem_shared>> -> memref<10240x64xf32, #tpu.memory_space<vmem_shared>>
        tpu.wait_indirect_dma semaphore(%run_scoped3A : memref<!tpu.dma_semaphore, #tpu.memory_space<semaphore_mem>>) src(%arg9 : memref<128x64xf32, #tpu.memory_space<vmem>>) dst(%dma_wait3A_200 : memref<10240x64xf32, #tpu.memory_space<vmem_shared>>)
        tpu.yield
      }) : () -> ()
      %lt3A = arith.constant 9 : i32
      %lt3A_82 = arith.cmpi slt, %scan3A_72, %lt3A : i32
      %convert_element_type3A = arith.extui %lt3A_82 : i1 to i32
      %cond3A = arith.constant 0 : i32
      %cond3A_83 = arith.cmpi ne, %convert_element_type3A, %cond3A : i32
      scf.if %cond3A_83 {
        %add3A_189 = arith.constant 8 : i32
        %add3A_190 = arith.addi %add3A_76, %add3A_189 : i32
        %dma_start3A_191 = arith.constant 0 : i32
        %dma_start3A_192 = tpu.memref_slice %arg7[%add3A_190, %dma_start3A_191] : memref<80x128xi32, #tpu.memory_space<vmem>> -> memref<1x128xi32, #tpu.memory_space<vmem>>
        %dma_start3A_193 = tpu.memref_squeeze %dma_start3A_192 : memref<1x128xi32, #tpu.memory_space<vmem>> -> memref<128xi32, #tpu.memory_space<vmem>>
        %dma_start3A_194 = arith.constant 0 : i32
        %dma_start3A_195 = arith.constant 0 : i32
        %dma_start3A_196 = tpu.memref_slice %arg2[%dma_start3A_194, %dma_start3A_195] : memref<10000x64xf32, #tpu.memory_space<hbm>> -> memref<10000x64xf32, #tpu.memory_space<hbm>>
        tpu.enqueue_indirect_dma source(%dma_start3A_196 : memref<10000x64xf32, #tpu.memory_space<hbm>>) target(%arg9 : memref<128x64xf32, #tpu.memory_space<vmem>>) offsets(%dma_start3A_193 : memref<128xi32, #tpu.memory_space<vmem>>) semaphore(%arg18 : memref<!tpu.dma_semaphore, #tpu.memory_space<semaphore_mem>>)
      } else {
      }
      %mul3A_84 = arith.constant 8 : i32
      %mul3A_85 = arith.muli %scan3A_72, %mul3A_84 : i32
      %add3A_86 = arith.constant 1 : i32
      %add3A_87 = arith.addi %mul3A_85, %add3A_86 : i32
      %dma_wait3A_88 = arith.constant 0 : i32
      %dma_wait3A_89 = tpu.memref_slice %arg7[%add3A_87, %dma_wait3A_88] : memref<80x128xi32, #tpu.memory_space<vmem>> -> memref<1x128xi32, #tpu.memory_space<vmem>>
      %dma_wait3A_90 = tpu.memref_squeeze %dma_wait3A_89 : memref<1x128xi32, #tpu.memory_space<vmem>> -> memref<128xi32, #tpu.memory_space<vmem>>
      %dma_wait3A_91 = arith.constant 0 : i32
      %dma_wait3A_92 = arith.constant 0 : i32
      %dma_wait3A_93 = tpu.memref_slice %arg2[%dma_wait3A_91, %dma_wait3A_92] : memref<10000x64xf32, #tpu.memory_space<hbm>> -> memref<10000x64xf32, #tpu.memory_space<hbm>>
      tpu.wait_indirect_dma semaphore(%arg19 : memref<!tpu.dma_semaphore, #tpu.memory_space<semaphore_mem>>) src(%dma_wait3A_93 : memref<10000x64xf32, #tpu.memory_space<hbm>>) dst(%arg10 : memref<128x64xf32, #tpu.memory_space<vmem>>)
      "tpu.region"() ({
        %run_scoped3A = tpu.sem_alloc : memref<!tpu.dma_semaphore, #tpu.memory_space<semaphore_mem>>
        %dma_start3A_189 = arith.constant 0 : i32
        %dma_start3A_190 = tpu.memref_slice %arg8[%add3A_87, %dma_start3A_189] : memref<80x128xi32, #tpu.memory_space<vmem>> -> memref<1x128xi32, #tpu.memory_space<vmem>>
        %dma_start3A_191 = tpu.memref_squeeze %dma_start3A_190 : memref<1x128xi32, #tpu.memory_space<vmem>> -> memref<128xi32, #tpu.memory_space<vmem>>
        %dma_start3A_192 = arith.constant 0 : i32
        %dma_start3A_193 = arith.constant 0 : i32
        %dma_start3A_194 = tpu.memref_slice %arg17[%dma_start3A_192, %dma_start3A_193] : memref<10240x64xf32, #tpu.memory_space<vmem_shared>> -> memref<10240x64xf32, #tpu.memory_space<vmem_shared>>
        tpu.enqueue_indirect_dma source(%arg10 : memref<128x64xf32, #tpu.memory_space<vmem>>) target(%dma_start3A_194 : memref<10240x64xf32, #tpu.memory_space<vmem_shared>>) offsets(%dma_start3A_191 : memref<128xi32, #tpu.memory_space<vmem>>) semaphore(%run_scoped3A : memref<!tpu.dma_semaphore, #tpu.memory_space<semaphore_mem>>) {add = true}
        %dma_wait3A_195 = arith.constant 0 : i32
        %dma_wait3A_196 = tpu.memref_slice %arg8[%add3A_87, %dma_wait3A_195] : memref<80x128xi32, #tpu.memory_space<vmem>> -> memref<1x128xi32, #tpu.memory_space<vmem>>
        %dma_wait3A_197 = tpu.memref_squeeze %dma_wait3A_196 : memref<1x128xi32, #tpu.memory_space<vmem>> -> memref<128xi32, #tpu.memory_space<vmem>>
        %dma_wait3A_198 = arith.constant 0 : i32
        %dma_wait3A_199 = arith.constant 0 : i32
        %dma_wait3A_200 = tpu.memref_slice %arg17[%dma_wait3A_198, %dma_wait3A_199] : memref<10240x64xf32, #tpu.memory_space<vmem_shared>> -> memref<10240x64xf32, #tpu.memory_space<vmem_shared>>
        tpu.wait_indirect_dma semaphore(%run_scoped3A : memref<!tpu.dma_semaphore, #tpu.memory_space<semaphore_mem>>) src(%arg10 : memref<128x64xf32, #tpu.memory_space<vmem>>) dst(%dma_wait3A_200 : memref<10240x64xf32, #tpu.memory_space<vmem_shared>>)
        tpu.yield
      }) : () -> ()
      %lt3A_94 = arith.constant 9 : i32
      %lt3A_95 = arith.cmpi slt, %scan3A_72, %lt3A_94 : i32
      %convert_element_type3A_96 = arith.extui %lt3A_95 : i1 to i32
      %cond3A_97 = arith.constant 0 : i32
      %cond3A_98 = arith.cmpi ne, %convert_element_type3A_96, %cond3A_97 : i32
      scf.if %cond3A_98 {
        %add3A_189 = arith.constant 8 : i32
        %add3A_190 = arith.addi %add3A_87, %add3A_189 : i32
        %dma_start3A_191 = arith.constant 0 : i32
        %dma_start3A_192 = tpu.memref_slice %arg7[%add3A_190, %dma_start3A_191] : memref<80x128xi32, #tpu.memory_space<vmem>> -> memref<1x128xi32, #tpu.memory_space<vmem>>
        %dma_start3A_193 = tpu.memref_squeeze %dma_start3A_192 : memref<1x128xi32, #tpu.memory_space<vmem>> -> memref<128xi32, #tpu.memory_space<vmem>>
        %dma_start3A_194 = arith.constant 0 : i32
        %dma_start3A_195 = arith.constant 0 : i32
        %dma_start3A_196 = tpu.memref_slice %arg2[%dma_start3A_194, %dma_start3A_195] : memref<10000x64xf32, #tpu.memory_space<hbm>> -> memref<10000x64xf32, #tpu.memory_space<hbm>>
        tpu.enqueue_indirect_dma source(%dma_start3A_196 : memref<10000x64xf32, #tpu.memory_space<hbm>>) target(%arg10 : memref<128x64xf32, #tpu.memory_space<vmem>>) offsets(%dma_start3A_193 : memref<128xi32, #tpu.memory_space<vmem>>) semaphore(%arg19 : memref<!tpu.dma_semaphore, #tpu.memory_space<semaphore_mem>>)
      } else {
      }
      %mul3A_99 = arith.constant 8 : i32
      %mul3A_100 = arith.muli %scan3A_72, %mul3A_99 : i32
      %add3A_101 = arith.constant 2 : i32
      %add3A_102 = arith.addi %mul3A_100, %add3A_101 : i32
      %dma_wait3A_103 = arith.constant 0 : i32
      %dma_wait3A_104 = tpu.memref_slice %arg7[%add3A_102, %dma_wait3A_103] : memref<80x128xi32, #tpu.memory_space<vmem>> -> memref<1x128xi32, #tpu.memory_space<vmem>>
      %dma_wait3A_105 = tpu.memref_squeeze %dma_wait3A_104 : memref<1x128xi32, #tpu.memory_space<vmem>> -> memref<128xi32, #tpu.memory_space<vmem>>
      %dma_wait3A_106 = arith.constant 0 : i32
      %dma_wait3A_107 = arith.constant 0 : i32
      %dma_wait3A_108 = tpu.memref_slice %arg2[%dma_wait3A_106, %dma_wait3A_107] : memref<10000x64xf32, #tpu.memory_space<hbm>> -> memref<10000x64xf32, #tpu.memory_space<hbm>>
      tpu.wait_indirect_dma semaphore(%arg20 : memref<!tpu.dma_semaphore, #tpu.memory_space<semaphore_mem>>) src(%dma_wait3A_108 : memref<10000x64xf32, #tpu.memory_space<hbm>>) dst(%arg11 : memref<128x64xf32, #tpu.memory_space<vmem>>)
      "tpu.region"() ({
        %run_scoped3A = tpu.sem_alloc : memref<!tpu.dma_semaphore, #tpu.memory_space<semaphore_mem>>
        %dma_start3A_189 = arith.constant 0 : i32
        %dma_start3A_190 = tpu.memref_slice %arg8[%add3A_102, %dma_start3A_189] : memref<80x128xi32, #tpu.memory_space<vmem>> -> memref<1x128xi32, #tpu.memory_space<vmem>>
        %dma_start3A_191 = tpu.memref_squeeze %dma_start3A_190 : memref<1x128xi32, #tpu.memory_space<vmem>> -> memref<128xi32, #tpu.memory_space<vmem>>
        %dma_start3A_192 = arith.constant 0 : i32
        %dma_start3A_193 = arith.constant 0 : i32
        %dma_start3A_194 = tpu.memref_slice %arg17[%dma_start3A_192, %dma_start3A_193] : memref<10240x64xf32, #tpu.memory_space<vmem_shared>> -> memref<10240x64xf32, #tpu.memory_space<vmem_shared>>
        tpu.enqueue_indirect_dma source(%arg11 : memref<128x64xf32, #tpu.memory_space<vmem>>) target(%dma_start3A_194 : memref<10240x64xf32, #tpu.memory_space<vmem_shared>>) offsets(%dma_start3A_191 : memref<128xi32, #tpu.memory_space<vmem>>) semaphore(%run_scoped3A : memref<!tpu.dma_semaphore, #tpu.memory_space<semaphore_mem>>) {add = true}
        %dma_wait3A_195 = arith.constant 0 : i32
        %dma_wait3A_196 = tpu.memref_slice %arg8[%add3A_102, %dma_wait3A_195] : memref<80x128xi32, #tpu.memory_space<vmem>> -> memref<1x128xi32, #tpu.memory_space<vmem>>
        %dma_wait3A_197 = tpu.memref_squeeze %dma_wait3A_196 : memref<1x128xi32, #tpu.memory_space<vmem>> -> memref<128xi32, #tpu.memory_space<vmem>>
        %dma_wait3A_198 = arith.constant 0 : i32
        %dma_wait3A_199 = arith.constant 0 : i32
        %dma_wait3A_200 = tpu.memref_slice %arg17[%dma_wait3A_198, %dma_wait3A_199] : memref<10240x64xf32, #tpu.memory_space<vmem_shared>> -> memref<10240x64xf32, #tpu.memory_space<vmem_shared>>
        tpu.wait_indirect_dma semaphore(%run_scoped3A : memref<!tpu.dma_semaphore, #tpu.memory_space<semaphore_mem>>) src(%arg11 : memref<128x64xf32, #tpu.memory_space<vmem>>) dst(%dma_wait3A_200 : memref<10240x64xf32, #tpu.memory_space<vmem_shared>>)
        tpu.yield
      }) : () -> ()
      %lt3A_109 = arith.constant 9 : i32
      %lt3A_110 = arith.cmpi slt, %scan3A_72, %lt3A_109 : i32
      %convert_element_type3A_111 = arith.extui %lt3A_110 : i1 to i32
      %cond3A_112 = arith.constant 0 : i32
      %cond3A_113 = arith.cmpi ne, %convert_element_type3A_111, %cond3A_112 : i32
      scf.if %cond3A_113 {
        %add3A_189 = arith.constant 8 : i32
        %add3A_190 = arith.addi %add3A_102, %add3A_189 : i32
        %dma_start3A_191 = arith.constant 0 : i32
        %dma_start3A_192 = tpu.memref_slice %arg7[%add3A_190, %dma_start3A_191] : memref<80x128xi32, #tpu.memory_space<vmem>> -> memref<1x128xi32, #tpu.memory_space<vmem>>
        %dma_start3A_193 = tpu.memref_squeeze %dma_start3A_192 : memref<1x128xi32, #tpu.memory_space<vmem>> -> memref<128xi32, #tpu.memory_space<vmem>>
        %dma_start3A_194 = arith.constant 0 : i32
        %dma_start3A_195 = arith.constant 0 : i32
        %dma_start3A_196 = tpu.memref_slice %arg2[%dma_start3A_194, %dma_start3A_195] : memref<10000x64xf32, #tpu.memory_space<hbm>> -> memref<10000x64xf32, #tpu.memory_space<hbm>>
        tpu.enqueue_indirect_dma source(%dma_start3A_196 : memref<10000x64xf32, #tpu.memory_space<hbm>>) target(%arg11 : memref<128x64xf32, #tpu.memory_space<vmem>>) offsets(%dma_start3A_193 : memref<128xi32, #tpu.memory_space<vmem>>) semaphore(%arg20 : memref<!tpu.dma_semaphore, #tpu.memory_space<semaphore_mem>>)
      } else {
      }
      %mul3A_114 = arith.constant 8 : i32
      %mul3A_115 = arith.muli %scan3A_72, %mul3A_114 : i32
      %add3A_116 = arith.constant 3 : i32
      %add3A_117 = arith.addi %mul3A_115, %add3A_116 : i32
      %dma_wait3A_118 = arith.constant 0 : i32
      %dma_wait3A_119 = tpu.memref_slice %arg7[%add3A_117, %dma_wait3A_118] : memref<80x128xi32, #tpu.memory_space<vmem>> -> memref<1x128xi32, #tpu.memory_space<vmem>>
      %dma_wait3A_120 = tpu.memref_squeeze %dma_wait3A_119 : memref<1x128xi32, #tpu.memory_space<vmem>> -> memref<128xi32, #tpu.memory_space<vmem>>
      %dma_wait3A_121 = arith.constant 0 : i32
      %dma_wait3A_122 = arith.constant 0 : i32
      %dma_wait3A_123 = tpu.memref_slice %arg2[%dma_wait3A_121, %dma_wait3A_122] : memref<10000x64xf32, #tpu.memory_space<hbm>> -> memref<10000x64xf32, #tpu.memory_space<hbm>>
      tpu.wait_indirect_dma semaphore(%arg21 : memref<!tpu.dma_semaphore, #tpu.memory_space<semaphore_mem>>) src(%dma_wait3A_123 : memref<10000x64xf32, #tpu.memory_space<hbm>>) dst(%arg12 : memref<128x64xf32, #tpu.memory_space<vmem>>)
      "tpu.region"() ({
        %run_scoped3A = tpu.sem_alloc : memref<!tpu.dma_semaphore, #tpu.memory_space<semaphore_mem>>
        %dma_start3A_189 = arith.constant 0 : i32
        %dma_start3A_190 = tpu.memref_slice %arg8[%add3A_117, %dma_start3A_189] : memref<80x128xi32, #tpu.memory_space<vmem>> -> memref<1x128xi32, #tpu.memory_space<vmem>>
        %dma_start3A_191 = tpu.memref_squeeze %dma_start3A_190 : memref<1x128xi32, #tpu.memory_space<vmem>> -> memref<128xi32, #tpu.memory_space<vmem>>
        %dma_start3A_192 = arith.constant 0 : i32
        %dma_start3A_193 = arith.constant 0 : i32
        %dma_start3A_194 = tpu.memref_slice %arg17[%dma_start3A_192, %dma_start3A_193] : memref<10240x64xf32, #tpu.memory_space<vmem_shared>> -> memref<10240x64xf32, #tpu.memory_space<vmem_shared>>
        tpu.enqueue_indirect_dma source(%arg12 : memref<128x64xf32, #tpu.memory_space<vmem>>) target(%dma_start3A_194 : memref<10240x64xf32, #tpu.memory_space<vmem_shared>>) offsets(%dma_start3A_191 : memref<128xi32, #tpu.memory_space<vmem>>) semaphore(%run_scoped3A : memref<!tpu.dma_semaphore, #tpu.memory_space<semaphore_mem>>) {add = true}
        %dma_wait3A_195 = arith.constant 0 : i32
        %dma_wait3A_196 = tpu.memref_slice %arg8[%add3A_117, %dma_wait3A_195] : memref<80x128xi32, #tpu.memory_space<vmem>> -> memref<1x128xi32, #tpu.memory_space<vmem>>
        %dma_wait3A_197 = tpu.memref_squeeze %dma_wait3A_196 : memref<1x128xi32, #tpu.memory_space<vmem>> -> memref<128xi32, #tpu.memory_space<vmem>>
        %dma_wait3A_198 = arith.constant 0 : i32
        %dma_wait3A_199 = arith.constant 0 : i32
        %dma_wait3A_200 = tpu.memref_slice %arg17[%dma_wait3A_198, %dma_wait3A_199] : memref<10240x64xf32, #tpu.memory_space<vmem_shared>> -> memref<10240x64xf32, #tpu.memory_space<vmem_shared>>
        tpu.wait_indirect_dma semaphore(%run_scoped3A : memref<!tpu.dma_semaphore, #tpu.memory_space<semaphore_mem>>) src(%arg12 : memref<128x64xf32, #tpu.memory_space<vmem>>) dst(%dma_wait3A_200 : memref<10240x64xf32, #tpu.memory_space<vmem_shared>>)
        tpu.yield
      }) : () -> ()
      %lt3A_124 = arith.constant 9 : i32
      %lt3A_125 = arith.cmpi slt, %scan3A_72, %lt3A_124 : i32
      %convert_element_type3A_126 = arith.extui %lt3A_125 : i1 to i32
      %cond3A_127 = arith.constant 0 : i32
      %cond3A_128 = arith.cmpi ne, %convert_element_type3A_126, %cond3A_127 : i32
      scf.if %cond3A_128 {
        %add3A_189 = arith.constant 8 : i32
        %add3A_190 = arith.addi %add3A_117, %add3A_189 : i32
        %dma_start3A_191 = arith.constant 0 : i32
        %dma_start3A_192 = tpu.memref_slice %arg7[%add3A_190, %dma_start3A_191] : memref<80x128xi32, #tpu.memory_space<vmem>> -> memref<1x128xi32, #tpu.memory_space<vmem>>
        %dma_start3A_193 = tpu.memref_squeeze %dma_start3A_192 : memref<1x128xi32, #tpu.memory_space<vmem>> -> memref<128xi32, #tpu.memory_space<vmem>>
        %dma_start3A_194 = arith.constant 0 : i32
        %dma_start3A_195 = arith.constant 0 : i32
        %dma_start3A_196 = tpu.memref_slice %arg2[%dma_start3A_194, %dma_start3A_195] : memref<10000x64xf32, #tpu.memory_space<hbm>> -> memref<10000x64xf32, #tpu.memory_space<hbm>>
        tpu.enqueue_indirect_dma source(%dma_start3A_196 : memref<10000x64xf32, #tpu.memory_space<hbm>>) target(%arg12 : memref<128x64xf32, #tpu.memory_space<vmem>>) offsets(%dma_start3A_193 : memref<128xi32, #tpu.memory_space<vmem>>) semaphore(%arg21 : memref<!tpu.dma_semaphore, #tpu.memory_space<semaphore_mem>>)
      } else {
      }
      %mul3A_129 = arith.constant 8 : i32
      %mul3A_130 = arith.muli %scan3A_72, %mul3A_129 : i32
      %add3A_131 = arith.constant 4 : i32
      %add3A_132 = arith.addi %mul3A_130, %add3A_131 : i32
      %dma_wait3A_133 = arith.constant 0 : i32
      %dma_wait3A_134 = tpu.memref_slice %arg7[%add3A_132, %dma_wait3A_133] : memref<80x128xi32, #tpu.memory_space<vmem>> -> memref<1x128xi32, #tpu.memory_space<vmem>>
      %dma_wait3A_135 = tpu.memref_squeeze %dma_wait3A_134 : memref<1x128xi32, #tpu.memory_space<vmem>> -> memref<128xi32, #tpu.memory_space<vmem>>
      %dma_wait3A_136 = arith.constant 0 : i32
      %dma_wait3A_137 = arith.constant 0 : i32
      %dma_wait3A_138 = tpu.memref_slice %arg2[%dma_wait3A_136, %dma_wait3A_137] : memref<10000x64xf32, #tpu.memory_space<hbm>> -> memref<10000x64xf32, #tpu.memory_space<hbm>>
      tpu.wait_indirect_dma semaphore(%arg22 : memref<!tpu.dma_semaphore, #tpu.memory_space<semaphore_mem>>) src(%dma_wait3A_138 : memref<10000x64xf32, #tpu.memory_space<hbm>>) dst(%arg13 : memref<128x64xf32, #tpu.memory_space<vmem>>)
      "tpu.region"() ({
        %run_scoped3A = tpu.sem_alloc : memref<!tpu.dma_semaphore, #tpu.memory_space<semaphore_mem>>
        %dma_start3A_189 = arith.constant 0 : i32
        %dma_start3A_190 = tpu.memref_slice %arg8[%add3A_132, %dma_start3A_189] : memref<80x128xi32, #tpu.memory_space<vmem>> -> memref<1x128xi32, #tpu.memory_space<vmem>>
        %dma_start3A_191 = tpu.memref_squeeze %dma_start3A_190 : memref<1x128xi32, #tpu.memory_space<vmem>> -> memref<128xi32, #tpu.memory_space<vmem>>
        %dma_start3A_192 = arith.constant 0 : i32
        %dma_start3A_193 = arith.constant 0 : i32
        %dma_start3A_194 = tpu.memref_slice %arg17[%dma_start3A_192, %dma_start3A_193] : memref<10240x64xf32, #tpu.memory_space<vmem_shared>> -> memref<10240x64xf32, #tpu.memory_space<vmem_shared>>
        tpu.enqueue_indirect_dma source(%arg13 : memref<128x64xf32, #tpu.memory_space<vmem>>) target(%dma_start3A_194 : memref<10240x64xf32, #tpu.memory_space<vmem_shared>>) offsets(%dma_start3A_191 : memref<128xi32, #tpu.memory_space<vmem>>) semaphore(%run_scoped3A : memref<!tpu.dma_semaphore, #tpu.memory_space<semaphore_mem>>) {add = true}
        %dma_wait3A_195 = arith.constant 0 : i32
        %dma_wait3A_196 = tpu.memref_slice %arg8[%add3A_132, %dma_wait3A_195] : memref<80x128xi32, #tpu.memory_space<vmem>> -> memref<1x128xi32, #tpu.memory_space<vmem>>
        %dma_wait3A_197 = tpu.memref_squeeze %dma_wait3A_196 : memref<1x128xi32, #tpu.memory_space<vmem>> -> memref<128xi32, #tpu.memory_space<vmem>>
        %dma_wait3A_198 = arith.constant 0 : i32
        %dma_wait3A_199 = arith.constant 0 : i32
        %dma_wait3A_200 = tpu.memref_slice %arg17[%dma_wait3A_198, %dma_wait3A_199] : memref<10240x64xf32, #tpu.memory_space<vmem_shared>> -> memref<10240x64xf32, #tpu.memory_space<vmem_shared>>
        tpu.wait_indirect_dma semaphore(%run_scoped3A : memref<!tpu.dma_semaphore, #tpu.memory_space<semaphore_mem>>) src(%arg13 : memref<128x64xf32, #tpu.memory_space<vmem>>) dst(%dma_wait3A_200 : memref<10240x64xf32, #tpu.memory_space<vmem_shared>>)
        tpu.yield
      }) : () -> ()
      %lt3A_139 = arith.constant 9 : i32
      %lt3A_140 = arith.cmpi slt, %scan3A_72, %lt3A_139 : i32
      %convert_element_type3A_141 = arith.extui %lt3A_140 : i1 to i32
      %cond3A_142 = arith.constant 0 : i32
      %cond3A_143 = arith.cmpi ne, %convert_element_type3A_141, %cond3A_142 : i32
      scf.if %cond3A_143 {
        %add3A_189 = arith.constant 8 : i32
        %add3A_190 = arith.addi %add3A_132, %add3A_189 : i32
        %dma_start3A_191 = arith.constant 0 : i32
        %dma_start3A_192 = tpu.memref_slice %arg7[%add3A_190, %dma_start3A_191] : memref<80x128xi32, #tpu.memory_space<vmem>> -> memref<1x128xi32, #tpu.memory_space<vmem>>
        %dma_start3A_193 = tpu.memref_squeeze %dma_start3A_192 : memref<1x128xi32, #tpu.memory_space<vmem>> -> memref<128xi32, #tpu.memory_space<vmem>>
        %dma_start3A_194 = arith.constant 0 : i32
        %dma_start3A_195 = arith.constant 0 : i32
        %dma_start3A_196 = tpu.memref_slice %arg2[%dma_start3A_194, %dma_start3A_195] : memref<10000x64xf32, #tpu.memory_space<hbm>> -> memref<10000x64xf32, #tpu.memory_space<hbm>>
        tpu.enqueue_indirect_dma source(%dma_start3A_196 : memref<10000x64xf32, #tpu.memory_space<hbm>>) target(%arg13 : memref<128x64xf32, #tpu.memory_space<vmem>>) offsets(%dma_start3A_193 : memref<128xi32, #tpu.memory_space<vmem>>) semaphore(%arg22 : memref<!tpu.dma_semaphore, #tpu.memory_space<semaphore_mem>>)
      } else {
      }
      %mul3A_144 = arith.constant 8 : i32
      %mul3A_145 = arith.muli %scan3A_72, %mul3A_144 : i32
      %add3A_146 = arith.constant 5 : i32
      %add3A_147 = arith.addi %mul3A_145, %add3A_146 : i32
      %dma_wait3A_148 = arith.constant 0 : i32
      %dma_wait3A_149 = tpu.memref_slice %arg7[%add3A_147, %dma_wait3A_148] : memref<80x128xi32, #tpu.memory_space<vmem>> -> memref<1x128xi32, #tpu.memory_space<vmem>>
      %dma_wait3A_150 = tpu.memref_squeeze %dma_wait3A_149 : memref<1x128xi32, #tpu.memory_space<vmem>> -> memref<128xi32, #tpu.memory_space<vmem>>
      %dma_wait3A_151 = arith.constant 0 : i32
      %dma_wait3A_152 = arith.constant 0 : i32
      %dma_wait3A_153 = tpu.memref_slice %arg2[%dma_wait3A_151, %dma_wait3A_152] : memref<10000x64xf32, #tpu.memory_space<hbm>> -> memref<10000x64xf32, #tpu.memory_space<hbm>>
      tpu.wait_indirect_dma semaphore(%arg23 : memref<!tpu.dma_semaphore, #tpu.memory_space<semaphore_mem>>) src(%dma_wait3A_153 : memref<10000x64xf32, #tpu.memory_space<hbm>>) dst(%arg14 : memref<128x64xf32, #tpu.memory_space<vmem>>)
      "tpu.region"() ({
        %run_scoped3A = tpu.sem_alloc : memref<!tpu.dma_semaphore, #tpu.memory_space<semaphore_mem>>
        %dma_start3A_189 = arith.constant 0 : i32
        %dma_start3A_190 = tpu.memref_slice %arg8[%add3A_147, %dma_start3A_189] : memref<80x128xi32, #tpu.memory_space<vmem>> -> memref<1x128xi32, #tpu.memory_space<vmem>>
        %dma_start3A_191 = tpu.memref_squeeze %dma_start3A_190 : memref<1x128xi32, #tpu.memory_space<vmem>> -> memref<128xi32, #tpu.memory_space<vmem>>
        %dma_start3A_192 = arith.constant 0 : i32
        %dma_start3A_193 = arith.constant 0 : i32
        %dma_start3A_194 = tpu.memref_slice %arg17[%dma_start3A_192, %dma_start3A_193] : memref<10240x64xf32, #tpu.memory_space<vmem_shared>> -> memref<10240x64xf32, #tpu.memory_space<vmem_shared>>
        tpu.enqueue_indirect_dma source(%arg14 : memref<128x64xf32, #tpu.memory_space<vmem>>) target(%dma_start3A_194 : memref<10240x64xf32, #tpu.memory_space<vmem_shared>>) offsets(%dma_start3A_191 : memref<128xi32, #tpu.memory_space<vmem>>) semaphore(%run_scoped3A : memref<!tpu.dma_semaphore, #tpu.memory_space<semaphore_mem>>) {add = true}
        %dma_wait3A_195 = arith.constant 0 : i32
        %dma_wait3A_196 = tpu.memref_slice %arg8[%add3A_147, %dma_wait3A_195] : memref<80x128xi32, #tpu.memory_space<vmem>> -> memref<1x128xi32, #tpu.memory_space<vmem>>
        %dma_wait3A_197 = tpu.memref_squeeze %dma_wait3A_196 : memref<1x128xi32, #tpu.memory_space<vmem>> -> memref<128xi32, #tpu.memory_space<vmem>>
        %dma_wait3A_198 = arith.constant 0 : i32
        %dma_wait3A_199 = arith.constant 0 : i32
        %dma_wait3A_200 = tpu.memref_slice %arg17[%dma_wait3A_198, %dma_wait3A_199] : memref<10240x64xf32, #tpu.memory_space<vmem_shared>> -> memref<10240x64xf32, #tpu.memory_space<vmem_shared>>
        tpu.wait_indirect_dma semaphore(%run_scoped3A : memref<!tpu.dma_semaphore, #tpu.memory_space<semaphore_mem>>) src(%arg14 : memref<128x64xf32, #tpu.memory_space<vmem>>) dst(%dma_wait3A_200 : memref<10240x64xf32, #tpu.memory_space<vmem_shared>>)
        tpu.yield
      }) : () -> ()
      %lt3A_154 = arith.constant 9 : i32
      %lt3A_155 = arith.cmpi slt, %scan3A_72, %lt3A_154 : i32
      %convert_element_type3A_156 = arith.extui %lt3A_155 : i1 to i32
      %cond3A_157 = arith.constant 0 : i32
      %cond3A_158 = arith.cmpi ne, %convert_element_type3A_156, %cond3A_157 : i32
      scf.if %cond3A_158 {
        %add3A_189 = arith.constant 8 : i32
        %add3A_190 = arith.addi %add3A_147, %add3A_189 : i32
        %dma_start3A_191 = arith.constant 0 : i32
        %dma_start3A_192 = tpu.memref_slice %arg7[%add3A_190, %dma_start3A_191] : memref<80x128xi32, #tpu.memory_space<vmem>> -> memref<1x128xi32, #tpu.memory_space<vmem>>
        %dma_start3A_193 = tpu.memref_squeeze %dma_start3A_192 : memref<1x128xi32, #tpu.memory_space<vmem>> -> memref<128xi32, #tpu.memory_space<vmem>>
        %dma_start3A_194 = arith.constant 0 : i32
        %dma_start3A_195 = arith.constant 0 : i32
        %dma_start3A_196 = tpu.memref_slice %arg2[%dma_start3A_194, %dma_start3A_195] : memref<10000x64xf32, #tpu.memory_space<hbm>> -> memref<10000x64xf32, #tpu.memory_space<hbm>>
        tpu.enqueue_indirect_dma source(%dma_start3A_196 : memref<10000x64xf32, #tpu.memory_space<hbm>>) target(%arg14 : memref<128x64xf32, #tpu.memory_space<vmem>>) offsets(%dma_start3A_193 : memref<128xi32, #tpu.memory_space<vmem>>) semaphore(%arg23 : memref<!tpu.dma_semaphore, #tpu.memory_space<semaphore_mem>>)
      } else {
      }
      %mul3A_159 = arith.constant 8 : i32
      %mul3A_160 = arith.muli %scan3A_72, %mul3A_159 : i32
      %add3A_161 = arith.constant 6 : i32
      %add3A_162 = arith.addi %mul3A_160, %add3A_161 : i32
      %dma_wait3A_163 = arith.constant 0 : i32
      %dma_wait3A_164 = tpu.memref_slice %arg7[%add3A_162, %dma_wait3A_163] : memref<80x128xi32, #tpu.memory_space<vmem>> -> memref<1x128xi32, #tpu.memory_space<vmem>>
      %dma_wait3A_165 = tpu.memref_squeeze %dma_wait3A_164 : memref<1x128xi32, #tpu.memory_space<vmem>> -> memref<128xi32, #tpu.memory_space<vmem>>
      %dma_wait3A_166 = arith.constant 0 : i32
      %dma_wait3A_167 = arith.constant 0 : i32
      %dma_wait3A_168 = tpu.memref_slice %arg2[%dma_wait3A_166, %dma_wait3A_167] : memref<10000x64xf32, #tpu.memory_space<hbm>> -> memref<10000x64xf32, #tpu.memory_space<hbm>>
      tpu.wait_indirect_dma semaphore(%arg24 : memref<!tpu.dma_semaphore, #tpu.memory_space<semaphore_mem>>) src(%dma_wait3A_168 : memref<10000x64xf32, #tpu.memory_space<hbm>>) dst(%arg15 : memref<128x64xf32, #tpu.memory_space<vmem>>)
      "tpu.region"() ({
        %run_scoped3A = tpu.sem_alloc : memref<!tpu.dma_semaphore, #tpu.memory_space<semaphore_mem>>
        %dma_start3A_189 = arith.constant 0 : i32
        %dma_start3A_190 = tpu.memref_slice %arg8[%add3A_162, %dma_start3A_189] : memref<80x128xi32, #tpu.memory_space<vmem>> -> memref<1x128xi32, #tpu.memory_space<vmem>>
        %dma_start3A_191 = tpu.memref_squeeze %dma_start3A_190 : memref<1x128xi32, #tpu.memory_space<vmem>> -> memref<128xi32, #tpu.memory_space<vmem>>
        %dma_start3A_192 = arith.constant 0 : i32
        %dma_start3A_193 = arith.constant 0 : i32
        %dma_start3A_194 = tpu.memref_slice %arg17[%dma_start3A_192, %dma_start3A_193] : memref<10240x64xf32, #tpu.memory_space<vmem_shared>> -> memref<10240x64xf32, #tpu.memory_space<vmem_shared>>
        tpu.enqueue_indirect_dma source(%arg15 : memref<128x64xf32, #tpu.memory_space<vmem>>) target(%dma_start3A_194 : memref<10240x64xf32, #tpu.memory_space<vmem_shared>>) offsets(%dma_start3A_191 : memref<128xi32, #tpu.memory_space<vmem>>) semaphore(%run_scoped3A : memref<!tpu.dma_semaphore, #tpu.memory_space<semaphore_mem>>) {add = true}
        %dma_wait3A_195 = arith.constant 0 : i32
        %dma_wait3A_196 = tpu.memref_slice %arg8[%add3A_162, %dma_wait3A_195] : memref<80x128xi32, #tpu.memory_space<vmem>> -> memref<1x128xi32, #tpu.memory_space<vmem>>
        %dma_wait3A_197 = tpu.memref_squeeze %dma_wait3A_196 : memref<1x128xi32, #tpu.memory_space<vmem>> -> memref<128xi32, #tpu.memory_space<vmem>>
        %dma_wait3A_198 = arith.constant 0 : i32
        %dma_wait3A_199 = arith.constant 0 : i32
        %dma_wait3A_200 = tpu.memref_slice %arg17[%dma_wait3A_198, %dma_wait3A_199] : memref<10240x64xf32, #tpu.memory_space<vmem_shared>> -> memref<10240x64xf32, #tpu.memory_space<vmem_shared>>
        tpu.wait_indirect_dma semaphore(%run_scoped3A : memref<!tpu.dma_semaphore, #tpu.memory_space<semaphore_mem>>) src(%arg15 : memref<128x64xf32, #tpu.memory_space<vmem>>) dst(%dma_wait3A_200 : memref<10240x64xf32, #tpu.memory_space<vmem_shared>>)
        tpu.yield
      }) : () -> ()
      %lt3A_169 = arith.constant 9 : i32
      %lt3A_170 = arith.cmpi slt, %scan3A_72, %lt3A_169 : i32
      %convert_element_type3A_171 = arith.extui %lt3A_170 : i1 to i32
      %cond3A_172 = arith.constant 0 : i32
      %cond3A_173 = arith.cmpi ne, %convert_element_type3A_171, %cond3A_172 : i32
      scf.if %cond3A_173 {
        %add3A_189 = arith.constant 8 : i32
        %add3A_190 = arith.addi %add3A_162, %add3A_189 : i32
        %dma_start3A_191 = arith.constant 0 : i32
        %dma_start3A_192 = tpu.memref_slice %arg7[%add3A_190, %dma_start3A_191] : memref<80x128xi32, #tpu.memory_space<vmem>> -> memref<1x128xi32, #tpu.memory_space<vmem>>
        %dma_start3A_193 = tpu.memref_squeeze %dma_start3A_192 : memref<1x128xi32, #tpu.memory_space<vmem>> -> memref<128xi32, #tpu.memory_space<vmem>>
        %dma_start3A_194 = arith.constant 0 : i32
        %dma_start3A_195 = arith.constant 0 : i32
        %dma_start3A_196 = tpu.memref_slice %arg2[%dma_start3A_194, %dma_start3A_195] : memref<10000x64xf32, #tpu.memory_space<hbm>> -> memref<10000x64xf32, #tpu.memory_space<hbm>>
        tpu.enqueue_indirect_dma source(%dma_start3A_196 : memref<10000x64xf32, #tpu.memory_space<hbm>>) target(%arg15 : memref<128x64xf32, #tpu.memory_space<vmem>>) offsets(%dma_start3A_193 : memref<128xi32, #tpu.memory_space<vmem>>) semaphore(%arg24 : memref<!tpu.dma_semaphore, #tpu.memory_space<semaphore_mem>>)
      } else {
      }
      %mul3A_174 = arith.constant 8 : i32
      %mul3A_175 = arith.muli %scan3A_72, %mul3A_174 : i32
      %add3A_176 = arith.constant 7 : i32
      %add3A_177 = arith.addi %mul3A_175, %add3A_176 : i32
      %dma_wait3A_178 = arith.constant 0 : i32
      %dma_wait3A_179 = tpu.memref_slice %arg7[%add3A_177, %dma_wait3A_178] : memref<80x128xi32, #tpu.memory_space<vmem>> -> memref<1x128xi32, #tpu.memory_space<vmem>>
      %dma_wait3A_180 = tpu.memref_squeeze %dma_wait3A_179 : memref<1x128xi32, #tpu.memory_space<vmem>> -> memref<128xi32, #tpu.memory_space<vmem>>
      %dma_wait3A_181 = arith.constant 0 : i32
      %dma_wait3A_182 = arith.constant 0 : i32
      %dma_wait3A_183 = tpu.memref_slice %arg2[%dma_wait3A_181, %dma_wait3A_182] : memref<10000x64xf32, #tpu.memory_space<hbm>> -> memref<10000x64xf32, #tpu.memory_space<hbm>>
      tpu.wait_indirect_dma semaphore(%arg25 : memref<!tpu.dma_semaphore, #tpu.memory_space<semaphore_mem>>) src(%dma_wait3A_183 : memref<10000x64xf32, #tpu.memory_space<hbm>>) dst(%arg16 : memref<128x64xf32, #tpu.memory_space<vmem>>)
      "tpu.region"() ({
        %run_scoped3A = tpu.sem_alloc : memref<!tpu.dma_semaphore, #tpu.memory_space<semaphore_mem>>
        %dma_start3A_189 = arith.constant 0 : i32
        %dma_start3A_190 = tpu.memref_slice %arg8[%add3A_177, %dma_start3A_189] : memref<80x128xi32, #tpu.memory_space<vmem>> -> memref<1x128xi32, #tpu.memory_space<vmem>>
        %dma_start3A_191 = tpu.memref_squeeze %dma_start3A_190 : memref<1x128xi32, #tpu.memory_space<vmem>> -> memref<128xi32, #tpu.memory_space<vmem>>
        %dma_start3A_192 = arith.constant 0 : i32
        %dma_start3A_193 = arith.constant 0 : i32
        %dma_start3A_194 = tpu.memref_slice %arg17[%dma_start3A_192, %dma_start3A_193] : memref<10240x64xf32, #tpu.memory_space<vmem_shared>> -> memref<10240x64xf32, #tpu.memory_space<vmem_shared>>
        tpu.enqueue_indirect_dma source(%arg16 : memref<128x64xf32, #tpu.memory_space<vmem>>) target(%dma_start3A_194 : memref<10240x64xf32, #tpu.memory_space<vmem_shared>>) offsets(%dma_start3A_191 : memref<128xi32, #tpu.memory_space<vmem>>) semaphore(%run_scoped3A : memref<!tpu.dma_semaphore, #tpu.memory_space<semaphore_mem>>) {add = true}
        %dma_wait3A_195 = arith.constant 0 : i32
        %dma_wait3A_196 = tpu.memref_slice %arg8[%add3A_177, %dma_wait3A_195] : memref<80x128xi32, #tpu.memory_space<vmem>> -> memref<1x128xi32, #tpu.memory_space<vmem>>
        %dma_wait3A_197 = tpu.memref_squeeze %dma_wait3A_196 : memref<1x128xi32, #tpu.memory_space<vmem>> -> memref<128xi32, #tpu.memory_space<vmem>>
        %dma_wait3A_198 = arith.constant 0 : i32
        %dma_wait3A_199 = arith.constant 0 : i32
        %dma_wait3A_200 = tpu.memref_slice %arg17[%dma_wait3A_198, %dma_wait3A_199] : memref<10240x64xf32, #tpu.memory_space<vmem_shared>> -> memref<10240x64xf32, #tpu.memory_space<vmem_shared>>
        tpu.wait_indirect_dma semaphore(%run_scoped3A : memref<!tpu.dma_semaphore, #tpu.memory_space<semaphore_mem>>) src(%arg16 : memref<128x64xf32, #tpu.memory_space<vmem>>) dst(%dma_wait3A_200 : memref<10240x64xf32, #tpu.memory_space<vmem_shared>>)
        tpu.yield
      }) : () -> ()
      %lt3A_184 = arith.constant 9 : i32
      %lt3A_185 = arith.cmpi slt, %scan3A_72, %lt3A_184 : i32
      %convert_element_type3A_186 = arith.extui %lt3A_185 : i1 to i32
      %cond3A_187 = arith.constant 0 : i32
      %cond3A_188 = arith.cmpi ne, %convert_element_type3A_186, %cond3A_187 : i32
      scf.if %cond3A_188 {
        %add3A_189 = arith.constant 8 : i32
        %add3A_190 = arith.addi %add3A_177, %add3A_189 : i32
        %dma_start3A_191 = arith.constant 0 : i32
        %dma_start3A_192 = tpu.memref_slice %arg7[%add3A_190, %dma_start3A_191] : memref<80x128xi32, #tpu.memory_space<vmem>> -> memref<1x128xi32, #tpu.memory_space<vmem>>
        %dma_start3A_193 = tpu.memref_squeeze %dma_start3A_192 : memref<1x128xi32, #tpu.memory_space<vmem>> -> memref<128xi32, #tpu.memory_space<vmem>>
        %dma_start3A_194 = arith.constant 0 : i32
        %dma_start3A_195 = arith.constant 0 : i32
        %dma_start3A_196 = tpu.memref_slice %arg2[%dma_start3A_194, %dma_start3A_195] : memref<10000x64xf32, #tpu.memory_space<hbm>> -> memref<10000x64xf32, #tpu.memory_space<hbm>>
        tpu.enqueue_indirect_dma source(%dma_start3A_196 : memref<10000x64xf32, #tpu.memory_space<hbm>>) target(%arg16 : memref<128x64xf32, #tpu.memory_space<vmem>>) offsets(%dma_start3A_193 : memref<128xi32, #tpu.memory_space<vmem>>) semaphore(%arg25 : memref<!tpu.dma_semaphore, #tpu.memory_space<semaphore_mem>>)
      } else {
      }
    }
    %scan3A_66 = arith.constant 10 : i32
    %barrier3A_67 = arith.constant 0 : index
    tpu.barrier barrier_id(%barrier3A_67)
    %mul3A_68 = arith.constant 640 : i32
    %mul3A_69 = arith.muli %arg1, %mul3A_68 : i32
    %mul3A_70 = arith.constant 640 : i32
    %mul3A_71 = arith.muli %arg1, %mul3A_70 : i32
    "tpu.region"() ({
      %run_scoped3A = tpu.sem_alloc : memref<!tpu.dma_semaphore, #tpu.memory_space<semaphore_mem>>
      %dma_start3A_72 = arith.constant 0 : i32
      %dma_start3A_73 = tpu.memref_slice %arg6[%arg0, %mul3A_71, %dma_start3A_72] : memref<2x10240x64xf32, #tpu.memory_space<hbm>> -> memref<1x640x64xf32, #tpu.memory_space<hbm>>
      %dma_start3A_74 = tpu.memref_squeeze %dma_start3A_73 : memref<1x640x64xf32, #tpu.memory_space<hbm>> -> memref<640x64xf32, #tpu.memory_space<hbm>>
      %dma_start3A_75 = arith.constant 0 : i32
      %dma_start3A_76 = tpu.memref_slice %arg17[%mul3A_69, %dma_start3A_75] : memref<10240x64xf32, #tpu.memory_space<vmem_shared>> -> memref<640x64xf32, #tpu.memory_space<vmem_shared>>
      tpu.enqueue_dma source(%dma_start3A_76 : memref<640x64xf32, #tpu.memory_space<vmem_shared>>) target(%dma_start3A_74 : memref<640x64xf32, #tpu.memory_space<hbm>>) target_semaphore(%run_scoped3A : memref<!tpu.dma_semaphore, #tpu.memory_space<semaphore_mem>>)
      %dma_wait3A = arith.constant 0 : i32
      %dma_wait3A_77 = tpu.memref_slice %arg6[%arg0, %mul3A_71, %dma_wait3A] : memref<2x10240x64xf32, #tpu.memory_space<hbm>> -> memref<1x640x64xf32, #tpu.memory_space<hbm>>
      %dma_wait3A_78 = tpu.memref_squeeze %dma_wait3A_77 : memref<1x640x64xf32, #tpu.memory_space<hbm>> -> memref<640x64xf32, #tpu.memory_space<hbm>>
      %dma_wait3A_79 = arith.constant 0 : i32
      %dma_wait3A_80 = tpu.memref_slice %arg17[%mul3A_69, %dma_wait3A_79] : memref<10240x64xf32, #tpu.memory_space<vmem_shared>> -> memref<640x64xf32, #tpu.memory_space<vmem_shared>>
      tpu.wait_dma2 semaphore(%run_scoped3A : memref<!tpu.dma_semaphore, #tpu.memory_space<semaphore_mem>>) src(%dma_wait3A_80 : memref<640x64xf32, #tpu.memory_space<vmem_shared>>) dst(%dma_wait3A_78 : memref<640x64xf32, #tpu.memory_space<hbm>>)
      tpu.yield
    }) : () -> ()
    return
  }
}

#map = affine_map<(d0, d1) -> (0, 0)>
#map1 = affine_map<(d0, d1) -> (0, 0, 0)>
module attributes {stable_mosaic.version = 14 : i64} {
  func.func @_sc_scatter(%arg0: i32, %arg1: i32, %arg2: memref<10000x64xf32, #tpu.memory_space<hbm>>, %arg3: memref<2560x128xi32, #tpu.memory_space<hbm>>, %arg4: memref<2560x128xi32, #tpu.memory_space<hbm>>, %arg5: memref<640x64xf32, #tpu.memory_space<hbm>>, %arg6: memref<2x10240x64xf32, #tpu.memory_space<hbm>>, %arg7: memref<80x128xi32, #tpu.memory_space<vmem>>, %arg8: memref<80x128xi32, #tpu.memory_space<vmem>>, %arg9: memref<128x64xf32, #tpu.memory_space<vmem>>, %arg10: memref<128x64xf32, #tpu.memory_space<vmem>>, %arg11: memref<128x64xf32, #tpu.memory_space<vmem>>, %arg12: memref<128x64xf32, #tpu.memory_space<vmem>>, %arg13: memref<128x64xf32, #tpu.memory_space<vmem>>, %arg14: memref<128x64xf32, #tpu.memory_space<vmem>>, %arg15: memref<128x64xf32, #tpu.memory_space<vmem>>, %arg16: memref<128x64xf32, #tpu.memory_space<vmem>>, %arg17: memref<10240x64xf32, #tpu.memory_space<vmem_shared>>, %arg18: memref<!tpu.dma_semaphore, #tpu.memory_space<semaphore_mem>>, %arg19: memref<!tpu.dma_semaphore, #tpu.memory_space<semaphore_mem>>, %arg20: memref<!tpu.dma_semaphore, #tpu.memory_space<semaphore_mem>>, %arg21: memref<!tpu.dma_semaphore, #tpu.memory_space<semaphore_mem>>, %arg22: memref<!tpu.dma_semaphore, #tpu.memory_space<semaphore_mem>>, %arg23: memref<!tpu.dma_semaphore, #tpu.memory_space<semaphore_mem>>, %arg24: memref<!tpu.dma_semaphore, #tpu.memory_space<semaphore_mem>>, %arg25: memref<!tpu.dma_semaphore, #tpu.memory_space<semaphore_mem>>) attributes {dimension_semantics = [#tpu.dimension_semantics<core_parallel>, #tpu.dimension_semantics<subcore_parallel>], iteration_bounds = array<i64: 2, 16>, scalar_prefetch = 0 : i64, scratch_operands = 19 : i64, tpu.core_type = #tpu.core_type<sc_vector_subcore>, window_params = [{transform_indices = #map}, {transform_indices = #map}, {transform_indices = #map}, {transform_indices = #map}, {transform_indices = #map1}]} {
    %mul3A = arith.constant 16 : i32
    %mul3A_0 = arith.muli %arg0, %mul3A : i32
    %add3A = arith.addi %mul3A_0, %arg1 : i32
    %mul3A_1 = arith.constant 640 : i32
    %mul3A_2 = arith.muli %arg1, %mul3A_1 : i32
    "tpu.region"() ({
      %run_scoped3A = tpu.sem_alloc : memref<!tpu.dma_semaphore, #tpu.memory_space<semaphore_mem>>
      %dma_start3A_72 = arith.constant 0 : i32
      %dma_start3A_73 = tpu.memref_slice %arg17[%mul3A_2, %dma_start3A_72] : memref<10240x64xf32, #tpu.memory_space<vmem_shared>> -> memref<640x64xf32, #tpu.memory_space<vmem_shared>>
      tpu.enqueue_dma source(%arg5 : memref<640x64xf32, #tpu.memory_space<hbm>>) target(%dma_start3A_73 : memref<640x64xf32, #tpu.memory_space<vmem_shared>>) target_semaphore(%run_scoped3A : memref<!tpu.dma_semaphore, #tpu.memory_space<semaphore_mem>>)
      %dma_wait3A = arith.constant 0 : i32
      %dma_wait3A_74 = tpu.memref_slice %arg17[%mul3A_2, %dma_wait3A] : memref<10240x64xf32, #tpu.memory_space<vmem_shared>> -> memref<640x64xf32, #tpu.memory_space<vmem_shared>>
      tpu.wait_dma2 semaphore(%run_scoped3A : memref<!tpu.dma_semaphore, #tpu.memory_space<semaphore_mem>>) src(%arg5 : memref<640x64xf32, #tpu.memory_space<hbm>>) dst(%dma_wait3A_74 : memref<640x64xf32, #tpu.memory_space<vmem_shared>>)
      tpu.yield
    }) : () -> ()
    %mul3A_3 = arith.constant 80 : i32
    %mul3A_4 = arith.muli %add3A, %mul3A_3 : i32
    "tpu.region"() ({
      %run_scoped3A = tpu.sem_alloc : memref<!tpu.dma_semaphore, #tpu.memory_space<semaphore_mem>>
      %dma_start3A_72 = arith.constant 0 : i32
      %dma_start3A_73 = tpu.memref_slice %arg3[%mul3A_4, %dma_start3A_72] : memref<2560x128xi32, #tpu.memory_space<hbm>> -> memref<80x128xi32, #tpu.memory_space<hbm>>
      %dma_start3A_74 = arith.constant 0 : i32
      %dma_start3A_75 = tpu.memref_slice %arg3[%mul3A_4, %dma_start3A_74] : memref<2560x128xi32, #tpu.memory_space<hbm>> -> memref<80x128xi32, #tpu.memory_space<hbm>>
      tpu.enqueue_dma source(%dma_start3A_75 : memref<80x128xi32, #tpu.memory_space<hbm>>) target(%arg7 : memref<80x128xi32, #tpu.memory_space<vmem>>) target_semaphore(%run_scoped3A : memref<!tpu.dma_semaphore, #tpu.memory_space<semaphore_mem>>)
      %dma_wait3A = arith.constant 0 : i32
      %dma_wait3A_76 = tpu.memref_slice %arg3[%mul3A_4, %dma_wait3A] : memref<2560x128xi32, #tpu.memory_space<hbm>> -> memref<80x128xi32, #tpu.memory_space<hbm>>
      %dma_wait3A_77 = arith.constant 0 : i32
      %dma_wait3A_78 = tpu.memref_slice %arg3[%mul3A_4, %dma_wait3A_77] : memref<2560x128xi32, #tpu.memory_space<hbm>> -> memref<80x128xi32, #tpu.memory_space<hbm>>
      tpu.wait_dma2 semaphore(%run_scoped3A : memref<!tpu.dma_semaphore, #tpu.memory_space<semaphore_mem>>) src(%dma_wait3A_78 : memref<80x128xi32, #tpu.memory_space<hbm>>) dst(%arg7 : memref<80x128xi32, #tpu.memory_space<vmem>>)
      tpu.yield
    }) : () -> ()
    %mul3A_5 = arith.constant 80 : i32
    %mul3A_6 = arith.muli %add3A, %mul3A_5 : i32
    "tpu.region"() ({
      %run_scoped3A = tpu.sem_alloc : memref<!tpu.dma_semaphore, #tpu.memory_space<semaphore_mem>>
      %dma_start3A_72 = arith.constant 0 : i32
      %dma_start3A_73 = tpu.memref_slice %arg4[%mul3A_6, %dma_start3A_72] : memref<2560x128xi32, #tpu.memory_space<hbm>> -> memref<80x128xi32, #tpu.memory_space<hbm>>
      %dma_start3A_74 = arith.constant 0 : i32
      %dma_start3A_75 = tpu.memref_slice %arg4[%mul3A_6, %dma_start3A_74] : memref<2560x128xi32, #tpu.memory_space<hbm>> -> memref<80x128xi32, #tpu.memory_space<hbm>>
      tpu.enqueue_dma source(%dma_start3A_75 : memref<80x128xi32, #tpu.memory_space<hbm>>) target(%arg8 : memref<80x128xi32, #tpu.memory_space<vmem>>) target_semaphore(%run_scoped3A : memref<!tpu.dma_semaphore, #tpu.memory_space<semaphore_mem>>)
      %dma_wait3A = arith.constant 0 : i32
      %dma_wait3A_76 = tpu.memref_slice %arg4[%mul3A_6, %dma_wait3A] : memref<2560x128xi32, #tpu.memory_space<hbm>> -> memref<80x128xi32, #tpu.memory_space<hbm>>
      %dma_wait3A_77 = arith.constant 0 : i32
      %dma_wait3A_78 = tpu.memref_slice %arg4[%mul3A_6, %dma_wait3A_77] : memref<2560x128xi32, #tpu.memory_space<hbm>> -> memref<80x128xi32, #tpu.memory_space<hbm>>
      tpu.wait_dma2 semaphore(%run_scoped3A : memref<!tpu.dma_semaphore, #tpu.memory_space<semaphore_mem>>) src(%dma_wait3A_78 : memref<80x128xi32, #tpu.memory_space<hbm>>) dst(%arg8 : memref<80x128xi32, #tpu.memory_space<vmem>>)
      tpu.yield
    }) : () -> ()
    %barrier3A = arith.constant 0 : index
    tpu.barrier barrier_id(%barrier3A)
    %dma_start3A = arith.constant 0 : i32
    %dma_start3A_7 = arith.constant 0 : i32
    %dma_start3A_8 = tpu.memref_slice %arg7[%dma_start3A, %dma_start3A_7] : memref<80x128xi32, #tpu.memory_space<vmem>> -> memref<1x128xi32, #tpu.memory_space<vmem>>
    %dma_start3A_9 = tpu.memref_squeeze %dma_start3A_8 : memref<1x128xi32, #tpu.memory_space<vmem>> -> memref<128xi32, #tpu.memory_space<vmem>>
    %dma_start3A_10 = arith.constant 0 : i32
    %dma_start3A_11 = arith.constant 0 : i32
    %dma_start3A_12 = tpu.memref_slice %arg2[%dma_start3A_10, %dma_start3A_11] : memref<10000x64xf32, #tpu.memory_space<hbm>> -> memref<10000x64xf32, #tpu.memory_space<hbm>>
    tpu.enqueue_indirect_dma source(%dma_start3A_12 : memref<10000x64xf32, #tpu.memory_space<hbm>>) target(%arg9 : memref<128x64xf32, #tpu.memory_space<vmem>>) offsets(%dma_start3A_9 : memref<128xi32, #tpu.memory_space<vmem>>) semaphore(%arg18 : memref<!tpu.dma_semaphore, #tpu.memory_space<semaphore_mem>>)
    %dma_start3A_13 = arith.constant 1 : i32
    %dma_start3A_14 = arith.constant 0 : i32
    %dma_start3A_15 = tpu.memref_slice %arg7[%dma_start3A_13, %dma_start3A_14] : memref<80x128xi32, #tpu.memory_space<vmem>> -> memref<1x128xi32, #tpu.memory_space<vmem>>
    %dma_start3A_16 = tpu.memref_squeeze %dma_start3A_15 : memref<1x128xi32, #tpu.memory_space<vmem>> -> memref<128xi32, #tpu.memory_space<vmem>>
    %dma_start3A_17 = arith.constant 0 : i32
    %dma_start3A_18 = arith.constant 0 : i32
    %dma_start3A_19 = tpu.memref_slice %arg2[%dma_start3A_17, %dma_start3A_18] : memref<10000x64xf32, #tpu.memory_space<hbm>> -> memref<10000x64xf32, #tpu.memory_space<hbm>>
    tpu.enqueue_indirect_dma source(%dma_start3A_19 : memref<10000x64xf32, #tpu.memory_space<hbm>>) target(%arg10 : memref<128x64xf32, #tpu.memory_space<vmem>>) offsets(%dma_start3A_16 : memref<128xi32, #tpu.memory_space<vmem>>) semaphore(%arg19 : memref<!tpu.dma_semaphore, #tpu.memory_space<semaphore_mem>>)
    %dma_start3A_20 = arith.constant 2 : i32
    %dma_start3A_21 = arith.constant 0 : i32
    %dma_start3A_22 = tpu.memref_slice %arg7[%dma_start3A_20, %dma_start3A_21] : memref<80x128xi32, #tpu.memory_space<vmem>> -> memref<1x128xi32, #tpu.memory_space<vmem>>
    %dma_start3A_23 = tpu.memref_squeeze %dma_start3A_22 : memref<1x128xi32, #tpu.memory_space<vmem>> -> memref<128xi32, #tpu.memory_space<vmem>>
    %dma_start3A_24 = arith.constant 0 : i32
    %dma_start3A_25 = arith.constant 0 : i32
    %dma_start3A_26 = tpu.memref_slice %arg2[%dma_start3A_24, %dma_start3A_25] : memref<10000x64xf32, #tpu.memory_space<hbm>> -> memref<10000x64xf32, #tpu.memory_space<hbm>>
    tpu.enqueue_indirect_dma source(%dma_start3A_26 : memref<10000x64xf32, #tpu.memory_space<hbm>>) target(%arg11 : memref<128x64xf32, #tpu.memory_space<vmem>>) offsets(%dma_start3A_23 : memref<128xi32, #tpu.memory_space<vmem>>) semaphore(%arg20 : memref<!tpu.dma_semaphore, #tpu.memory_space<semaphore_mem>>)
    %dma_start3A_27 = arith.constant 3 : i32
    %dma_start3A_28 = arith.constant 0 : i32
    %dma_start3A_29 = tpu.memref_slice %arg7[%dma_start3A_27, %dma_start3A_28] : memref<80x128xi32, #tpu.memory_space<vmem>> -> memref<1x128xi32, #tpu.memory_space<vmem>>
    %dma_start3A_30 = tpu.memref_squeeze %dma_start3A_29 : memref<1x128xi32, #tpu.memory_space<vmem>> -> memref<128xi32, #tpu.memory_space<vmem>>
    %dma_start3A_31 = arith.constant 0 : i32
    %dma_start3A_32 = arith.constant 0 : i32
    %dma_start3A_33 = tpu.memref_slice %arg2[%dma_start3A_31, %dma_start3A_32] : memref<10000x64xf32, #tpu.memory_space<hbm>> -> memref<10000x64xf32, #tpu.memory_space<hbm>>
    tpu.enqueue_indirect_dma source(%dma_start3A_33 : memref<10000x64xf32, #tpu.memory_space<hbm>>) target(%arg12 : memref<128x64xf32, #tpu.memory_space<vmem>>) offsets(%dma_start3A_30 : memref<128xi32, #tpu.memory_space<vmem>>) semaphore(%arg21 : memref<!tpu.dma_semaphore, #tpu.memory_space<semaphore_mem>>)
    %dma_start3A_34 = arith.constant 4 : i32
    %dma_start3A_35 = arith.constant 0 : i32
    %dma_start3A_36 = tpu.memref_slice %arg7[%dma_start3A_34, %dma_start3A_35] : memref<80x128xi32, #tpu.memory_space<vmem>> -> memref<1x128xi32, #tpu.memory_space<vmem>>
    %dma_start3A_37 = tpu.memref_squeeze %dma_start3A_36 : memref<1x128xi32, #tpu.memory_space<vmem>> -> memref<128xi32, #tpu.memory_space<vmem>>
    %dma_start3A_38 = arith.constant 0 : i32
    %dma_start3A_39 = arith.constant 0 : i32
    %dma_start3A_40 = tpu.memref_slice %arg2[%dma_start3A_38, %dma_start3A_39] : memref<10000x64xf32, #tpu.memory_space<hbm>> -> memref<10000x64xf32, #tpu.memory_space<hbm>>
    tpu.enqueue_indirect_dma source(%dma_start3A_40 : memref<10000x64xf32, #tpu.memory_space<hbm>>) target(%arg13 : memref<128x64xf32, #tpu.memory_space<vmem>>) offsets(%dma_start3A_37 : memref<128xi32, #tpu.memory_space<vmem>>) semaphore(%arg22 : memref<!tpu.dma_semaphore, #tpu.memory_space<semaphore_mem>>)
    %dma_start3A_41 = arith.constant 5 : i32
    %dma_start3A_42 = arith.constant 0 : i32
    %dma_start3A_43 = tpu.memref_slice %arg7[%dma_start3A_41, %dma_start3A_42] : memref<80x128xi32, #tpu.memory_space<vmem>> -> memref<1x128xi32, #tpu.memory_space<vmem>>
    %dma_start3A_44 = tpu.memref_squeeze %dma_start3A_43 : memref<1x128xi32, #tpu.memory_space<vmem>> -> memref<128xi32, #tpu.memory_space<vmem>>
    %dma_start3A_45 = arith.constant 0 : i32
    %dma_start3A_46 = arith.constant 0 : i32
    %dma_start3A_47 = tpu.memref_slice %arg2[%dma_start3A_45, %dma_start3A_46] : memref<10000x64xf32, #tpu.memory_space<hbm>> -> memref<10000x64xf32, #tpu.memory_space<hbm>>
    tpu.enqueue_indirect_dma source(%dma_start3A_47 : memref<10000x64xf32, #tpu.memory_space<hbm>>) target(%arg14 : memref<128x64xf32, #tpu.memory_space<vmem>>) offsets(%dma_start3A_44 : memref<128xi32, #tpu.memory_space<vmem>>) semaphore(%arg23 : memref<!tpu.dma_semaphore, #tpu.memory_space<semaphore_mem>>)
    %dma_start3A_48 = arith.constant 6 : i32
    %dma_start3A_49 = arith.constant 0 : i32
    %dma_start3A_50 = tpu.memref_slice %arg7[%dma_start3A_48, %dma_start3A_49] : memref<80x128xi32, #tpu.memory_space<vmem>> -> memref<1x128xi32, #tpu.memory_space<vmem>>
    %dma_start3A_51 = tpu.memref_squeeze %dma_start3A_50 : memref<1x128xi32, #tpu.memory_space<vmem>> -> memref<128xi32, #tpu.memory_space<vmem>>
    %dma_start3A_52 = arith.constant 0 : i32
    %dma_start3A_53 = arith.constant 0 : i32
    %dma_start3A_54 = tpu.memref_slice %arg2[%dma_start3A_52, %dma_start3A_53] : memref<10000x64xf32, #tpu.memory_space<hbm>> -> memref<10000x64xf32, #tpu.memory_space<hbm>>
    tpu.enqueue_indirect_dma source(%dma_start3A_54 : memref<10000x64xf32, #tpu.memory_space<hbm>>) target(%arg15 : memref<128x64xf32, #tpu.memory_space<vmem>>) offsets(%dma_start3A_51 : memref<128xi32, #tpu.memory_space<vmem>>) semaphore(%arg24 : memref<!tpu.dma_semaphore, #tpu.memory_space<semaphore_mem>>)
    %dma_start3A_55 = arith.constant 7 : i32
    %dma_start3A_56 = arith.constant 0 : i32
    %dma_start3A_57 = tpu.memref_slice %arg7[%dma_start3A_55, %dma_start3A_56] : memref<80x128xi32, #tpu.memory_space<vmem>> -> memref<1x128xi32, #tpu.memory_space<vmem>>
    %dma_start3A_58 = tpu.memref_squeeze %dma_start3A_57 : memref<1x128xi32, #tpu.memory_space<vmem>> -> memref<128xi32, #tpu.memory_space<vmem>>
    %dma_start3A_59 = arith.constant 0 : i32
    %dma_start3A_60 = arith.constant 0 : i32
    %dma_start3A_61 = tpu.memref_slice %arg2[%dma_start3A_59, %dma_start3A_60] : memref<10000x64xf32, #tpu.memory_space<hbm>> -> memref<10000x64xf32, #tpu.memory_space<hbm>>
    tpu.enqueue_indirect_dma source(%dma_start3A_61 : memref<10000x64xf32, #tpu.memory_space<hbm>>) target(%arg16 : memref<128x64xf32, #tpu.memory_space<vmem>>) offsets(%dma_start3A_58 : memref<128xi32, #tpu.memory_space<vmem>>) semaphore(%arg25 : memref<!tpu.dma_semaphore, #tpu.memory_space<semaphore_mem>>)
    %scan3A = arith.constant 0 : i32
    %scan3A_62 = arith.constant 0 : i32
    %scan3A_63 = arith.constant 10 : i32
    %scan3A_64 = arith.addi %scan3A_62, %scan3A_63 : i32
    %scan3A_65 = arith.constant 1 : i32
    scf.for %scan3A_72 = %scan3A_62 to %scan3A_64 step %scan3A_65  : i32 {
      %mul3A_73 = arith.constant 8 : i32
      %mul3A_74 = arith.muli %scan3A_72, %mul3A_73 : i32
      %add3A_75 = arith.constant 0 : i32
      %add3A_76 = arith.addi %mul3A_74, %add3A_75 : i32
      %dma_wait3A = arith.constant 0 : i32
      %dma_wait3A_77 = tpu.memref_slice %arg7[%add3A_76, %dma_wait3A] : memref<80x128xi32, #tpu.memory_space<vmem>> -> memref<1x128xi32, #tpu.memory_space<vmem>>
      %dma_wait3A_78 = tpu.memref_squeeze %dma_wait3A_77 : memref<1x128xi32, #tpu.memory_space<vmem>> -> memref<128xi32, #tpu.memory_space<vmem>>
      %dma_wait3A_79 = arith.constant 0 : i32
      %dma_wait3A_80 = arith.constant 0 : i32
      %dma_wait3A_81 = tpu.memref_slice %arg2[%dma_wait3A_79, %dma_wait3A_80] : memref<10000x64xf32, #tpu.memory_space<hbm>> -> memref<10000x64xf32, #tpu.memory_space<hbm>>
      tpu.wait_indirect_dma semaphore(%arg18 : memref<!tpu.dma_semaphore, #tpu.memory_space<semaphore_mem>>) src(%dma_wait3A_81 : memref<10000x64xf32, #tpu.memory_space<hbm>>) dst(%arg9 : memref<128x64xf32, #tpu.memory_space<vmem>>)
      "tpu.region"() ({
        %run_scoped3A = tpu.sem_alloc : memref<!tpu.dma_semaphore, #tpu.memory_space<semaphore_mem>>
        %dma_start3A_189 = arith.constant 0 : i32
        %dma_start3A_190 = tpu.memref_slice %arg8[%add3A_76, %dma_start3A_189] : memref<80x128xi32, #tpu.memory_space<vmem>> -> memref<1x128xi32, #tpu.memory_space<vmem>>
        %dma_start3A_191 = tpu.memref_squeeze %dma_start3A_190 : memref<1x128xi32, #tpu.memory_space<vmem>> -> memref<128xi32, #tpu.memory_space<vmem>>
        %dma_start3A_192 = arith.constant 0 : i32
        %dma_start3A_193 = arith.constant 0 : i32
        %dma_start3A_194 = tpu.memref_slice %arg17[%dma_start3A_192, %dma_start3A_193] : memref<10240x64xf32, #tpu.memory_space<vmem_shared>> -> memref<10240x64xf32, #tpu.memory_space<vmem_shared>>
        tpu.enqueue_indirect_dma source(%arg9 : memref<128x64xf32, #tpu.memory_space<vmem>>) target(%dma_start3A_194 : memref<10240x64xf32, #tpu.memory_space<vmem_shared>>) offsets(%dma_start3A_191 : memref<128xi32, #tpu.memory_space<vmem>>) semaphore(%run_scoped3A : memref<!tpu.dma_semaphore, #tpu.memory_space<semaphore_mem>>) {add = true}
        %dma_wait3A_195 = arith.constant 0 : i32
        %dma_wait3A_196 = tpu.memref_slice %arg8[%add3A_76, %dma_wait3A_195] : memref<80x128xi32, #tpu.memory_space<vmem>> -> memref<1x128xi32, #tpu.memory_space<vmem>>
        %dma_wait3A_197 = tpu.memref_squeeze %dma_wait3A_196 : memref<1x128xi32, #tpu.memory_space<vmem>> -> memref<128xi32, #tpu.memory_space<vmem>>
        %dma_wait3A_198 = arith.constant 0 : i32
        %dma_wait3A_199 = arith.constant 0 : i32
        %dma_wait3A_200 = tpu.memref_slice %arg17[%dma_wait3A_198, %dma_wait3A_199] : memref<10240x64xf32, #tpu.memory_space<vmem_shared>> -> memref<10240x64xf32, #tpu.memory_space<vmem_shared>>
        tpu.wait_indirect_dma semaphore(%run_scoped3A : memref<!tpu.dma_semaphore, #tpu.memory_space<semaphore_mem>>) src(%arg9 : memref<128x64xf32, #tpu.memory_space<vmem>>) dst(%dma_wait3A_200 : memref<10240x64xf32, #tpu.memory_space<vmem_shared>>)
        tpu.yield
      }) : () -> ()
      %lt3A = arith.constant 9 : i32
      %lt3A_82 = arith.cmpi slt, %scan3A_72, %lt3A : i32
      %convert_element_type3A = arith.extui %lt3A_82 : i1 to i32
      %cond3A = arith.constant 0 : i32
      %cond3A_83 = arith.cmpi ne, %convert_element_type3A, %cond3A : i32
      scf.if %cond3A_83 {
        %add3A_189 = arith.constant 8 : i32
        %add3A_190 = arith.addi %add3A_76, %add3A_189 : i32
        %dma_start3A_191 = arith.constant 0 : i32
        %dma_start3A_192 = tpu.memref_slice %arg7[%add3A_190, %dma_start3A_191] : memref<80x128xi32, #tpu.memory_space<vmem>> -> memref<1x128xi32, #tpu.memory_space<vmem>>
        %dma_start3A_193 = tpu.memref_squeeze %dma_start3A_192 : memref<1x128xi32, #tpu.memory_space<vmem>> -> memref<128xi32, #tpu.memory_space<vmem>>
        %dma_start3A_194 = arith.constant 0 : i32
        %dma_start3A_195 = arith.constant 0 : i32
        %dma_start3A_196 = tpu.memref_slice %arg2[%dma_start3A_194, %dma_start3A_195] : memref<10000x64xf32, #tpu.memory_space<hbm>> -> memref<10000x64xf32, #tpu.memory_space<hbm>>
        tpu.enqueue_indirect_dma source(%dma_start3A_196 : memref<10000x64xf32, #tpu.memory_space<hbm>>) target(%arg9 : memref<128x64xf32, #tpu.memory_space<vmem>>) offsets(%dma_start3A_193 : memref<128xi32, #tpu.memory_space<vmem>>) semaphore(%arg18 : memref<!tpu.dma_semaphore, #tpu.memory_space<semaphore_mem>>)
      } else {
      }
      %mul3A_84 = arith.constant 8 : i32
      %mul3A_85 = arith.muli %scan3A_72, %mul3A_84 : i32
      %add3A_86 = arith.constant 1 : i32
      %add3A_87 = arith.addi %mul3A_85, %add3A_86 : i32
      %dma_wait3A_88 = arith.constant 0 : i32
      %dma_wait3A_89 = tpu.memref_slice %arg7[%add3A_87, %dma_wait3A_88] : memref<80x128xi32, #tpu.memory_space<vmem>> -> memref<1x128xi32, #tpu.memory_space<vmem>>
      %dma_wait3A_90 = tpu.memref_squeeze %dma_wait3A_89 : memref<1x128xi32, #tpu.memory_space<vmem>> -> memref<128xi32, #tpu.memory_space<vmem>>
      %dma_wait3A_91 = arith.constant 0 : i32
      %dma_wait3A_92 = arith.constant 0 : i32
      %dma_wait3A_93 = tpu.memref_slice %arg2[%dma_wait3A_91, %dma_wait3A_92] : memref<10000x64xf32, #tpu.memory_space<hbm>> -> memref<10000x64xf32, #tpu.memory_space<hbm>>
      tpu.wait_indirect_dma semaphore(%arg19 : memref<!tpu.dma_semaphore, #tpu.memory_space<semaphore_mem>>) src(%dma_wait3A_93 : memref<10000x64xf32, #tpu.memory_space<hbm>>) dst(%arg10 : memref<128x64xf32, #tpu.memory_space<vmem>>)
      "tpu.region"() ({
        %run_scoped3A = tpu.sem_alloc : memref<!tpu.dma_semaphore, #tpu.memory_space<semaphore_mem>>
        %dma_start3A_189 = arith.constant 0 : i32
        %dma_start3A_190 = tpu.memref_slice %arg8[%add3A_87, %dma_start3A_189] : memref<80x128xi32, #tpu.memory_space<vmem>> -> memref<1x128xi32, #tpu.memory_space<vmem>>
        %dma_start3A_191 = tpu.memref_squeeze %dma_start3A_190 : memref<1x128xi32, #tpu.memory_space<vmem>> -> memref<128xi32, #tpu.memory_space<vmem>>
        %dma_start3A_192 = arith.constant 0 : i32
        %dma_start3A_193 = arith.constant 0 : i32
        %dma_start3A_194 = tpu.memref_slice %arg17[%dma_start3A_192, %dma_start3A_193] : memref<10240x64xf32, #tpu.memory_space<vmem_shared>> -> memref<10240x64xf32, #tpu.memory_space<vmem_shared>>
        tpu.enqueue_indirect_dma source(%arg10 : memref<128x64xf32, #tpu.memory_space<vmem>>) target(%dma_start3A_194 : memref<10240x64xf32, #tpu.memory_space<vmem_shared>>) offsets(%dma_start3A_191 : memref<128xi32, #tpu.memory_space<vmem>>) semaphore(%run_scoped3A : memref<!tpu.dma_semaphore, #tpu.memory_space<semaphore_mem>>) {add = true}
        %dma_wait3A_195 = arith.constant 0 : i32
        %dma_wait3A_196 = tpu.memref_slice %arg8[%add3A_87, %dma_wait3A_195] : memref<80x128xi32, #tpu.memory_space<vmem>> -> memref<1x128xi32, #tpu.memory_space<vmem>>
        %dma_wait3A_197 = tpu.memref_squeeze %dma_wait3A_196 : memref<1x128xi32, #tpu.memory_space<vmem>> -> memref<128xi32, #tpu.memory_space<vmem>>
        %dma_wait3A_198 = arith.constant 0 : i32
        %dma_wait3A_199 = arith.constant 0 : i32
        %dma_wait3A_200 = tpu.memref_slice %arg17[%dma_wait3A_198, %dma_wait3A_199] : memref<10240x64xf32, #tpu.memory_space<vmem_shared>> -> memref<10240x64xf32, #tpu.memory_space<vmem_shared>>
        tpu.wait_indirect_dma semaphore(%run_scoped3A : memref<!tpu.dma_semaphore, #tpu.memory_space<semaphore_mem>>) src(%arg10 : memref<128x64xf32, #tpu.memory_space<vmem>>) dst(%dma_wait3A_200 : memref<10240x64xf32, #tpu.memory_space<vmem_shared>>)
        tpu.yield
      }) : () -> ()
      %lt3A_94 = arith.constant 9 : i32
      %lt3A_95 = arith.cmpi slt, %scan3A_72, %lt3A_94 : i32
      %convert_element_type3A_96 = arith.extui %lt3A_95 : i1 to i32
      %cond3A_97 = arith.constant 0 : i32
      %cond3A_98 = arith.cmpi ne, %convert_element_type3A_96, %cond3A_97 : i32
      scf.if %cond3A_98 {
        %add3A_189 = arith.constant 8 : i32
        %add3A_190 = arith.addi %add3A_87, %add3A_189 : i32
        %dma_start3A_191 = arith.constant 0 : i32
        %dma_start3A_192 = tpu.memref_slice %arg7[%add3A_190, %dma_start3A_191] : memref<80x128xi32, #tpu.memory_space<vmem>> -> memref<1x128xi32, #tpu.memory_space<vmem>>
        %dma_start3A_193 = tpu.memref_squeeze %dma_start3A_192 : memref<1x128xi32, #tpu.memory_space<vmem>> -> memref<128xi32, #tpu.memory_space<vmem>>
        %dma_start3A_194 = arith.constant 0 : i32
        %dma_start3A_195 = arith.constant 0 : i32
        %dma_start3A_196 = tpu.memref_slice %arg2[%dma_start3A_194, %dma_start3A_195] : memref<10000x64xf32, #tpu.memory_space<hbm>> -> memref<10000x64xf32, #tpu.memory_space<hbm>>
        tpu.enqueue_indirect_dma source(%dma_start3A_196 : memref<10000x64xf32, #tpu.memory_space<hbm>>) target(%arg10 : memref<128x64xf32, #tpu.memory_space<vmem>>) offsets(%dma_start3A_193 : memref<128xi32, #tpu.memory_space<vmem>>) semaphore(%arg19 : memref<!tpu.dma_semaphore, #tpu.memory_space<semaphore_mem>>)
      } else {
      }
      %mul3A_99 = arith.constant 8 : i32
      %mul3A_100 = arith.muli %scan3A_72, %mul3A_99 : i32
      %add3A_101 = arith.constant 2 : i32
      %add3A_102 = arith.addi %mul3A_100, %add3A_101 : i32
      %dma_wait3A_103 = arith.constant 0 : i32
      %dma_wait3A_104 = tpu.memref_slice %arg7[%add3A_102, %dma_wait3A_103] : memref<80x128xi32, #tpu.memory_space<vmem>> -> memref<1x128xi32, #tpu.memory_space<vmem>>
      %dma_wait3A_105 = tpu.memref_squeeze %dma_wait3A_104 : memref<1x128xi32, #tpu.memory_space<vmem>> -> memref<128xi32, #tpu.memory_space<vmem>>
      %dma_wait3A_106 = arith.constant 0 : i32
      %dma_wait3A_107 = arith.constant 0 : i32
      %dma_wait3A_108 = tpu.memref_slice %arg2[%dma_wait3A_106, %dma_wait3A_107] : memref<10000x64xf32, #tpu.memory_space<hbm>> -> memref<10000x64xf32, #tpu.memory_space<hbm>>
      tpu.wait_indirect_dma semaphore(%arg20 : memref<!tpu.dma_semaphore, #tpu.memory_space<semaphore_mem>>) src(%dma_wait3A_108 : memref<10000x64xf32, #tpu.memory_space<hbm>>) dst(%arg11 : memref<128x64xf32, #tpu.memory_space<vmem>>)
      "tpu.region"() ({
        %run_scoped3A = tpu.sem_alloc : memref<!tpu.dma_semaphore, #tpu.memory_space<semaphore_mem>>
        %dma_start3A_189 = arith.constant 0 : i32
        %dma_start3A_190 = tpu.memref_slice %arg8[%add3A_102, %dma_start3A_189] : memref<80x128xi32, #tpu.memory_space<vmem>> -> memref<1x128xi32, #tpu.memory_space<vmem>>
        %dma_start3A_191 = tpu.memref_squeeze %dma_start3A_190 : memref<1x128xi32, #tpu.memory_space<vmem>> -> memref<128xi32, #tpu.memory_space<vmem>>
        %dma_start3A_192 = arith.constant 0 : i32
        %dma_start3A_193 = arith.constant 0 : i32
        %dma_start3A_194 = tpu.memref_slice %arg17[%dma_start3A_192, %dma_start3A_193] : memref<10240x64xf32, #tpu.memory_space<vmem_shared>> -> memref<10240x64xf32, #tpu.memory_space<vmem_shared>>
        tpu.enqueue_indirect_dma source(%arg11 : memref<128x64xf32, #tpu.memory_space<vmem>>) target(%dma_start3A_194 : memref<10240x64xf32, #tpu.memory_space<vmem_shared>>) offsets(%dma_start3A_191 : memref<128xi32, #tpu.memory_space<vmem>>) semaphore(%run_scoped3A : memref<!tpu.dma_semaphore, #tpu.memory_space<semaphore_mem>>) {add = true}
        %dma_wait3A_195 = arith.constant 0 : i32
        %dma_wait3A_196 = tpu.memref_slice %arg8[%add3A_102, %dma_wait3A_195] : memref<80x128xi32, #tpu.memory_space<vmem>> -> memref<1x128xi32, #tpu.memory_space<vmem>>
        %dma_wait3A_197 = tpu.memref_squeeze %dma_wait3A_196 : memref<1x128xi32, #tpu.memory_space<vmem>> -> memref<128xi32, #tpu.memory_space<vmem>>
        %dma_wait3A_198 = arith.constant 0 : i32
        %dma_wait3A_199 = arith.constant 0 : i32
        %dma_wait3A_200 = tpu.memref_slice %arg17[%dma_wait3A_198, %dma_wait3A_199] : memref<10240x64xf32, #tpu.memory_space<vmem_shared>> -> memref<10240x64xf32, #tpu.memory_space<vmem_shared>>
        tpu.wait_indirect_dma semaphore(%run_scoped3A : memref<!tpu.dma_semaphore, #tpu.memory_space<semaphore_mem>>) src(%arg11 : memref<128x64xf32, #tpu.memory_space<vmem>>) dst(%dma_wait3A_200 : memref<10240x64xf32, #tpu.memory_space<vmem_shared>>)
        tpu.yield
      }) : () -> ()
      %lt3A_109 = arith.constant 9 : i32
      %lt3A_110 = arith.cmpi slt, %scan3A_72, %lt3A_109 : i32
      %convert_element_type3A_111 = arith.extui %lt3A_110 : i1 to i32
      %cond3A_112 = arith.constant 0 : i32
      %cond3A_113 = arith.cmpi ne, %convert_element_type3A_111, %cond3A_112 : i32
      scf.if %cond3A_113 {
        %add3A_189 = arith.constant 8 : i32
        %add3A_190 = arith.addi %add3A_102, %add3A_189 : i32
        %dma_start3A_191 = arith.constant 0 : i32
        %dma_start3A_192 = tpu.memref_slice %arg7[%add3A_190, %dma_start3A_191] : memref<80x128xi32, #tpu.memory_space<vmem>> -> memref<1x128xi32, #tpu.memory_space<vmem>>
        %dma_start3A_193 = tpu.memref_squeeze %dma_start3A_192 : memref<1x128xi32, #tpu.memory_space<vmem>> -> memref<128xi32, #tpu.memory_space<vmem>>
        %dma_start3A_194 = arith.constant 0 : i32
        %dma_start3A_195 = arith.constant 0 : i32
        %dma_start3A_196 = tpu.memref_slice %arg2[%dma_start3A_194, %dma_start3A_195] : memref<10000x64xf32, #tpu.memory_space<hbm>> -> memref<10000x64xf32, #tpu.memory_space<hbm>>
        tpu.enqueue_indirect_dma source(%dma_start3A_196 : memref<10000x64xf32, #tpu.memory_space<hbm>>) target(%arg11 : memref<128x64xf32, #tpu.memory_space<vmem>>) offsets(%dma_start3A_193 : memref<128xi32, #tpu.memory_space<vmem>>) semaphore(%arg20 : memref<!tpu.dma_semaphore, #tpu.memory_space<semaphore_mem>>)
      } else {
      }
      %mul3A_114 = arith.constant 8 : i32
      %mul3A_115 = arith.muli %scan3A_72, %mul3A_114 : i32
      %add3A_116 = arith.constant 3 : i32
      %add3A_117 = arith.addi %mul3A_115, %add3A_116 : i32
      %dma_wait3A_118 = arith.constant 0 : i32
      %dma_wait3A_119 = tpu.memref_slice %arg7[%add3A_117, %dma_wait3A_118] : memref<80x128xi32, #tpu.memory_space<vmem>> -> memref<1x128xi32, #tpu.memory_space<vmem>>
      %dma_wait3A_120 = tpu.memref_squeeze %dma_wait3A_119 : memref<1x128xi32, #tpu.memory_space<vmem>> -> memref<128xi32, #tpu.memory_space<vmem>>
      %dma_wait3A_121 = arith.constant 0 : i32
      %dma_wait3A_122 = arith.constant 0 : i32
      %dma_wait3A_123 = tpu.memref_slice %arg2[%dma_wait3A_121, %dma_wait3A_122] : memref<10000x64xf32, #tpu.memory_space<hbm>> -> memref<10000x64xf32, #tpu.memory_space<hbm>>
      tpu.wait_indirect_dma semaphore(%arg21 : memref<!tpu.dma_semaphore, #tpu.memory_space<semaphore_mem>>) src(%dma_wait3A_123 : memref<10000x64xf32, #tpu.memory_space<hbm>>) dst(%arg12 : memref<128x64xf32, #tpu.memory_space<vmem>>)
      "tpu.region"() ({
        %run_scoped3A = tpu.sem_alloc : memref<!tpu.dma_semaphore, #tpu.memory_space<semaphore_mem>>
        %dma_start3A_189 = arith.constant 0 : i32
        %dma_start3A_190 = tpu.memref_slice %arg8[%add3A_117, %dma_start3A_189] : memref<80x128xi32, #tpu.memory_space<vmem>> -> memref<1x128xi32, #tpu.memory_space<vmem>>
        %dma_start3A_191 = tpu.memref_squeeze %dma_start3A_190 : memref<1x128xi32, #tpu.memory_space<vmem>> -> memref<128xi32, #tpu.memory_space<vmem>>
        %dma_start3A_192 = arith.constant 0 : i32
        %dma_start3A_193 = arith.constant 0 : i32
        %dma_start3A_194 = tpu.memref_slice %arg17[%dma_start3A_192, %dma_start3A_193] : memref<10240x64xf32, #tpu.memory_space<vmem_shared>> -> memref<10240x64xf32, #tpu.memory_space<vmem_shared>>
        tpu.enqueue_indirect_dma source(%arg12 : memref<128x64xf32, #tpu.memory_space<vmem>>) target(%dma_start3A_194 : memref<10240x64xf32, #tpu.memory_space<vmem_shared>>) offsets(%dma_start3A_191 : memref<128xi32, #tpu.memory_space<vmem>>) semaphore(%run_scoped3A : memref<!tpu.dma_semaphore, #tpu.memory_space<semaphore_mem>>) {add = true}
        %dma_wait3A_195 = arith.constant 0 : i32
        %dma_wait3A_196 = tpu.memref_slice %arg8[%add3A_117, %dma_wait3A_195] : memref<80x128xi32, #tpu.memory_space<vmem>> -> memref<1x128xi32, #tpu.memory_space<vmem>>
        %dma_wait3A_197 = tpu.memref_squeeze %dma_wait3A_196 : memref<1x128xi32, #tpu.memory_space<vmem>> -> memref<128xi32, #tpu.memory_space<vmem>>
        %dma_wait3A_198 = arith.constant 0 : i32
        %dma_wait3A_199 = arith.constant 0 : i32
        %dma_wait3A_200 = tpu.memref_slice %arg17[%dma_wait3A_198, %dma_wait3A_199] : memref<10240x64xf32, #tpu.memory_space<vmem_shared>> -> memref<10240x64xf32, #tpu.memory_space<vmem_shared>>
        tpu.wait_indirect_dma semaphore(%run_scoped3A : memref<!tpu.dma_semaphore, #tpu.memory_space<semaphore_mem>>) src(%arg12 : memref<128x64xf32, #tpu.memory_space<vmem>>) dst(%dma_wait3A_200 : memref<10240x64xf32, #tpu.memory_space<vmem_shared>>)
        tpu.yield
      }) : () -> ()
      %lt3A_124 = arith.constant 9 : i32
      %lt3A_125 = arith.cmpi slt, %scan3A_72, %lt3A_124 : i32
      %convert_element_type3A_126 = arith.extui %lt3A_125 : i1 to i32
      %cond3A_127 = arith.constant 0 : i32
      %cond3A_128 = arith.cmpi ne, %convert_element_type3A_126, %cond3A_127 : i32
      scf.if %cond3A_128 {
        %add3A_189 = arith.constant 8 : i32
        %add3A_190 = arith.addi %add3A_117, %add3A_189 : i32
        %dma_start3A_191 = arith.constant 0 : i32
        %dma_start3A_192 = tpu.memref_slice %arg7[%add3A_190, %dma_start3A_191] : memref<80x128xi32, #tpu.memory_space<vmem>> -> memref<1x128xi32, #tpu.memory_space<vmem>>
        %dma_start3A_193 = tpu.memref_squeeze %dma_start3A_192 : memref<1x128xi32, #tpu.memory_space<vmem>> -> memref<128xi32, #tpu.memory_space<vmem>>
        %dma_start3A_194 = arith.constant 0 : i32
        %dma_start3A_195 = arith.constant 0 : i32
        %dma_start3A_196 = tpu.memref_slice %arg2[%dma_start3A_194, %dma_start3A_195] : memref<10000x64xf32, #tpu.memory_space<hbm>> -> memref<10000x64xf32, #tpu.memory_space<hbm>>
        tpu.enqueue_indirect_dma source(%dma_start3A_196 : memref<10000x64xf32, #tpu.memory_space<hbm>>) target(%arg12 : memref<128x64xf32, #tpu.memory_space<vmem>>) offsets(%dma_start3A_193 : memref<128xi32, #tpu.memory_space<vmem>>) semaphore(%arg21 : memref<!tpu.dma_semaphore, #tpu.memory_space<semaphore_mem>>)
      } else {
      }
      %mul3A_129 = arith.constant 8 : i32
      %mul3A_130 = arith.muli %scan3A_72, %mul3A_129 : i32
      %add3A_131 = arith.constant 4 : i32
      %add3A_132 = arith.addi %mul3A_130, %add3A_131 : i32
      %dma_wait3A_133 = arith.constant 0 : i32
      %dma_wait3A_134 = tpu.memref_slice %arg7[%add3A_132, %dma_wait3A_133] : memref<80x128xi32, #tpu.memory_space<vmem>> -> memref<1x128xi32, #tpu.memory_space<vmem>>
      %dma_wait3A_135 = tpu.memref_squeeze %dma_wait3A_134 : memref<1x128xi32, #tpu.memory_space<vmem>> -> memref<128xi32, #tpu.memory_space<vmem>>
      %dma_wait3A_136 = arith.constant 0 : i32
      %dma_wait3A_137 = arith.constant 0 : i32
      %dma_wait3A_138 = tpu.memref_slice %arg2[%dma_wait3A_136, %dma_wait3A_137] : memref<10000x64xf32, #tpu.memory_space<hbm>> -> memref<10000x64xf32, #tpu.memory_space<hbm>>
      tpu.wait_indirect_dma semaphore(%arg22 : memref<!tpu.dma_semaphore, #tpu.memory_space<semaphore_mem>>) src(%dma_wait3A_138 : memref<10000x64xf32, #tpu.memory_space<hbm>>) dst(%arg13 : memref<128x64xf32, #tpu.memory_space<vmem>>)
      "tpu.region"() ({
        %run_scoped3A = tpu.sem_alloc : memref<!tpu.dma_semaphore, #tpu.memory_space<semaphore_mem>>
        %dma_start3A_189 = arith.constant 0 : i32
        %dma_start3A_190 = tpu.memref_slice %arg8[%add3A_132, %dma_start3A_189] : memref<80x128xi32, #tpu.memory_space<vmem>> -> memref<1x128xi32, #tpu.memory_space<vmem>>
        %dma_start3A_191 = tpu.memref_squeeze %dma_start3A_190 : memref<1x128xi32, #tpu.memory_space<vmem>> -> memref<128xi32, #tpu.memory_space<vmem>>
        %dma_start3A_192 = arith.constant 0 : i32
        %dma_start3A_193 = arith.constant 0 : i32
        %dma_start3A_194 = tpu.memref_slice %arg17[%dma_start3A_192, %dma_start3A_193] : memref<10240x64xf32, #tpu.memory_space<vmem_shared>> -> memref<10240x64xf32, #tpu.memory_space<vmem_shared>>
        tpu.enqueue_indirect_dma source(%arg13 : memref<128x64xf32, #tpu.memory_space<vmem>>) target(%dma_start3A_194 : memref<10240x64xf32, #tpu.memory_space<vmem_shared>>) offsets(%dma_start3A_191 : memref<128xi32, #tpu.memory_space<vmem>>) semaphore(%run_scoped3A : memref<!tpu.dma_semaphore, #tpu.memory_space<semaphore_mem>>) {add = true}
        %dma_wait3A_195 = arith.constant 0 : i32
        %dma_wait3A_196 = tpu.memref_slice %arg8[%add3A_132, %dma_wait3A_195] : memref<80x128xi32, #tpu.memory_space<vmem>> -> memref<1x128xi32, #tpu.memory_space<vmem>>
        %dma_wait3A_197 = tpu.memref_squeeze %dma_wait3A_196 : memref<1x128xi32, #tpu.memory_space<vmem>> -> memref<128xi32, #tpu.memory_space<vmem>>
        %dma_wait3A_198 = arith.constant 0 : i32
        %dma_wait3A_199 = arith.constant 0 : i32
        %dma_wait3A_200 = tpu.memref_slice %arg17[%dma_wait3A_198, %dma_wait3A_199] : memref<10240x64xf32, #tpu.memory_space<vmem_shared>> -> memref<10240x64xf32, #tpu.memory_space<vmem_shared>>
        tpu.wait_indirect_dma semaphore(%run_scoped3A : memref<!tpu.dma_semaphore, #tpu.memory_space<semaphore_mem>>) src(%arg13 : memref<128x64xf32, #tpu.memory_space<vmem>>) dst(%dma_wait3A_200 : memref<10240x64xf32, #tpu.memory_space<vmem_shared>>)
        tpu.yield
      }) : () -> ()
      %lt3A_139 = arith.constant 9 : i32
      %lt3A_140 = arith.cmpi slt, %scan3A_72, %lt3A_139 : i32
      %convert_element_type3A_141 = arith.extui %lt3A_140 : i1 to i32
      %cond3A_142 = arith.constant 0 : i32
      %cond3A_143 = arith.cmpi ne, %convert_element_type3A_141, %cond3A_142 : i32
      scf.if %cond3A_143 {
        %add3A_189 = arith.constant 8 : i32
        %add3A_190 = arith.addi %add3A_132, %add3A_189 : i32
        %dma_start3A_191 = arith.constant 0 : i32
        %dma_start3A_192 = tpu.memref_slice %arg7[%add3A_190, %dma_start3A_191] : memref<80x128xi32, #tpu.memory_space<vmem>> -> memref<1x128xi32, #tpu.memory_space<vmem>>
        %dma_start3A_193 = tpu.memref_squeeze %dma_start3A_192 : memref<1x128xi32, #tpu.memory_space<vmem>> -> memref<128xi32, #tpu.memory_space<vmem>>
        %dma_start3A_194 = arith.constant 0 : i32
        %dma_start3A_195 = arith.constant 0 : i32
        %dma_start3A_196 = tpu.memref_slice %arg2[%dma_start3A_194, %dma_start3A_195] : memref<10000x64xf32, #tpu.memory_space<hbm>> -> memref<10000x64xf32, #tpu.memory_space<hbm>>
        tpu.enqueue_indirect_dma source(%dma_start3A_196 : memref<10000x64xf32, #tpu.memory_space<hbm>>) target(%arg13 : memref<128x64xf32, #tpu.memory_space<vmem>>) offsets(%dma_start3A_193 : memref<128xi32, #tpu.memory_space<vmem>>) semaphore(%arg22 : memref<!tpu.dma_semaphore, #tpu.memory_space<semaphore_mem>>)
      } else {
      }
      %mul3A_144 = arith.constant 8 : i32
      %mul3A_145 = arith.muli %scan3A_72, %mul3A_144 : i32
      %add3A_146 = arith.constant 5 : i32
      %add3A_147 = arith.addi %mul3A_145, %add3A_146 : i32
      %dma_wait3A_148 = arith.constant 0 : i32
      %dma_wait3A_149 = tpu.memref_slice %arg7[%add3A_147, %dma_wait3A_148] : memref<80x128xi32, #tpu.memory_space<vmem>> -> memref<1x128xi32, #tpu.memory_space<vmem>>
      %dma_wait3A_150 = tpu.memref_squeeze %dma_wait3A_149 : memref<1x128xi32, #tpu.memory_space<vmem>> -> memref<128xi32, #tpu.memory_space<vmem>>
      %dma_wait3A_151 = arith.constant 0 : i32
      %dma_wait3A_152 = arith.constant 0 : i32
      %dma_wait3A_153 = tpu.memref_slice %arg2[%dma_wait3A_151, %dma_wait3A_152] : memref<10000x64xf32, #tpu.memory_space<hbm>> -> memref<10000x64xf32, #tpu.memory_space<hbm>>
      tpu.wait_indirect_dma semaphore(%arg23 : memref<!tpu.dma_semaphore, #tpu.memory_space<semaphore_mem>>) src(%dma_wait3A_153 : memref<10000x64xf32, #tpu.memory_space<hbm>>) dst(%arg14 : memref<128x64xf32, #tpu.memory_space<vmem>>)
      "tpu.region"() ({
        %run_scoped3A = tpu.sem_alloc : memref<!tpu.dma_semaphore, #tpu.memory_space<semaphore_mem>>
        %dma_start3A_189 = arith.constant 0 : i32
        %dma_start3A_190 = tpu.memref_slice %arg8[%add3A_147, %dma_start3A_189] : memref<80x128xi32, #tpu.memory_space<vmem>> -> memref<1x128xi32, #tpu.memory_space<vmem>>
        %dma_start3A_191 = tpu.memref_squeeze %dma_start3A_190 : memref<1x128xi32, #tpu.memory_space<vmem>> -> memref<128xi32, #tpu.memory_space<vmem>>
        %dma_start3A_192 = arith.constant 0 : i32
        %dma_start3A_193 = arith.constant 0 : i32
        %dma_start3A_194 = tpu.memref_slice %arg17[%dma_start3A_192, %dma_start3A_193] : memref<10240x64xf32, #tpu.memory_space<vmem_shared>> -> memref<10240x64xf32, #tpu.memory_space<vmem_shared>>
        tpu.enqueue_indirect_dma source(%arg14 : memref<128x64xf32, #tpu.memory_space<vmem>>) target(%dma_start3A_194 : memref<10240x64xf32, #tpu.memory_space<vmem_shared>>) offsets(%dma_start3A_191 : memref<128xi32, #tpu.memory_space<vmem>>) semaphore(%run_scoped3A : memref<!tpu.dma_semaphore, #tpu.memory_space<semaphore_mem>>) {add = true}
        %dma_wait3A_195 = arith.constant 0 : i32
        %dma_wait3A_196 = tpu.memref_slice %arg8[%add3A_147, %dma_wait3A_195] : memref<80x128xi32, #tpu.memory_space<vmem>> -> memref<1x128xi32, #tpu.memory_space<vmem>>
        %dma_wait3A_197 = tpu.memref_squeeze %dma_wait3A_196 : memref<1x128xi32, #tpu.memory_space<vmem>> -> memref<128xi32, #tpu.memory_space<vmem>>
        %dma_wait3A_198 = arith.constant 0 : i32
        %dma_wait3A_199 = arith.constant 0 : i32
        %dma_wait3A_200 = tpu.memref_slice %arg17[%dma_wait3A_198, %dma_wait3A_199] : memref<10240x64xf32, #tpu.memory_space<vmem_shared>> -> memref<10240x64xf32, #tpu.memory_space<vmem_shared>>
        tpu.wait_indirect_dma semaphore(%run_scoped3A : memref<!tpu.dma_semaphore, #tpu.memory_space<semaphore_mem>>) src(%arg14 : memref<128x64xf32, #tpu.memory_space<vmem>>) dst(%dma_wait3A_200 : memref<10240x64xf32, #tpu.memory_space<vmem_shared>>)
        tpu.yield
      }) : () -> ()
      %lt3A_154 = arith.constant 9 : i32
      %lt3A_155 = arith.cmpi slt, %scan3A_72, %lt3A_154 : i32
      %convert_element_type3A_156 = arith.extui %lt3A_155 : i1 to i32
      %cond3A_157 = arith.constant 0 : i32
      %cond3A_158 = arith.cmpi ne, %convert_element_type3A_156, %cond3A_157 : i32
      scf.if %cond3A_158 {
        %add3A_189 = arith.constant 8 : i32
        %add3A_190 = arith.addi %add3A_147, %add3A_189 : i32
        %dma_start3A_191 = arith.constant 0 : i32
        %dma_start3A_192 = tpu.memref_slice %arg7[%add3A_190, %dma_start3A_191] : memref<80x128xi32, #tpu.memory_space<vmem>> -> memref<1x128xi32, #tpu.memory_space<vmem>>
        %dma_start3A_193 = tpu.memref_squeeze %dma_start3A_192 : memref<1x128xi32, #tpu.memory_space<vmem>> -> memref<128xi32, #tpu.memory_space<vmem>>
        %dma_start3A_194 = arith.constant 0 : i32
        %dma_start3A_195 = arith.constant 0 : i32
        %dma_start3A_196 = tpu.memref_slice %arg2[%dma_start3A_194, %dma_start3A_195] : memref<10000x64xf32, #tpu.memory_space<hbm>> -> memref<10000x64xf32, #tpu.memory_space<hbm>>
        tpu.enqueue_indirect_dma source(%dma_start3A_196 : memref<10000x64xf32, #tpu.memory_space<hbm>>) target(%arg14 : memref<128x64xf32, #tpu.memory_space<vmem>>) offsets(%dma_start3A_193 : memref<128xi32, #tpu.memory_space<vmem>>) semaphore(%arg23 : memref<!tpu.dma_semaphore, #tpu.memory_space<semaphore_mem>>)
      } else {
      }
      %mul3A_159 = arith.constant 8 : i32
      %mul3A_160 = arith.muli %scan3A_72, %mul3A_159 : i32
      %add3A_161 = arith.constant 6 : i32
      %add3A_162 = arith.addi %mul3A_160, %add3A_161 : i32
      %dma_wait3A_163 = arith.constant 0 : i32
      %dma_wait3A_164 = tpu.memref_slice %arg7[%add3A_162, %dma_wait3A_163] : memref<80x128xi32, #tpu.memory_space<vmem>> -> memref<1x128xi32, #tpu.memory_space<vmem>>
      %dma_wait3A_165 = tpu.memref_squeeze %dma_wait3A_164 : memref<1x128xi32, #tpu.memory_space<vmem>> -> memref<128xi32, #tpu.memory_space<vmem>>
      %dma_wait3A_166 = arith.constant 0 : i32
      %dma_wait3A_167 = arith.constant 0 : i32
      %dma_wait3A_168 = tpu.memref_slice %arg2[%dma_wait3A_166, %dma_wait3A_167] : memref<10000x64xf32, #tpu.memory_space<hbm>> -> memref<10000x64xf32, #tpu.memory_space<hbm>>
      tpu.wait_indirect_dma semaphore(%arg24 : memref<!tpu.dma_semaphore, #tpu.memory_space<semaphore_mem>>) src(%dma_wait3A_168 : memref<10000x64xf32, #tpu.memory_space<hbm>>) dst(%arg15 : memref<128x64xf32, #tpu.memory_space<vmem>>)
      "tpu.region"() ({
        %run_scoped3A = tpu.sem_alloc : memref<!tpu.dma_semaphore, #tpu.memory_space<semaphore_mem>>
        %dma_start3A_189 = arith.constant 0 : i32
        %dma_start3A_190 = tpu.memref_slice %arg8[%add3A_162, %dma_start3A_189] : memref<80x128xi32, #tpu.memory_space<vmem>> -> memref<1x128xi32, #tpu.memory_space<vmem>>
        %dma_start3A_191 = tpu.memref_squeeze %dma_start3A_190 : memref<1x128xi32, #tpu.memory_space<vmem>> -> memref<128xi32, #tpu.memory_space<vmem>>
        %dma_start3A_192 = arith.constant 0 : i32
        %dma_start3A_193 = arith.constant 0 : i32
        %dma_start3A_194 = tpu.memref_slice %arg17[%dma_start3A_192, %dma_start3A_193] : memref<10240x64xf32, #tpu.memory_space<vmem_shared>> -> memref<10240x64xf32, #tpu.memory_space<vmem_shared>>
        tpu.enqueue_indirect_dma source(%arg15 : memref<128x64xf32, #tpu.memory_space<vmem>>) target(%dma_start3A_194 : memref<10240x64xf32, #tpu.memory_space<vmem_shared>>) offsets(%dma_start3A_191 : memref<128xi32, #tpu.memory_space<vmem>>) semaphore(%run_scoped3A : memref<!tpu.dma_semaphore, #tpu.memory_space<semaphore_mem>>) {add = true}
        %dma_wait3A_195 = arith.constant 0 : i32
        %dma_wait3A_196 = tpu.memref_slice %arg8[%add3A_162, %dma_wait3A_195] : memref<80x128xi32, #tpu.memory_space<vmem>> -> memref<1x128xi32, #tpu.memory_space<vmem>>
        %dma_wait3A_197 = tpu.memref_squeeze %dma_wait3A_196 : memref<1x128xi32, #tpu.memory_space<vmem>> -> memref<128xi32, #tpu.memory_space<vmem>>
        %dma_wait3A_198 = arith.constant 0 : i32
        %dma_wait3A_199 = arith.constant 0 : i32
        %dma_wait3A_200 = tpu.memref_slice %arg17[%dma_wait3A_198, %dma_wait3A_199] : memref<10240x64xf32, #tpu.memory_space<vmem_shared>> -> memref<10240x64xf32, #tpu.memory_space<vmem_shared>>
        tpu.wait_indirect_dma semaphore(%run_scoped3A : memref<!tpu.dma_semaphore, #tpu.memory_space<semaphore_mem>>) src(%arg15 : memref<128x64xf32, #tpu.memory_space<vmem>>) dst(%dma_wait3A_200 : memref<10240x64xf32, #tpu.memory_space<vmem_shared>>)
        tpu.yield
      }) : () -> ()
      %lt3A_169 = arith.constant 9 : i32
      %lt3A_170 = arith.cmpi slt, %scan3A_72, %lt3A_169 : i32
      %convert_element_type3A_171 = arith.extui %lt3A_170 : i1 to i32
      %cond3A_172 = arith.constant 0 : i32
      %cond3A_173 = arith.cmpi ne, %convert_element_type3A_171, %cond3A_172 : i32
      scf.if %cond3A_173 {
        %add3A_189 = arith.constant 8 : i32
        %add3A_190 = arith.addi %add3A_162, %add3A_189 : i32
        %dma_start3A_191 = arith.constant 0 : i32
        %dma_start3A_192 = tpu.memref_slice %arg7[%add3A_190, %dma_start3A_191] : memref<80x128xi32, #tpu.memory_space<vmem>> -> memref<1x128xi32, #tpu.memory_space<vmem>>
        %dma_start3A_193 = tpu.memref_squeeze %dma_start3A_192 : memref<1x128xi32, #tpu.memory_space<vmem>> -> memref<128xi32, #tpu.memory_space<vmem>>
        %dma_start3A_194 = arith.constant 0 : i32
        %dma_start3A_195 = arith.constant 0 : i32
        %dma_start3A_196 = tpu.memref_slice %arg2[%dma_start3A_194, %dma_start3A_195] : memref<10000x64xf32, #tpu.memory_space<hbm>> -> memref<10000x64xf32, #tpu.memory_space<hbm>>
        tpu.enqueue_indirect_dma source(%dma_start3A_196 : memref<10000x64xf32, #tpu.memory_space<hbm>>) target(%arg15 : memref<128x64xf32, #tpu.memory_space<vmem>>) offsets(%dma_start3A_193 : memref<128xi32, #tpu.memory_space<vmem>>) semaphore(%arg24 : memref<!tpu.dma_semaphore, #tpu.memory_space<semaphore_mem>>)
      } else {
      }
      %mul3A_174 = arith.constant 8 : i32
      %mul3A_175 = arith.muli %scan3A_72, %mul3A_174 : i32
      %add3A_176 = arith.constant 7 : i32
      %add3A_177 = arith.addi %mul3A_175, %add3A_176 : i32
      %dma_wait3A_178 = arith.constant 0 : i32
      %dma_wait3A_179 = tpu.memref_slice %arg7[%add3A_177, %dma_wait3A_178] : memref<80x128xi32, #tpu.memory_space<vmem>> -> memref<1x128xi32, #tpu.memory_space<vmem>>
      %dma_wait3A_180 = tpu.memref_squeeze %dma_wait3A_179 : memref<1x128xi32, #tpu.memory_space<vmem>> -> memref<128xi32, #tpu.memory_space<vmem>>
      %dma_wait3A_181 = arith.constant 0 : i32
      %dma_wait3A_182 = arith.constant 0 : i32
      %dma_wait3A_183 = tpu.memref_slice %arg2[%dma_wait3A_181, %dma_wait3A_182] : memref<10000x64xf32, #tpu.memory_space<hbm>> -> memref<10000x64xf32, #tpu.memory_space<hbm>>
      tpu.wait_indirect_dma semaphore(%arg25 : memref<!tpu.dma_semaphore, #tpu.memory_space<semaphore_mem>>) src(%dma_wait3A_183 : memref<10000x64xf32, #tpu.memory_space<hbm>>) dst(%arg16 : memref<128x64xf32, #tpu.memory_space<vmem>>)
      "tpu.region"() ({
        %run_scoped3A = tpu.sem_alloc : memref<!tpu.dma_semaphore, #tpu.memory_space<semaphore_mem>>
        %dma_start3A_189 = arith.constant 0 : i32
        %dma_start3A_190 = tpu.memref_slice %arg8[%add3A_177, %dma_start3A_189] : memref<80x128xi32, #tpu.memory_space<vmem>> -> memref<1x128xi32, #tpu.memory_space<vmem>>
        %dma_start3A_191 = tpu.memref_squeeze %dma_start3A_190 : memref<1x128xi32, #tpu.memory_space<vmem>> -> memref<128xi32, #tpu.memory_space<vmem>>
        %dma_start3A_192 = arith.constant 0 : i32
        %dma_start3A_193 = arith.constant 0 : i32
        %dma_start3A_194 = tpu.memref_slice %arg17[%dma_start3A_192, %dma_start3A_193] : memref<10240x64xf32, #tpu.memory_space<vmem_shared>> -> memref<10240x64xf32, #tpu.memory_space<vmem_shared>>
        tpu.enqueue_indirect_dma source(%arg16 : memref<128x64xf32, #tpu.memory_space<vmem>>) target(%dma_start3A_194 : memref<10240x64xf32, #tpu.memory_space<vmem_shared>>) offsets(%dma_start3A_191 : memref<128xi32, #tpu.memory_space<vmem>>) semaphore(%run_scoped3A : memref<!tpu.dma_semaphore, #tpu.memory_space<semaphore_mem>>) {add = true}
        %dma_wait3A_195 = arith.constant 0 : i32
        %dma_wait3A_196 = tpu.memref_slice %arg8[%add3A_177, %dma_wait3A_195] : memref<80x128xi32, #tpu.memory_space<vmem>> -> memref<1x128xi32, #tpu.memory_space<vmem>>
        %dma_wait3A_197 = tpu.memref_squeeze %dma_wait3A_196 : memref<1x128xi32, #tpu.memory_space<vmem>> -> memref<128xi32, #tpu.memory_space<vmem>>
        %dma_wait3A_198 = arith.constant 0 : i32
        %dma_wait3A_199 = arith.constant 0 : i32
        %dma_wait3A_200 = tpu.memref_slice %arg17[%dma_wait3A_198, %dma_wait3A_199] : memref<10240x64xf32, #tpu.memory_space<vmem_shared>> -> memref<10240x64xf32, #tpu.memory_space<vmem_shared>>
        tpu.wait_indirect_dma semaphore(%run_scoped3A : memref<!tpu.dma_semaphore, #tpu.memory_space<semaphore_mem>>) src(%arg16 : memref<128x64xf32, #tpu.memory_space<vmem>>) dst(%dma_wait3A_200 : memref<10240x64xf32, #tpu.memory_space<vmem_shared>>)
        tpu.yield
      }) : () -> ()
      %lt3A_184 = arith.constant 9 : i32
      %lt3A_185 = arith.cmpi slt, %scan3A_72, %lt3A_184 : i32
      %convert_element_type3A_186 = arith.extui %lt3A_185 : i1 to i32
      %cond3A_187 = arith.constant 0 : i32
      %cond3A_188 = arith.cmpi ne, %convert_element_type3A_186, %cond3A_187 : i32
      scf.if %cond3A_188 {
        %add3A_189 = arith.constant 8 : i32
        %add3A_190 = arith.addi %add3A_177, %add3A_189 : i32
        %dma_start3A_191 = arith.constant 0 : i32
        %dma_start3A_192 = tpu.memref_slice %arg7[%add3A_190, %dma_start3A_191] : memref<80x128xi32, #tpu.memory_space<vmem>> -> memref<1x128xi32, #tpu.memory_space<vmem>>
        %dma_start3A_193 = tpu.memref_squeeze %dma_start3A_192 : memref<1x128xi32, #tpu.memory_space<vmem>> -> memref<128xi32, #tpu.memory_space<vmem>>
        %dma_start3A_194 = arith.constant 0 : i32
        %dma_start3A_195 = arith.constant 0 : i32
        %dma_start3A_196 = tpu.memref_slice %arg2[%dma_start3A_194, %dma_start3A_195] : memref<10000x64xf32, #tpu.memory_space<hbm>> -> memref<10000x64xf32, #tpu.memory_space<hbm>>
        tpu.enqueue_indirect_dma source(%dma_start3A_196 : memref<10000x64xf32, #tpu.memory_space<hbm>>) target(%arg16 : memref<128x64xf32, #tpu.memory_space<vmem>>) offsets(%dma_start3A_193 : memref<128xi32, #tpu.memory_space<vmem>>) semaphore(%arg25 : memref<!tpu.dma_semaphore, #tpu.memory_space<semaphore_mem>>)
      } else {
      }
    }
    %scan3A_66 = arith.constant 10 : i32
    %barrier3A_67 = arith.constant 0 : index
    tpu.barrier barrier_id(%barrier3A_67)
    %mul3A_68 = arith.constant 640 : i32
    %mul3A_69 = arith.muli %arg1, %mul3A_68 : i32
    %mul3A_70 = arith.constant 640 : i32
    %mul3A_71 = arith.muli %arg1, %mul3A_70 : i32
    "tpu.region"() ({
      %run_scoped3A = tpu.sem_alloc : memref<!tpu.dma_semaphore, #tpu.memory_space<semaphore_mem>>
      %dma_start3A_72 = arith.constant 0 : i32
      %dma_start3A_73 = tpu.memref_slice %arg6[%arg0, %mul3A_71, %dma_start3A_72] : memref<2x10240x64xf32, #tpu.memory_space<hbm>> -> memref<1x640x64xf32, #tpu.memory_space<hbm>>
      %dma_start3A_74 = tpu.memref_squeeze %dma_start3A_73 : memref<1x640x64xf32, #tpu.memory_space<hbm>> -> memref<640x64xf32, #tpu.memory_space<hbm>>
      %dma_start3A_75 = arith.constant 0 : i32
      %dma_start3A_76 = tpu.memref_slice %arg17[%mul3A_69, %dma_start3A_75] : memref<10240x64xf32, #tpu.memory_space<vmem_shared>> -> memref<640x64xf32, #tpu.memory_space<vmem_shared>>
      tpu.enqueue_dma source(%dma_start3A_76 : memref<640x64xf32, #tpu.memory_space<vmem_shared>>) target(%dma_start3A_74 : memref<640x64xf32, #tpu.memory_space<hbm>>) target_semaphore(%run_scoped3A : memref<!tpu.dma_semaphore, #tpu.memory_space<semaphore_mem>>)
      %dma_wait3A = arith.constant 0 : i32
      %dma_wait3A_77 = tpu.memref_slice %arg6[%arg0, %mul3A_71, %dma_wait3A] : memref<2x10240x64xf32, #tpu.memory_space<hbm>> -> memref<1x640x64xf32, #tpu.memory_space<hbm>>
      %dma_wait3A_78 = tpu.memref_squeeze %dma_wait3A_77 : memref<1x640x64xf32, #tpu.memory_space<hbm>> -> memref<640x64xf32, #tpu.memory_space<hbm>>
      %dma_wait3A_79 = arith.constant 0 : i32
      %dma_wait3A_80 = tpu.memref_slice %arg17[%mul3A_69, %dma_wait3A_79] : memref<10240x64xf32, #tpu.memory_space<vmem_shared>> -> memref<640x64xf32, #tpu.memory_space<vmem_shared>>
      tpu.wait_dma2 semaphore(%run_scoped3A : memref<!tpu.dma_semaphore, #tpu.memory_space<semaphore_mem>>) src(%dma_wait3A_80 : memref<640x64xf32, #tpu.memory_space<vmem_shared>>) dst(%dma_wait3A_78 : memref<640x64xf32, #tpu.memory_space<hbm>>)
      tpu.yield
    }) : () -> ()
    return
  }
}

module attributes {stable_mosaic.version = 14 : i64} {
  func.func @_tc_mm_body(%arg0: memref<10000x128xf32, #tpu.memory_space<vmem>>, %arg1: memref<128x64xf32, #tpu.memory_space<vmem>>, %arg2: memref<10000x64xf32, #tpu.memory_space<vmem>>) attributes {dimension_semantics = [], scalar_prefetch = 0 : i64, scratch_operands = 0 : i64, tpu.core_type = #tpu.core_type<tc>} {
    %get3A = arith.constant 0 : index
    %get3A_0 = arith.constant 0 : index
    %get3A_1 = vector.load %arg0[%get3A, %get3A_0] : memref<10000x128xf32, #tpu.memory_space<vmem>>, vector<10000x128xf32>
    %get3A_2 = arith.constant 0 : index
    %get3A_3 = arith.constant 0 : index
    %get3A_4 = vector.load %arg1[%get3A_2, %get3A_3] : memref<128x64xf32, #tpu.memory_space<vmem>>, vector<128x64xf32>
    %dot_general3A = arith.constant dense<0.000000e+00> : vector<10000x64xf32>
    %dot_general3A_5 = tpu.matmul %get3A_1, %get3A_4, %dot_general3A {dimension_numbers = #tpu.dot_dimension_numbers<[1], [0], [0], [1], [0, 0, 1, 1], [], []>, transpose_lhs_hint = false} : vector<10000x128xf32>, vector<128x64xf32>, vector<10000x64xf32> -> vector<10000x64xf32>
    %swap3A = arith.constant 0 : index
    %swap3A_6 = arith.constant 0 : index
    %swap3A_7 = vector.load %arg2[%swap3A, %swap3A_6] : memref<10000x64xf32, #tpu.memory_space<vmem>>, vector<10000x64xf32>
    tpu.vector_store %arg2[%swap3A, %swap3A_6], %dot_general3A_5 {strides = array<i32>} : memref<10000x64xf32, #tpu.memory_space<vmem>>, vector<10000x64xf32>,
    return
  }
}

module attributes {stable_mosaic.version = 14 : i64} {
  func.func @_tc_bn_body(%arg0: memref<2x5120x128xf32, #tpu.memory_space<vmem>>, %arg1: memref<5000x128xf32, #tpu.memory_space<vmem>>, %arg2: memref<5000x128xf32, #tpu.memory_space<vmem>>, %arg3: memref<1x128xf32, #tpu.memory_space<vmem>>, %arg4: memref<1x128xf32, #tpu.memory_space<vmem>>, %arg5: memref<1x128xf32, #tpu.memory_space<vmem>>, %arg6: memref<128x128xf32, #tpu.memory_space<vmem>>, %arg7: memref<5000x128xf32, #tpu.memory_space<vmem>>) attributes {dimension_semantics = [], scalar_prefetch = 0 : i64, scratch_operands = 0 : i64, tpu.core_type = #tpu.core_type<tc>} {
    %get3A = arith.constant 0 : index
    %get3A_0 = arith.constant 0 : index
    %get3A_1 = vector.load %arg2[%get3A, %get3A_0] : memref<5000x128xf32, #tpu.memory_space<vmem>>, vector<5000x128xf32>
    %get3A_2 = arith.constant 0 : index
    %get3A_3 = arith.constant 0 : index
    %get3A_4 = arith.constant 0 : index
    %get3A_5 = vector.load %arg0[%get3A_2, %get3A_3, %get3A_4] : memref<2x5120x128xf32, #tpu.memory_space<vmem>>, vector<1x5000x128xf32>
    %get3A_6 = vector.shape_cast %get3A_5 : vector<1x5000x128xf32> to vector<5000x128xf32>
    %get3A_7 = arith.constant 1 : index
    %get3A_8 = arith.constant 0 : index
    %get3A_9 = arith.constant 0 : index
    %get3A_10 = vector.load %arg0[%get3A_7, %get3A_8, %get3A_9] : memref<2x5120x128xf32, #tpu.memory_space<vmem>>, vector<1x5000x128xf32>
    %get3A_11 = vector.shape_cast %get3A_10 : vector<1x5000x128xf32> to vector<5000x128xf32>
    %add3A = arith.addf %get3A_6, %get3A_11 : vector<5000x128xf32>
    %get3A_12 = arith.constant 0 : index
    %get3A_13 = arith.constant 0 : index
    %get3A_14 = vector.load %arg1[%get3A_12, %get3A_13] : memref<5000x128xf32, #tpu.memory_space<vmem>>, vector<5000x128xf32>
    %add3A_15 = arith.addf %add3A, %get3A_14 : vector<5000x128xf32>
    %mul3A = arith.mulf %add3A_15, %get3A_1 : vector<5000x128xf32>
    %get3A_16 = arith.constant 0 : index
    %get3A_17 = arith.constant 0 : index
    %get3A_18 = vector.load %arg3[%get3A_16, %get3A_17] : memref<1x128xf32, #tpu.memory_space<vmem>>, vector<1x128xf32>
    %add3A_19 = vector.broadcast %get3A_18 : vector<1x128xf32> to vector<5000x128xf32>
    %add3A_20 = arith.addf %mul3A, %add3A_19 : vector<5000x128xf32>
    %reduce_sum3A = arith.constant dense<0.000000e+00> : vector<128xf32>
    %reduce_sum3A_21 = vector.multi_reduction <add>, %add3A_20, %reduce_sum3A [0] : vector<5000x128xf32> to vector<128xf32>
    %broadcast_in_dim3A = vector.shape_cast %reduce_sum3A_21 : vector<128xf32> to vector<1x128xf32>
    %slice3A = vector.extract_strided_slice %broadcast_in_dim3A {offsets = [0, 0], sizes = [1, 64], strides = [1, 1]} : vector<1x128xf32> to vector<1x64xf32>
    %slice3A_22 = vector.extract_strided_slice %broadcast_in_dim3A {offsets = [0, 64], sizes = [1, 64], strides = [1, 1]} : vector<1x128xf32> to vector<1x64xf32>
    %add3A_23 = arith.addf %slice3A, %slice3A_22 : vector<1x64xf32>
    %mul3A_24 = arith.constant 9.99999974E-5 : f32
    %mul3A_25 = vector.broadcast %mul3A_24 : f32 to vector<1x64xf32>
    %mul3A_26 = arith.mulf %add3A_23, %mul3A_25 : vector<1x64xf32>
    %concatenate3A = tpu.concatenate %mul3A_26, %mul3A_26 in 1 : vector<1x64xf32>, vector<1x64xf32> -> vector<1x128xf32>
    %sub3A = vector.broadcast %concatenate3A : vector<1x128xf32> to vector<5000x128xf32>
    %sub3A_27 = arith.subf %add3A_20, %sub3A : vector<5000x128xf32>
    %mul3A_28 = arith.mulf %sub3A_27, %sub3A_27 : vector<5000x128xf32>
    %reduce_sum3A_29 = arith.constant dense<0.000000e+00> : vector<128xf32>
    %reduce_sum3A_30 = vector.multi_reduction <add>, %mul3A_28, %reduce_sum3A_29 [0] : vector<5000x128xf32> to vector<128xf32>
    %broadcast_in_dim3A_31 = vector.shape_cast %reduce_sum3A_30 : vector<128xf32> to vector<1x128xf32>
    %slice3A_32 = vector.extract_strided_slice %broadcast_in_dim3A_31 {offsets = [0, 0], sizes = [1, 64], strides = [1, 1]} : vector<1x128xf32> to vector<1x64xf32>
    %slice3A_33 = vector.extract_strided_slice %broadcast_in_dim3A_31 {offsets = [0, 64], sizes = [1, 64], strides = [1, 1]} : vector<1x128xf32> to vector<1x64xf32>
    %add3A_34 = arith.addf %slice3A_32, %slice3A_33 : vector<1x64xf32>
    %mul3A_35 = arith.constant 9.99999974E-5 : f32
    %mul3A_36 = vector.broadcast %mul3A_35 : f32 to vector<1x64xf32>
    %mul3A_37 = arith.mulf %add3A_34, %mul3A_36 : vector<1x64xf32>
    %concatenate3A_38 = tpu.concatenate %mul3A_37, %mul3A_37 in 1 : vector<1x64xf32>, vector<1x64xf32> -> vector<1x128xf32>
    %add3A_39 = arith.constant 9.99999974E-6 : f32
    %add3A_40 = vector.broadcast %add3A_39 : f32 to vector<1x128xf32>
    %add3A_41 = arith.addf %concatenate3A_38, %add3A_40 : vector<1x128xf32>
    %rsqrt3A = math.rsqrt %add3A_41 : vector<1x128xf32>
    %mul3A_42 = vector.broadcast %rsqrt3A : vector<1x128xf32> to vector<5000x128xf32>
    %mul3A_43 = arith.mulf %sub3A_27, %mul3A_42 : vector<5000x128xf32>
    %get3A_44 = arith.constant 0 : index
    %get3A_45 = arith.constant 0 : index
    %get3A_46 = vector.load %arg4[%get3A_44, %get3A_45] : memref<1x128xf32, #tpu.memory_space<vmem>>, vector<1x128xf32>
    %mul3A_47 = vector.broadcast %get3A_46 : vector<1x128xf32> to vector<5000x128xf32>
    %mul3A_48 = arith.mulf %mul3A_43, %mul3A_47 : vector<5000x128xf32>
    %get3A_49 = arith.constant 0 : index
    %get3A_50 = arith.constant 0 : index
    %get3A_51 = vector.load %arg5[%get3A_49, %get3A_50] : memref<1x128xf32, #tpu.memory_space<vmem>>, vector<1x128xf32>
    %add3A_52 = vector.broadcast %get3A_51 : vector<1x128xf32> to vector<5000x128xf32>
    %add3A_53 = arith.addf %mul3A_48, %add3A_52 : vector<5000x128xf32>
    %max3A = arith.constant 0.000000e+00 : f32
    %max3A_54 = vector.broadcast %max3A : f32 to vector<5000x128xf32>
    %max3A_55 = arith.maximumf %add3A_53, %max3A_54 : vector<5000x128xf32>
    %get3A_56 = arith.constant 0 : index
    %get3A_57 = arith.constant 0 : index
    %get3A_58 = vector.load %arg6[%get3A_56, %get3A_57] : memref<128x128xf32, #tpu.memory_space<vmem>>, vector<128x128xf32>
    %dot_general3A = arith.constant dense<0.000000e+00> : vector<5000x128xf32>
    %dot_general3A_59 = tpu.matmul %max3A_55, %get3A_58, %dot_general3A {dimension_numbers = #tpu.dot_dimension_numbers<[1], [0], [0], [1], [0, 0, 1, 1], [], []>, transpose_lhs_hint = false} : vector<5000x128xf32>, vector<128x128xf32>, vector<5000x128xf32> -> vector<5000x128xf32>
    %mul3A_60 = arith.mulf %dot_general3A_59, %get3A_1 : vector<5000x128xf32>
    %swap3A = arith.constant 0 : index
    %swap3A_61 = arith.constant 0 : index
    %swap3A_62 = vector.load %arg7[%swap3A, %swap3A_61] : memref<5000x128xf32, #tpu.memory_space<vmem>>, vector<5000x128xf32>
    tpu.vector_store %arg7[%swap3A, %swap3A_61], %mul3A_60 {strides = array<i32>} : memref<5000x128xf32, #tpu.memory_space<vmem>>, vector<5000x128xf32>,
    return
  }
}

module attributes {stable_mosaic.version = 14 : i64} {
  func.func @_tc_fc_body(%arg0: memref<2x5120x128xf32, #tpu.memory_space<vmem>>, %arg1: memref<5000x128xf32, #tpu.memory_space<vmem>>, %arg2: memref<5000x128xf32, #tpu.memory_space<vmem>>, %arg3: memref<1x128xf32, #tpu.memory_space<vmem>>, %arg4: memref<128x4xf32, #tpu.memory_space<vmem>>, %arg5: memref<1x4xf32, #tpu.memory_space<vmem>>, %arg6: memref<5000x4xf32, #tpu.memory_space<vmem>>) attributes {dimension_semantics = [], scalar_prefetch = 0 : i64, scratch_operands = 0 : i64, tpu.core_type = #tpu.core_type<tc>} {
    %get3A = arith.constant 0 : index
    %get3A_0 = arith.constant 0 : index
    %get3A_1 = arith.constant 0 : index
    %get3A_2 = vector.load %arg0[%get3A, %get3A_0, %get3A_1] : memref<2x5120x128xf32, #tpu.memory_space<vmem>>, vector<1x5000x128xf32>
    %get3A_3 = vector.shape_cast %get3A_2 : vector<1x5000x128xf32> to vector<5000x128xf32>
    %get3A_4 = arith.constant 1 : index
    %get3A_5 = arith.constant 0 : index
    %get3A_6 = arith.constant 0 : index
    %get3A_7 = vector.load %arg0[%get3A_4, %get3A_5, %get3A_6] : memref<2x5120x128xf32, #tpu.memory_space<vmem>>, vector<1x5000x128xf32>
    %get3A_8 = vector.shape_cast %get3A_7 : vector<1x5000x128xf32> to vector<5000x128xf32>
    %add3A = arith.addf %get3A_3, %get3A_8 : vector<5000x128xf32>
    %get3A_9 = arith.constant 0 : index
    %get3A_10 = arith.constant 0 : index
    %get3A_11 = vector.load %arg1[%get3A_9, %get3A_10] : memref<5000x128xf32, #tpu.memory_space<vmem>>, vector<5000x128xf32>
    %add3A_12 = arith.addf %add3A, %get3A_11 : vector<5000x128xf32>
    %get3A_13 = arith.constant 0 : index
    %get3A_14 = arith.constant 0 : index
    %get3A_15 = vector.load %arg2[%get3A_13, %get3A_14] : memref<5000x128xf32, #tpu.memory_space<vmem>>, vector<5000x128xf32>
    %mul3A = arith.mulf %add3A_12, %get3A_15 : vector<5000x128xf32>
    %get3A_16 = arith.constant 0 : index
    %get3A_17 = arith.constant 0 : index
    %get3A_18 = vector.load %arg3[%get3A_16, %get3A_17] : memref<1x128xf32, #tpu.memory_space<vmem>>, vector<1x128xf32>
    %add3A_19 = vector.broadcast %get3A_18 : vector<1x128xf32> to vector<5000x128xf32>
    %add3A_20 = arith.addf %mul3A, %add3A_19 : vector<5000x128xf32>
    %max3A = arith.constant 0.000000e+00 : f32
    %max3A_21 = vector.broadcast %max3A : f32 to vector<5000x128xf32>
    %max3A_22 = arith.maximumf %add3A_20, %max3A_21 : vector<5000x128xf32>
    %get3A_23 = arith.constant 0 : index
    %get3A_24 = arith.constant 0 : index
    %get3A_25 = vector.load %arg4[%get3A_23, %get3A_24] : memref<128x4xf32, #tpu.memory_space<vmem>>, vector<128x4xf32>
    %dot_general3A = arith.constant dense<0.000000e+00> : vector<5000x4xf32>
    %dot_general3A_26 = tpu.matmul %max3A_22, %get3A_25, %dot_general3A {dimension_numbers = #tpu.dot_dimension_numbers<[1], [0], [0], [1], [0, 0, 1, 1], [], []>, transpose_lhs_hint = false} : vector<5000x128xf32>, vector<128x4xf32>, vector<5000x4xf32> -> vector<5000x4xf32>
    %get3A_27 = arith.constant 0 : index
    %get3A_28 = arith.constant 0 : index
    %get3A_29 = vector.load %arg5[%get3A_27, %get3A_28] : memref<1x4xf32, #tpu.memory_space<vmem>>, vector<1x4xf32>
    %add3A_30 = vector.broadcast %get3A_29 : vector<1x4xf32> to vector<5000x4xf32>
    %add3A_31 = arith.addf %dot_general3A_26, %add3A_30 : vector<5000x4xf32>
    %swap3A = arith.constant 0 : index
    %swap3A_32 = arith.constant 0 : index
    %swap3A_33 = vector.load %arg6[%swap3A, %swap3A_32] : memref<5000x4xf32, #tpu.memory_space<vmem>>, vector<5000x4xf32>
    tpu.vector_store %arg6[%swap3A, %swap3A_32], %add3A_31 {strides = array<i32>} : memref<5000x4xf32, #tpu.memory_space<vmem>>, vector<5000x4xf32>,
    return
  }
}

</mosaic_0001>

<sc_bundles>
// kernel: kernel.10.cloned.1.call-start
scs
__scs_entry_jumppad:
0x0: {  	(pc) =	sbr.rel $0x88, $3  }
0x1: {  	(tag) =	ssettag $0x0;
	lr =	simm.s32 $0x1  }
0x2: {  	[smem:$0x3F93] =	sst lr;
	_ =	strace $0xD0000000  }
0x3: {  	_ = 	snop  }
0x4: {  	_ = 	snop  }
0x5: {  	_ = 	snop  }
0x6: {  	_ = 	snop  }
0x7: {  	_ = 	snop  }
__scs_overlays_trampoline_lowered:
0x8: {  	[smem:$0x3FA2] =	sst s0  }
0x9: {  	[smem:$0x3FA3] =	sst s1  }
0xa: {  	[smem:$0x3FA4] =	sst s2  }
0xb: {  	[smem:$0x3FA5] =	sst s3  }
0xc: {  	[smem:$0x3FA6] =	sst s4  }
0xd: {  	[smem:$0x3FA7] =	sst s5  }
0xe: {  	[smem:$0x3FA8] =	sst s6  }
0xf: {  	[smem:$0x3FA9] =	sst s7  }
0x10: {  	[smem:$0x3FAA] =	sst s8  }
0x11: {  	[smem:$0x3FAB] =	sst s9;
	s0 =	simm.s32 @!p0 $0x0  }
0x12: {  	s1 =	sld [smem:$0x3F91];
	s0 =	simm.s32 @p0 $0x1  }
0x13: {  	[smem:$0x3FAC] =	sst s0;
	s0 =	simm.s32 @!p1 $0x0  }
0x14: {  	s2 =	sld [smem:$0x3F90];
	s0 =	simm.s32 @p1 $0x1  }
0x15: {  	[smem:$0x3FAD] =	sst s0;
	s0 =	simm.s32 @!p2 $0x0  }
0x16: {  	s3 =	sld [smem:$0x3FDB];
	s0 =	simm.s32 @p2 $0x1  }
0x17: {  	s4 =	simm.s32 $0x1BF5;
	[smem:$0x3FAF] =	sst s0  }
0x18: {  	s0 =	sld [smem:$0x3F92];
	_ =	swait.ge [sflag:s4], $0x0  }
0x19: {  	s7 =	sld [smem:$0x3F93]  }
0x1a: {  	s8 =	sadd.s32 $0xFFFFE003, lr  }
0x1b: {  	s9 =	sadd.s32 $0xFFFFFEF7, lr;
	s5 =	simm.s32 $0xFFFFFFFF;
	p2 =	slt.u32 s8, $0xFFFFF086  }
0x1c: {  	p1 =	slt.u32 s9, $0xF7A;
	s5 =	simm.s32 @!p2 $0x0  }
0x1d: {  	s5 =	simm.s32 @p1 $0x1;
	p0 =	seq.s32 s7, s2  }
0x1e: {  	s7 =	smul.u32 @!p0 $0xF7A, s2;
	p2 =	seq.s32 @!p0 s5, $0x0  }
0x1f: {  	s9 =	smul.u32 $0xF7A, s1;
	s8 =	simm.s32 @!p0 $0x1BF5;
	p2 =	por !p2, p0  }
0x20: {  	[sflag:s8] =	ssyncset.s32 @!p0 $0xFFFFF086;
	s6 =	sadd.s32 @!p0 s3, s7;
	s7 =	simm.s32 @!p0 $0x108  }
0x21: {  	s3 =	sadd.s32 s3, s9;
	s6 =	sadd.s32 @!p0 $0x88, s6;
	s7 =	simm.s32 @p2 $0x1082  }
0x22: {  	[simem:s7], [sflag:s8] =	dma.local @!p0 [hbm:s6], $0xF7A  }
0x23: {  	s9 =	sor.u32 $0xD0000000, s2;
	s6 =	simm.s32 $0x108;
	_ =	swait.ge @!p0 [sflag:s8], $0x0  }
0x24: {  	s3 =	sadd.s32 $0x88, s3;
	s6 =	simm.s32 @!p1 $0x1082;
	[sflag:s4] =	ssyncset.s32 $0xFFFFF086  }
0x25: {  	[simem:s6], [sflag:s4] =	dma.local [hbm:s3], $0xF7A  }
0x26: {  	[smem:$0x3F93] =	sst s1;
	(tag) =	ssettag s2;
	_ =	strace s9  }
0x27: {  	s1 =	sld [smem:$0x3FA3]  }
0x28: {  	s2 =	sld [smem:$0x3FA4]  }
0x29: {  	s4 =	sld [smem:$0x3FA6]  }
0x2a: {  	p0 =	seq.s32 s5, $0x0;
	s5 =	sld [smem:$0x3FA7]  }
0x2b: {  	s6 =	sld [smem:$0x3FA8]  }
0x2c: {  	s7 =	sld [smem:$0x3FA9]  }
0x2d: {  	s3 =	simm.s32 $0x108;
	s8 =	sld [smem:$0x3FAA]  }
0x2e: {  	s3 =	simm.s32 @!p0 $0x1082;
	s9 =	sld [smem:$0x3FAB]  }
0x2f: {  	lr =	sadd.s32 s0, s3;
	s0 =	sld [smem:$0x3FA2]  }
0x30: {  	s3 =	sld [smem:$0x3FA5]  }
0x31: {  	[smem:$0x3FAE] =	sst s10  }
0x32: {  	s10 =	sld [smem:$0x3FAC];
	_ =	sdelay $0x3  }
0x33: {  	p0 =	seq.s32 s10, $0x1;
	s10 =	sld [smem:$0x3FAE];
	_ =	sdelay $0x3  }
0x34: {  	[smem:$0x3FAE] =	sst s10  }
0x35: {  	s10 =	sld [smem:$0x3FAD];
	_ =	sdelay $0x3  }
0x36: {  	p1 =	seq.s32 s10, $0x1;
	s10 =	sld [smem:$0x3FAE];
	_ =	sdelay $0x3  }
0x37: {  	[smem:$0x3FAE] =	sst s10  }
0x38: {  	s10 =	sld [smem:$0x3FAF]  }
0x39: {  	_ = 	snop;
	(pc) =	sbr.ind lr, $3  }
0x3a: {  	_ = 	snop  }
0x3b: {  	_ = 	snop  }
0x3c: {  	p2 =	seq.s32 s10, $0x1;
	s10 =	sld [smem:$0x3FAE]  }
0x3d: {  	_ =	shalt  }
0x3e: {  	_ =	shalt  }
0x3f: {  	_ =	shalt  }
0x40: {  	_ =	shalt  }
0x41: {  	_ =	shalt  }
0x42: {  	_ =	shalt  }
0x43: {  	_ =	shalt  }
0x44: {  	_ =	shalt  }
0x45: {  	_ =	shalt  }
0x46: {  	_ =	shalt  }
0x47: {  	_ =	shalt  }
0x48: {  	_ =	shalt  }
0x49: {  	_ =	shalt  }
0x4a: {  	_ =	shalt  }
0x4b: {  	_ =	shalt  }
0x4c: {  	_ =	shalt  }
0x4d: {  	_ =	shalt  }
0x4e: {  	_ =	shalt  }
0x4f: {  	_ =	shalt  }
0x50: {  	_ =	shalt  }
0x51: {  	_ =	shalt  }
0x52: {  	_ =	shalt  }
0x53: {  	_ =	shalt  }
0x54: {  	_ =	shalt  }
0x55: {  	_ =	shalt  }
0x56: {  	_ =	shalt  }
0x57: {  	_ =	shalt  }
0x58: {  	_ =	shalt  }
0x59: {  	_ =	shalt  }
0x5a: {  	_ =	shalt  }
0x5b: {  	_ =	shalt  }
0x5c: {  	_ =	shalt  }
0x5d: {  	_ =	shalt  }
0x5e: {  	_ =	shalt  }
0x5f: {  	_ =	shalt  }
0x60: {  	_ =	shalt  }
0x61: {  	_ =	shalt  }
0x62: {  	_ =	shalt  }
0x63: {  	_ =	shalt  }
0x64: {  	_ =	shalt  }
0x65: {  	_ =	shalt  }
0x66: {  	_ =	shalt  }
0x67: {  	_ =	shalt  }
0x68: {  	_ =	shalt  }
0x69: {  	_ =	shalt  }
0x6a: {  	_ =	shalt  }
0x6b: {  	_ =	shalt  }
0x6c: {  	_ =	shalt  }
0x6d: {  	_ =	shalt  }
0x6e: {  	_ =	shalt  }
0x6f: {  	_ =	shalt  }
0x70: {  	_ =	shalt  }
0x71: {  	_ =	shalt  }
0x72: {  	_ =	shalt  }
0x73: {  	_ =	shalt  }
0x74: {  	_ =	shalt  }
0x75: {  	_ =	shalt  }
0x76: {  	_ =	shalt  }
0x77: {  	_ =	shalt  }
0x78: {  	_ =	shalt  }
0x79: {  	_ =	shalt  }
0x7a: {  	_ =	shalt  }
0x7b: {  	_ =	shalt  }
0x7c: {  	_ =	shalt  }
0x7d: {  	_ =	shalt  }
0x7e: {  	_ =	shalt  }
0x7f: {  	_ =	shalt  }
0x80: {  	_ =	shalt  }
0x81: {  	_ =	shalt  }
0x82: {  	_ =	shalt  }
0x83: {  	_ =	shalt  }
0x84: {  	_ =	shalt  }
0x85: {  	_ =	shalt  }
0x86: {  	_ =	shalt  }
0x87: {  	_ =	shalt  }
.Lfunc_end0:
.L_simem_size_0:
called_computation_lowered:
.L_overlay_start_0:
0x88: {  	s2 =	sld [smem:$0x3FD9]  }
0x89: {  	s3 =	sld [smem:$0x3FFE];
	_ =	sdelay $0x1  }
0x8a: {  	s1 =	srdreg.scid  }
0x8b: {  	s0 =	sand.u32 $0x1, s1  }
0x8c: {  	s17 =	sshll.u32 s0, $0xA;
	s2 =	sadd.s32 s3, s2  }
0x8d: {  	s2 =	sadd.s32 s2, s17  }
0x8e: {  	[smem:$0x3FBA] =	sst s2  }
0x8f: {  	_ = 	snop  }
0x90: {  	s2 =	sld [smem:$0x3FD0];
	(tm) =	ssettm $0x1  }
0x91: {  	s18 =	sld [smem:$0x3FFB];
	_ =	sdelay $0x3  }
0x92: {  	_ =	strace s18  }
0x93: {  	s3 =	sld [smem:$0x3FFC];
	_ =	sdelay $0x3  }
0x94: {  	_ =	strace s3  }
0x95: {  	s3 =	sld [smem:$0x3FFD];
	_ =	sdelay $0x3  }
0x96: {  	_ =	strace s3  }
0x97: {  	_ =	strace $0x8FFFFFFF  }
0x98: {  	s19 =	sld [smem:$0x3FDB];
	_ =	sdelay $0x1  }
0x99: {  	s4 =	simm.s32 $_scs_section_size  }
0x9a: {  	s5 =	simm.s32 $_size__tile_overlayer_lowered;
	s6 =	simm.s32 $_tile_overlayer_lowered  }
0x9b: {  	s22 =	simm.s32 $0x1BFF;
	s21 =	sshll.u32 s6, $0x1;
	s3 =	sadd.s32 s4, s19  }
0x9c: {  	s7 =	simm.s32 $0x0;
	s20 =	sshll.u32 s5, $0x1;
	s5 =	sadd.s32 s21, s3  }
0x9d: {  	[timem:s7], [sflag:s22] =	dma.local [hbm:s5], s20  }
0x9e: {  	_ =	swait.ge [sflag:s22], s20  }
0x9f: {  	s4 =	ssub.s32 $0x0, s20;
	[sflag:s22] =	ssyncset.done $0x0  }
0xa0: {  	[sflag:s22] =	ssyncadd.s32 s4;
	_ =	sdelay $0x1  }
0xa1: {  	s23 =	simm.s32 $0x1B8B  }
0xa2: {  	_ =	swait.ge [sflag:s23], $0x1  }
0xa3: {  	[sflag:s23] =	ssyncset.done $0x0  }
0xa4: {  	s25 =	simm.s32 $0x1B8E;
	s24 =	sld [smem:$0x3FFE];
	[sflag:s23] =	ssyncadd.s32 $0xFFFFFFFF  }
0xa5: {  	s26 =	simm.s32 $execute0_lowered;
	[smem:$0x3FD2] =	sst s25  }
0xa6: {  	s5 =	sshll.u32 s26, $0x1;
	_ =	strace $0x80000046;
	[dreg:$0x1] =	wrdreg $0xFFFFFFFF  }
0xa7: {  	s28 =	simm.s32 $_size_execute0_lowered;
	s3 =	sadd.s32 s3, s5;
	[dreg:$0x0] =	wrdreg $0x0  }
0xa8: {  	s5 =	sshll.u32 s28, $0x1;
	[dreg:$0x2] =	wrdreg s3  }
0xa9: {  	[dreg:$0x3] =	wrdreg s5  }
0xaa: {  	[dreg:$0x4] =	wrdreg $0xC0  }
0xab: {  	_ =	task [dreg:s7], $0x5FFFF  }
0xac: {  	[dreg:$0x1] =	wrdreg $0xFFFFFFFF  }
0xad: {  	[dreg:$0x0] =	wrdreg $0x60  }
0xae: {  	[dreg:$0x2] =	wrdreg s24  }
0xaf: {  	[dreg:$0x3] =	wrdreg s2  }
0xb0: {  	[dreg:$0x4] =	wrdreg $0x2C000  }
0xb1: {  	[dreg:$0x5] =	wrdreg $0x9  }
0xb2: {  	_ =	task.clear_ibuf [dreg:s7], $0x6FFFF;
	_ =	strace $0x90000046  }
0xb3: {  	s29 =	simm.s32 $0x9;
	_ =	strace $0x80000048  }
0xb4: {  	_ =	swait.ge [sflag:s29], $0x1  }
0xb5: {  	[sflag:s29] =	ssyncadd.s32 $0xFFFFFFFF  }
0xb6: {  	_ =	strace $0x90000048  }
0xb7: {  	_ =	sfence  }
0xb8: {  	s30 =	sld [smem:$0x0];
	_ =	sdelay $0x2  }
0xb9: {  	s31 =	sshll.u32 s1, $0xD;
	s1 =	sshrl.u32 s1, $0x2  }
0xba: {  	s3 =	sand.u32 $0x4000, s31;
	s1 =	sadd.s32 s1, s30  }
0xbb: {  	s0 =	sor.u32 s3, s0;
	s1 =	sshll.u32 s1, $0x11  }
0xbc: {  	s0 =	sor.u32 s1, s0  }
0xbd: {  	s0 =	sadd.s32 $0x8F2B, s0  }
0xbe: {  	[sflag:s0] =	ssyncadd.remote.s32 $0x1  }
0xbf: {  	_ =	sfence.sel $0xFFFF  }
0xc0: {  	[dreg:$0x0] =	wrdreg $0xFFFFFFFF;
	(pc) =	sbr.abs _section_cstart, $3  }
0xc1: {  	[dreg:$0x1] =	wrdreg $0xFFFFFFFF  }
0xc2: {  	_ =	task.clear_ibuf [dreg:s7], $0x2FFFF;
	_ =	strace $0x9FFFFFFF  }
0xc3: {  	(tm) =	ssettm $0x7FFFFFFF  }
tec
execute0_lowered:
.L_overlay_start_1:
0x0: {  	(tag) =	ssettag $0x1  }
0x1: {  	s6 =	rddreg [dreg:$0x0]  }
0x2: {  	s2 =	rddreg [dreg:$0x1]  }
0x3: {  	s0 =	srdreg.scid;
	s3 =	rddreg [dreg:$0x2]  }
0x4: {  	s1 =	stileid.u32;
	s4 =	simm.s32 $0x0;
	s12 =	simm.s32 $0x2800  }
0x5: {  	s13 =	simm.s32 $0x80;
	s5 =	sand.u32 $0x1, s0;
	s0 =	rddreg [dreg:$0x3]  }
0x6: {  	s14 =	simm.s32 $0x0;
	s8 =	smul.u32 $0x1400, s1;
	[smem:$0x7FF] =	sst s4  }
0x7: {  	s31 =	sshll.u32 s1, $0x6;
	s7 =	sshll.u32 s5, $0x4;
	s9 =	smul.u32 $0x14000, s5  }
0x8: {  	_ =	strace $0x80000047;
	s10 =	ssub.s32 $0x2, s5;
	s7 =	sor.u32 s1, s7  }
0x9: {  	s5 =	sadd.s32 $0x17600, s6;
	s7 =	smul.u32 $0x500, s7;
	s9 =	sadd.s32 s8, s9  }
0xa: {  	s30 =	sshrl.u32 s10, $0x1;
	s11 =	sadd.s32 s8, s3;
	s9 =	sshrl.u32 s9, $0x3  }
0xb: {  	s10 =	ssub.s32 s10, s30;
	s7 =	sadd.s32 s7, s6;
	s9 =	sadd.s32 s9, s6  }
0xc: {  	s6 =	sor.u32 $0x1C01, s31;
	s7 =	sadd.s32 $0x3600, s7;
	s8 =	sadd.s32 $0x17800, s9  }
0xd: {  	s9 =	smax.u32 s10, $0x1;
	s10 =	sshrl.u32 s11, $0x3;
	s11 =	simm.s32 $0x1  }
.LBB2_1:
0xe: {  	[spmem:s10], [sflag:s6] =	dma.local [hbm:s2], $0x280  }
0xf: {  	_ =	swait.ge [sflag:s11], $0x280  }
0x10: {  	[sflag:s11] =	ssyncset.done $0x0  }
0x11: {  	[sflag:s11] =	ssyncadd.s32 $0xFFFFFD80  }
0x12: {  	[tilespmem:s4], [sflag:$0x1] =	stream.linear.gather [hbm4b:s7+s4], $0x2800, $0x38;
	[tilespmem:$0x4000] =	vst v63  }
0x13: {  	_ =	swait.ge [sflag:s11], $0x2800  }
0x14: {  	[sflag:s11] =	ssyncset.done $0x0  }
0x15: {  	[sflag:s11] =	ssyncadd.s32 $0xFFFFD800  }
0x16: {  	[tilespmem:s12], [sflag:$0x1] =	stream.linear.gather [hbm4b:s5+s4], $0x400, $0x38;
	[tilespmem:$0x4000] =	vst v63  }
0x17: {  	_ =	swait.ge [sflag:s11], $0x400  }
0x18: {  	[sflag:s11] =	ssyncset.done $0x0  }
0x19: {  	[sflag:s11] =	ssyncadd.s32 $0xFFFFFC00  }
0x1a: {  	s15 =	simm.s32 $0x0;
	[bflag:$0x0] =	sbarrier.arrive $0xFFFF  }
0x1b: {  	[spmem:s3] =	stream.indirect.scatter.add.f32 [tilespmem:s12], [sflag:$0x1], $0x8, s15, s13, $0xb8;
	[tilespmem:$0x4000] =	vst v63  }
0x1c: {  	_ =	swait.ge [sflag:s11], $0x400  }
0x1d: {  	s15 =	simm.s32 $0x200;
	[sflag:s11] =	ssyncset.done $0x0  }
.LBB2_2:
0x1e: {  	s16 =	sshra.s32 s15, $0x2;
	[sflag:s11] =	ssyncadd.s32 $0xFFFFFC00;
	p0 =	sne.s32 s15, $0x9E00  }
0x1f: {  	[spmem:s3] =	stream.indirect.scatter.add.f32 [tilespmem:s12], [sflag:$0x1], $0x8, s16, s13, $0xb8;
	[tilespmem:$0x4000] =	vst v63  }
.Ltmp0:
0x20: {  	_ = 	snop;
	(pc) =	sbr.rel @p0 .LBB2_2-.Ltmp0, $4  }
0x21: {  	_ = 	snop  }
0x22: {  	s15 =	sadd.s32 $0x200, s15  }
0x23: {  	_ =	swait.ge [sflag:s11], $0x400  }
0x24: {  	[sflag:s11] =	ssyncset.done $0x0  }
0x25: {  	s14 =	sadd.s32 $0x1, s14  }
0x26: {  	[sflag:s11] =	ssyncadd.s32 $0xFFFFFC00;
	p0 =	sne.s32 s14, s9  }
.Ltmp1:
0x27: {  	[bflag:$0x0] =	sbarrier.arrive $0xFFFF;
	(pc) =	sbr.rel @p0 .LBB2_1-.Ltmp1, $4  }
0x28: {  	[hbm:s8], [sflag:s6] =	dma.local [spmem:s10], $0x280  }
0x29: {  	_ =	swait.ge [sflag:s11], $0x280  }
0x2a: {  	[sflag:s11] =	ssyncset.done $0x0  }
0x2b: {  	[sflag:s11] =	ssyncadd.s32 $0xFFFFFD80  }
0x2c: {  	_ =	sfence.sel $0x180000  }
0x2d: {  	[bflag:$0x0] =	sbarrier.arrive $0xFFFF  }
0x2e: {  	p0 =	sne.s32 s1, $0x0;
	_ =	strace $0x90000047  }
0x2f: {  	s0 =	sadd.s32 @!p0 $0x100000, s0;
	[bflag:$0x2] =	sbarrier.arrive $0xFFFF  }
0x30: {  	[sflag:s0] =	ssyncadd.tile.s32 @!p0 $0x1;
	_ =	shalt  }
.Lfunc_end2:
_tile_overlayer_lowered:
.L_overlay_start_2:
0x31: {  	(tag) =	ssettag $0x2  }
0x32: {  	s0 =	rddreg [dreg:$0x0];
	s2 =	stileid.u32  }
0x33: {  	s1 =	rddreg [dreg:$0x1];
	p0 =	sne.s32 s2, $0x0  }
0x34: {  	s3 =	rddreg [dreg:$0x2];
	[bflag:$0x3] =	sbarrier.arrive $0xFFFF;
	s2 =	simm.s32 @!p0 $0x1C01  }
0x35: {  	[timem:s3], [sflag:s2] =	dma.local @!p0 [hbm:s0], s1  }
0x36: {  	s0 =	simm.s32 @!p0 $0x1  }
0x37: {  	_ =	swait.ge @!p0 [sflag:s0], s1  }
0x38: {  	s1 =	ssub.s32 @!p0 $0x0, s1;
	[sflag:s0] =	ssyncset.done @!p0 $0x0  }
0x39: {  	[sflag:s0] =	ssyncadd.s32 @!p0 s1  }
0x3a: {  	[bflag:$0x3] =	sbarrier.arrive $0xFFFF  }
0x3b: {  	_ =	shalt  }

// kernel: kernel.13.cloned.1.call-start
scs
__scs_entry_jumppad:
0x0: {  	(pc) =	sbr.rel $0x88, $3  }
0x1: {  	(tag) =	ssettag $0x0;
	lr =	simm.s32 $0x1  }
0x2: {  	[smem:$0x3F93] =	sst lr;
	_ =	strace $0xD0000000  }
0x3: {  	_ = 	snop  }
0x4: {  	_ = 	snop  }
0x5: {  	_ = 	snop  }
0x6: {  	_ = 	snop  }
0x7: {  	_ = 	snop  }
__scs_overlays_trampoline_lowered:
0x8: {  	[smem:$0x3FA2] =	sst s0  }
0x9: {  	[smem:$0x3FA3] =	sst s1  }
0xa: {  	[smem:$0x3FA4] =	sst s2  }
0xb: {  	[smem:$0x3FA5] =	sst s3  }
0xc: {  	[smem:$0x3FA6] =	sst s4  }
0xd: {  	[smem:$0x3FA7] =	sst s5  }
0xe: {  	[smem:$0x3FA8] =	sst s6  }
0xf: {  	[smem:$0x3FA9] =	sst s7  }
0x10: {  	[smem:$0x3FAA] =	sst s8  }
0x11: {  	[smem:$0x3FAB] =	sst s9;
	s0 =	simm.s32 @!p0 $0x0  }
0x12: {  	s1 =	sld [smem:$0x3F91];
	s0 =	simm.s32 @p0 $0x1  }
0x13: {  	[smem:$0x3FAC] =	sst s0;
	s0 =	simm.s32 @!p1 $0x0  }
0x14: {  	s2 =	sld [smem:$0x3F90];
	s0 =	simm.s32 @p1 $0x1  }
0x15: {  	[smem:$0x3FAD] =	sst s0;
	s0 =	simm.s32 @!p2 $0x0  }
0x16: {  	s3 =	sld [smem:$0x3FDB];
	s0 =	simm.s32 @p2 $0x1  }
0x17: {  	s4 =	simm.s32 $0x1BF5;
	[smem:$0x3FAF] =	sst s0  }
0x18: {  	s0 =	sld [smem:$0x3F92];
	_ =	swait.ge [sflag:s4], $0x0  }
0x19: {  	s7 =	sld [smem:$0x3F93]  }
0x1a: {  	s8 =	sadd.s32 $0xFFFFE003, lr  }
0x1b: {  	s9 =	sadd.s32 $0xFFFFFEF7, lr;
	s5 =	simm.s32 $0xFFFFFFFF;
	p2 =	slt.u32 s8, $0xFFFFF086  }
0x1c: {  	p1 =	slt.u32 s9, $0xF7A;
	s5 =	simm.s32 @!p2 $0x0  }
0x1d: {  	s5 =	simm.s32 @p1 $0x1;
	p0 =	seq.s32 s7, s2  }
0x1e: {  	s7 =	smul.u32 @!p0 $0xF7A, s2;
	p2 =	seq.s32 @!p0 s5, $0x0  }
0x1f: {  	s9 =	smul.u32 $0xF7A, s1;
	s8 =	simm.s32 @!p0 $0x1BF5;
	p2 =	por !p2, p0  }
0x20: {  	[sflag:s8] =	ssyncset.s32 @!p0 $0xFFFFF086;
	s6 =	sadd.s32 @!p0 s3, s7;
	s7 =	simm.s32 @!p0 $0x108  }
0x21: {  	s3 =	sadd.s32 s3, s9;
	s6 =	sadd.s32 @!p0 $0x88, s6;
	s7 =	simm.s32 @p2 $0x1082  }
0x22: {  	[simem:s7], [sflag:s8] =	dma.local @!p0 [hbm:s6], $0xF7A  }
0x23: {  	s9 =	sor.u32 $0xD0000000, s2;
	s6 =	simm.s32 $0x108;
	_ =	swait.ge @!p0 [sflag:s8], $0x0  }
0x24: {  	s3 =	sadd.s32 $0x88, s3;
	s6 =	simm.s32 @!p1 $0x1082;
	[sflag:s4] =	ssyncset.s32 $0xFFFFF086  }
0x25: {  	[simem:s6], [sflag:s4] =	dma.local [hbm:s3], $0xF7A  }
0x26: {  	[smem:$0x3F93] =	sst s1;
	(tag) =	ssettag s2;
	_ =	strace s9  }
0x27: {  	s1 =	sld [smem:$0x3FA3]  }
0x28: {  	s2 =	sld [smem:$0x3FA4]  }
0x29: {  	s4 =	sld [smem:$0x3FA6]  }
0x2a: {  	p0 =	seq.s32 s5, $0x0;
	s5 =	sld [smem:$0x3FA7]  }
0x2b: {  	s6 =	sld [smem:$0x3FA8]  }
0x2c: {  	s7 =	sld [smem:$0x3FA9]  }
0x2d: {  	s3 =	simm.s32 $0x108;
	s8 =	sld [smem:$0x3FAA]  }
0x2e: {  	s3 =	simm.s32 @!p0 $0x1082;
	s9 =	sld [smem:$0x3FAB]  }
0x2f: {  	lr =	sadd.s32 s0, s3;
	s0 =	sld [smem:$0x3FA2]  }
0x30: {  	s3 =	sld [smem:$0x3FA5]  }
0x31: {  	[smem:$0x3FAE] =	sst s10  }
0x32: {  	s10 =	sld [smem:$0x3FAC];
	_ =	sdelay $0x3  }
0x33: {  	p0 =	seq.s32 s10, $0x1;
	s10 =	sld [smem:$0x3FAE];
	_ =	sdelay $0x3  }
0x34: {  	[smem:$0x3FAE] =	sst s10  }
0x35: {  	s10 =	sld [smem:$0x3FAD];
	_ =	sdelay $0x3  }
0x36: {  	p1 =	seq.s32 s10, $0x1;
	s10 =	sld [smem:$0x3FAE];
	_ =	sdelay $0x3  }
0x37: {  	[smem:$0x3FAE] =	sst s10  }
0x38: {  	s10 =	sld [smem:$0x3FAF]  }
0x39: {  	_ = 	snop;
	(pc) =	sbr.ind lr, $3  }
0x3a: {  	_ = 	snop  }
0x3b: {  	_ = 	snop  }
0x3c: {  	p2 =	seq.s32 s10, $0x1;
	s10 =	sld [smem:$0x3FAE]  }
0x3d: {  	_ =	shalt  }
0x3e: {  	_ =	shalt  }
0x3f: {  	_ =	shalt  }
0x40: {  	_ =	shalt  }
0x41: {  	_ =	shalt  }
0x42: {  	_ =	shalt  }
0x43: {  	_ =	shalt  }
0x44: {  	_ =	shalt  }
0x45: {  	_ =	shalt  }
0x46: {  	_ =	shalt  }
0x47: {  	_ =	shalt  }
0x48: {  	_ =	shalt  }
0x49: {  	_ =	shalt  }
0x4a: {  	_ =	shalt  }
0x4b: {  	_ =	shalt  }
0x4c: {  	_ =	shalt  }
0x4d: {  	_ =	shalt  }
0x4e: {  	_ =	shalt  }
0x4f: {  	_ =	shalt  }
0x50: {  	_ =	shalt  }
0x51: {  	_ =	shalt  }
0x52: {  	_ =	shalt  }
0x53: {  	_ =	shalt  }
0x54: {  	_ =	shalt  }
0x55: {  	_ =	shalt  }
0x56: {  	_ =	shalt  }
0x57: {  	_ =	shalt  }
0x58: {  	_ =	shalt  }
0x59: {  	_ =	shalt  }
0x5a: {  	_ =	shalt  }
0x5b: {  	_ =	shalt  }
0x5c: {  	_ =	shalt  }
0x5d: {  	_ =	shalt  }
0x5e: {  	_ =	shalt  }
0x5f: {  	_ =	shalt  }
0x60: {  	_ =	shalt  }
0x61: {  	_ =	shalt  }
0x62: {  	_ =	shalt  }
0x63: {  	_ =	shalt  }
0x64: {  	_ =	shalt  }
0x65: {  	_ =	shalt  }
0x66: {  	_ =	shalt  }
0x67: {  	_ =	shalt  }
0x68: {  	_ =	shalt  }
0x69: {  	_ =	shalt  }
0x6a: {  	_ =	shalt  }
0x6b: {  	_ =	shalt  }
0x6c: {  	_ =	shalt  }
0x6d: {  	_ =	shalt  }
0x6e: {  	_ =	shalt  }
0x6f: {  	_ =	shalt  }
0x70: {  	_ =	shalt  }
0x71: {  	_ =	shalt  }
0x72: {  	_ =	shalt  }
0x73: {  	_ =	shalt  }
0x74: {  	_ =	shalt  }
0x75: {  	_ =	shalt  }
0x76: {  	_ =	shalt  }
0x77: {  	_ =	shalt  }
0x78: {  	_ =	shalt  }
0x79: {  	_ =	shalt  }
0x7a: {  	_ =	shalt  }
0x7b: {  	_ =	shalt  }
0x7c: {  	_ =	shalt  }
0x7d: {  	_ =	shalt  }
0x7e: {  	_ =	shalt  }
0x7f: {  	_ =	shalt  }
0x80: {  	_ =	shalt  }
0x81: {  	_ =	shalt  }
0x82: {  	_ =	shalt  }
0x83: {  	_ =	shalt  }
0x84: {  	_ =	shalt  }
0x85: {  	_ =	shalt  }
0x86: {  	_ =	shalt  }
0x87: {  	_ =	shalt  }
.Lfunc_end0:
.L_simem_size_0:
called_computation.1_lowered:
.L_overlay_start_0:
0x88: {  	s2 =	sld [smem:$0x3FD9]  }
0x89: {  	s3 =	sld [smem:$0x3FFE];
	_ =	sdelay $0x1  }
0x8a: {  	s1 =	srdreg.scid  }
0x8b: {  	s0 =	sand.u32 $0x1, s1  }
0x8c: {  	s16 =	sshll.u32 s0, $0xA;
	s2 =	sadd.s32 s3, s2  }
0x8d: {  	s2 =	sadd.s32 s2, s16  }
0x8e: {  	[smem:$0x3FBA] =	sst s2  }
0x8f: {  	_ = 	snop  }
0x90: {  	(tm) =	ssettm $0x1  }
0x91: {  	s17 =	sld [smem:$0x3FFB];
	_ =	sdelay $0x3  }
0x92: {  	_ =	strace s17  }
0x93: {  	s2 =	sld [smem:$0x3FFC];
	_ =	sdelay $0x3  }
0x94: {  	_ =	strace s2  }
0x95: {  	s2 =	sld [smem:$0x3FFD];
	_ =	sdelay $0x3  }
0x96: {  	_ =	strace s2  }
0x97: {  	_ =	strace $0x8FFFFFFF  }
0x98: {  	s18 =	sld [smem:$0x3FDB];
	_ =	sdelay $0x1  }
0x99: {  	s19 =	simm.s32 $_scs_section_size  }
0x9a: {  	s4 =	simm.s32 $_size__tile_overlayer_lowered;
	s5 =	simm.s32 $_tile_overlayer_lowered  }
0x9b: {  	s22 =	simm.s32 $0x1BFF;
	s21 =	sshll.u32 s5, $0x1;
	s2 =	sadd.s32 s19, s18  }
0x9c: {  	s6 =	simm.s32 $0x0;
	s20 =	sshll.u32 s4, $0x1;
	s4 =	sadd.s32 s21, s2  }
0x9d: {  	[timem:s6], [sflag:s22] =	dma.local [hbm:s4], s20  }
0x9e: {  	_ =	swait.ge [sflag:s22], s20  }
0x9f: {  	s3 =	ssub.s32 $0x0, s20;
	[sflag:s22] =	ssyncset.done $0x0  }
0xa0: {  	[sflag:s22] =	ssyncadd.s32 s3;
	_ =	sdelay $0x1  }
0xa1: {  	s23 =	simm.s32 $0x1B8B  }
0xa2: {  	_ =	swait.ge [sflag:s23], $0x1  }
0xa3: {  	[sflag:s23] =	ssyncset.done $0x0  }
0xa4: {  	s25 =	simm.s32 $0x1B8E;
	s24 =	sld [smem:$0x3FFE];
	[sflag:s23] =	ssyncadd.s32 $0xFFFFFFFF  }
0xa5: {  	s26 =	simm.s32 $execute0_lowered;
	[smem:$0x3FD2] =	sst s25  }
0xa6: {  	s4 =	sshll.u32 s26, $0x1;
	_ =	strace $0x80000049;
	[dreg:$0x1] =	wrdreg $0xFFFFFFFF  }
0xa7: {  	s28 =	simm.s32 $_size_execute0_lowered;
	s2 =	sadd.s32 s2, s4;
	[dreg:$0x0] =	wrdreg $0x0  }
0xa8: {  	s4 =	sshll.u32 s28, $0x1;
	[dreg:$0x2] =	wrdreg s2  }
0xa9: {  	[dreg:$0x3] =	wrdreg s4  }
0xaa: {  	[dreg:$0x4] =	wrdreg $0xC0  }
0xab: {  	_ =	task [dreg:s6], $0x5FFFF  }
0xac: {  	[dreg:$0x1] =	wrdreg $0xFFFFFFFF  }
0xad: {  	[dreg:$0x0] =	wrdreg $0x60  }
0xae: {  	[dreg:$0x2] =	wrdreg s24  }
0xaf: {  	[dreg:$0x3] =	wrdreg $0x150000  }
0xb0: {  	[dreg:$0x4] =	wrdreg $0x9  }
0xb1: {  	_ =	task.clear_ibuf [dreg:s6], $0x5FFFF;
	_ =	strace $0x90000049  }
0xb2: {  	s29 =	simm.s32 $0x9;
	_ =	strace $0x8000004B  }
0xb3: {  	_ =	swait.ge [sflag:s29], $0x1  }
0xb4: {  	[sflag:s29] =	ssyncadd.s32 $0xFFFFFFFF  }
0xb5: {  	_ =	strace $0x9000004B  }
0xb6: {  	_ =	sfence  }
0xb7: {  	s30 =	sld [smem:$0x0];
	_ =	sdelay $0x2  }
0xb8: {  	s31 =	sshll.u32 s1, $0xD;
	s1 =	sshrl.u32 s1, $0x2  }
0xb9: {  	s3 =	sand.u32 $0x4000, s31;
	s1 =	sadd.s32 s1, s30  }
0xba: {  	s0 =	sor.u32 s3, s0;
	s1 =	sshll.u32 s1, $0x11  }
0xbb: {  	s0 =	sor.u32 s1, s0  }
0xbc: {  	s0 =	sadd.s32 $0x8F2B, s0  }
0xbd: {  	[sflag:s0] =	ssyncadd.remote.s32 $0x1  }
0xbe: {  	_ =	sfence.sel $0xFFFF  }
0xbf: {  	[dreg:$0x0] =	wrdreg $0xFFFFFFFF;
	(pc) =	sbr.abs _section_cstart, $3  }
0xc0: {  	[dreg:$0x1] =	wrdreg $0xFFFFFFFF  }
0xc1: {  	_ =	task.clear_ibuf [dreg:s6], $0x2FFFF;
	_ =	strace $0x9FFFFFFF  }
0xc2: {  	(tm) =	ssettm $0x7FFFFFFF  }
0xc3: {  	_ =	shalt  }
tec
execute0_lowered:
.L_overlay_start_1:
0x0: {  	(tag) =	ssettag $0x1  }
0x1: {  	s0 =	srdreg.scid;
	s6 =	rddreg [dreg:$0x0]  }
0x2: {  	s11 =	stileid.u32;
	s2 =	rddreg [dreg:$0x1]  }
0x3: {  	s3 =	simm.s32 $0x0;
	s12 =	simm.s32 $0x9;
	s14 =	simm.s32 $0x80  }
0x4: {  	s15 =	simm.s32 $0x5000;
	s18 =	simm.s32 $0x9000;
	s22 =	simm.s32 $0xD000  }
0x5: {  	s29 =	simm.s32 $0x13000;
	s30 =	simm.s32 $0x1;
	s31 =	simm.s32 $0x3  }
0x6: {  	s13 =	simm.s32 $0x8;
	s16 =	simm.s32 $0x0;
	s0 =	sand.u32 $0x1, s0  }
0x7: {  	s7 =	smul.u32 $0xA000, s11;
	[smem:$0x7FF] =	sst s3;
	s4 =	sadd.s32 $0x17600, s6  }
0x8: {  	s24 =	sadd.s32 $0x2B000, s6;
	s25 =	sshll.u32 s11, $0x6;
	s1 =	sshll.u32 s0, $0x4  }
0x9: {  	s5 =	smul.u32 $0xA0000, s0;
	_ =	strace $0x8000004A;
	s0 =	ssub.s32 $0x2, s0  }
0xa: {  	[dreg:$0x3] =	wrdreg s24;
	s1 =	sor.u32 s11, s1;
	s9 =	sshrl.u32 s0, $0x1  }
0xb: {  	s26 =	sadd.s32 s7, s2;
	s1 =	smul.u32 $0x500, s1;
	s8 =	sadd.s32 s7, s5  }
.Ltmp0:
0xc: {  	s0 =	ssub.s32 s0, s9;
	s11 =	sshrl.u32 s26, $0x3;
	(pc) =	sbr.rel .LBB2_1-.Ltmp0, $4  }
0xd: {  	s26 =	simm.s32 $0x11000;
	s8 =	sshrl.u32 s8, $0x3;
	s1 =	sadd.s32 s1, s6  }
0xe: {  	s10 =	sadd.s32 s8, s6;
	s6 =	sor.u32 $0x1C09, s25;
	s28 =	sadd.s32 $0xD600, s1  }
0xf: {  	s8 =	sadd.s32 $0x3600, s1;
	s9 =	sadd.s32 $0x2C400, s10;
	s10 =	smax.u32 s0, $0x1  }
0x10: {  	s1 =	simm.s32 $0x5;
	s0 =	simm.s32 $0x7;
	[dreg:$0x4] =	wrdreg s28  }
.LBB2_4:
0x11: {  	_ =	swait.ge [sflag:s13], $0x2000  }
0x12: {  	[sflag:s13] =	ssyncset.done $0x0  }
0x13: {  	[sflag:s13] =	ssyncadd.s32 $0xFFFFE000  }
0x14: {  	[spmem:s2] =	stream.indirect.scatter.add.f32 [tilespmem:s29], [sflag:$0x9], $0x40, s20, s14, $0xb8;
	[tilespmem:$0x1F000] =	vst v63  }
0x15: {  	_ =	swait.ge [sflag:s12], $0x2000  }
0x16: {  	s16 =	sadd.s32 $0x1, s16;
	[sflag:s12] =	ssyncset.done $0x0  }
0x17: {  	p0 =	sne.s32 s16, s10;
	[sflag:s12] =	ssyncadd.s32 $0xFFFFE000  }
.Ltmp1:
0x18: {  	[bflag:$0x0] =	sbarrier.arrive $0xFFFF;
	(pc) =	sbr.rel @!p0 .LBB2_5-.Ltmp1, $4  }
0x19: {  	[hbm:s9], [sflag:s6] =	dma.local [spmem:s11], $0x1400  }
0x1a: {  	_ =	swait.ge [sflag:s12], $0x1400  }
0x1b: {  	[sflag:s12] =	ssyncset.done $0x0  }
0x1c: {  	[sflag:s12] =	ssyncadd.s32 $0xFFFFEC00  }
.LBB2_1:
0x1d: {  	s5 =	rddreg [dreg:$0x3]  }
0x1e: {  	[spmem:s11], [sflag:s6] =	dma.local [hbm:s5], $0x1400  }
0x1f: {  	_ =	swait.ge [sflag:s12], $0x1400  }
0x20: {  	[sflag:s12] =	ssyncset.done $0x0  }
0x21: {  	s28 =	rddreg [dreg:$0x4];
	[sflag:s12] =	ssyncadd.s32 $0xFFFFEC00  }
0x22: {  	[tilespmem:s3], [sflag:$0x9] =	stream.linear.gather [hbm4b:s28+s3], $0x2800, $0x38;
	[tilespmem:$0x1F000] =	vst v63  }
0x23: {  	_ =	swait.ge [sflag:s12], $0x2800  }
0x24: {  	[sflag:s12] =	ssyncset.done $0x0  }
0x25: {  	s7 =	simm.s32 $0x2800;
	[sflag:s12] =	ssyncadd.s32 $0xFFFFD800  }
0x26: {  	[tilespmem:s7], [sflag:$0x9] =	stream.linear.gather [hbm4b:s8+s3], $0x2800, $0x38;
	[tilespmem:$0x1F000] =	vst v63  }
0x27: {  	_ =	swait.ge [sflag:s12], $0x2800  }
0x28: {  	[sflag:s12] =	ssyncset.done $0x0  }
0x29: {  	[sflag:s12] =	ssyncadd.s32 $0xFFFFD800  }
0x2a: {  	[bflag:$0x0] =	sbarrier.arrive $0xFFFF  }
0x2b: {  	[tilespmem:s15], [sflag:$0x1] =	stream.indirect.gather [hbm4b:s4+s14], $0x40, s3, s14, $0xb8;
	[tilespmem:$0x1F000] =	vst v63  }
0x2c: {  	s17 =	simm.s32 $0x7000  }
0x2d: {  	[tilespmem:s17], [sflag:$0x2] =	stream.indirect.gather [hbm4b:s4+s14], $0x40, s14, s14, $0xb8;
	[tilespmem:$0x1F000] =	vst v63  }
0x2e: {  	s19 =	simm.s32 $0x100  }
0x2f: {  	[tilespmem:s18], [sflag:$0x3] =	stream.indirect.gather [hbm4b:s4+s14], $0x40, s19, s14, $0xb8;
	[tilespmem:$0x1F000] =	vst v63  }
0x30: {  	s20 =	simm.s32 $0x180;
	s7 =	simm.s32 $0xB000  }
0x31: {  	[tilespmem:s7], [sflag:$0x4] =	stream.indirect.gather [hbm4b:s4+s14], $0x40, s20, s14, $0xb8;
	[tilespmem:$0x1F000] =	vst v63  }
0x32: {  	s21 =	simm.s32 $0x200  }
0x33: {  	[tilespmem:s22], [sflag:$0x5] =	stream.indirect.gather [hbm4b:s4+s14], $0x40, s21, s14, $0xb8;
	[tilespmem:$0x1F000] =	vst v63  }
0x34: {  	s23 =	simm.s32 $0x280;
	s24 =	simm.s32 $0xF000  }
0x35: {  	[tilespmem:s24], [sflag:$0x6] =	stream.indirect.gather [hbm4b:s4+s14], $0x40, s23, s14, $0xb8;
	[tilespmem:$0x1F000] =	vst v63  }
0x36: {  	s25 =	simm.s32 $0x300  }
0x37: {  	[tilespmem:s26], [sflag:$0x7] =	stream.indirect.gather [hbm4b:s4+s14], $0x40, s25, s14, $0xb8;
	[tilespmem:$0x1F000] =	vst v63  }
0x38: {  	s28 =	simm.s32 $0x380;
	s17 =	simm.s32 $0x0  }
0x39: {  	[tilespmem:s29], [sflag:$0x8] =	stream.indirect.gather [hbm4b:s4+s14], $0x40, s28, s14, $0xb8;
	[tilespmem:$0x1F000] =	vst v63  }
.LBB2_2:
0x3a: {  	_ =	swait.ge [sflag:s30], $0x2000  }
0x3b: {  	s19 =	sshra.s32 s17, $0x2;
	[sflag:s30] =	ssyncset.done $0x0  }
0x3c: {  	s20 =	sadd.s32 $0x2800, s19;
	[sflag:s30] =	ssyncadd.s32 $0xFFFFE000  }
0x3d: {  	[spmem:s2] =	stream.indirect.scatter.add.f32 [tilespmem:s15], [sflag:$0x9], $0x40, s20, s14, $0xb8;
	[tilespmem:$0x1F000] =	vst v63  }
0x3e: {  	_ =	swait.ge [sflag:s12], $0x2000  }
0x3f: {  	p0 =	seq.s32 s17, $0x9000;
	[sflag:s12] =	ssyncset.done $0x0  }
0x40: {  	s20 =	simm.s32 @p0 $0x2;
	[sflag:s12] =	ssyncadd.s32 $0xFFFFE000  }
0x41: {  	s23 =	sshra.s32 @p0 s17, $0x2;
	_ =	swait.ge @p0 [sflag:s20], $0x2000  }
0x42: {  	s24 =	simm.s32 @p0 $0x80;
	s21 =	simm.s32 @p0 $0x7000;
	[sflag:s20] =	ssyncset.done @p0 $0x0  }
0x43: {  	s25 =	simm.s32 @p0 $0x9;
	[sflag:s20] =	ssyncadd.s32 @p0 $0xFFFFE000;
	s20 =	sadd.s32 @p0 $0x2880, s23  }
0x44: {  	[spmem:s2] =	stream.indirect.scatter.add.f32 @p0 [tilespmem:s21], [sflag:$0x9], $0x40, s20, s24, $0xb8;
	[tilespmem:$0x1F000] =	vst v63  }
0x45: {  	_ =	swait.ge @p0 [sflag:s25], $0x2000  }
0x46: {  	s5 =	simm.s32 @!p0 $0x5000;
	s20 =	sshra.s32 @!p0 s17, $0x2;
	[sflag:s25] =	ssyncset.done @p0 $0x0  }
0x47: {  	s21 =	simm.s32 @!p0 $0x80;
	s28 =	sadd.s32 @!p0 $0x400, s20;
	[sflag:s25] =	ssyncadd.s32 @p0 $0xFFFFE000  }
0x48: {  	[tilespmem:s5], [sflag:$0x1] =	stream.indirect.gather @!p0 [hbm4b:s4+s21], $0x40, s28, s21, $0xb8;
	[tilespmem:$0x1F000] =	vst v63  }
0x49: {  	s5 =	simm.s32 @!p0 $0x2  }
0x4a: {  	_ =	swait.ge @!p0 [sflag:s5], $0x2000  }
0x4b: {  	s7 =	simm.s32 @!p0 $0x7000;
	[sflag:s5] =	ssyncset.done @!p0 $0x0  }
0x4c: {  	s28 =	simm.s32 @!p0 $0x9;
	[sflag:s5] =	ssyncadd.s32 @!p0 $0xFFFFE000;
	s5 =	sadd.s32 @!p0 $0x2880, s20  }
0x4d: {  	[spmem:s2] =	stream.indirect.scatter.add.f32 @!p0 [tilespmem:s7], [sflag:$0x9], $0x40, s5, s21, $0xb8;
	[tilespmem:$0x1F000] =	vst v63  }
0x4e: {  	_ =	swait.ge @!p0 [sflag:s28], $0x2000  }
0x4f: {  	[sflag:s28] =	ssyncset.done @!p0 $0x0  }
0x50: {  	s5 =	sadd.s32 @!p0 $0x480, s20;
	[sflag:s28] =	ssyncadd.s32 @!p0 $0xFFFFE000  }
0x51: {  	[tilespmem:s7], [sflag:$0x2] =	stream.indirect.gather @!p0 [hbm4b:s4+s21], $0x40, s5, s21, $0xb8;
	[tilespmem:$0x1F000] =	vst v63  }
0x52: {  	_ =	swait.ge [sflag:s31], $0x2000  }
0x53: {  	[sflag:s31] =	ssyncset.done $0x0  }
0x54: {  	s7 =	sadd.s32 $0x2900, s19;
	[sflag:s31] =	ssyncadd.s32 $0xFFFFE000  }
0x55: {  	[spmem:s2] =	stream.indirect.scatter.add.f32 [tilespmem:s18], [sflag:$0x9], $0x40, s7, s14, $0xb8;
	[tilespmem:$0x1F000] =	vst v63  }
0x56: {  	_ =	swait.ge [sflag:s12], $0x2000  }
0x57: {  	[sflag:s12] =	ssyncset.done $0x0  }
0x58: {  	s5 =	simm.s32 @p0 $0x4;
	[sflag:s12] =	ssyncadd.s32 $0xFFFFE000  }
0x59: {  	_ =	swait.ge @p0 [sflag:s5], $0x2000  }
0x5a: {  	[sflag:s5] =	ssyncset.done @p0 $0x0  }
0x5b: {  	s7 =	simm.s32 @p0 $0xB000;
	[sflag:s5] =	ssyncadd.s32 @p0 $0xFFFFE000;
	s5 =	sadd.s32 @p0 $0x2980, s23  }
0x5c: {  	[spmem:s2] =	stream.indirect.scatter.add.f32 @p0 [tilespmem:s7], [sflag:$0x9], $0x40, s5, s24, $0xb8;
	[tilespmem:$0x1F000] =	vst v63  }
0x5d: {  	_ =	swait.ge @p0 [sflag:s25], $0x2000  }
0x5e: {  	[sflag:s25] =	ssyncset.done @p0 $0x0  }
0x5f: {  	s5 =	sadd.s32 @!p0 $0x500, s20;
	s7 =	simm.s32 @!p0 $0x9000;
	[sflag:s25] =	ssyncadd.s32 @p0 $0xFFFFE000  }
0x60: {  	[tilespmem:s7], [sflag:$0x3] =	stream.indirect.gather @!p0 [hbm4b:s4+s21], $0x40, s5, s21, $0xb8;
	[tilespmem:$0x1F000] =	vst v63  }
0x61: {  	s5 =	simm.s32 @!p0 $0x4  }
0x62: {  	_ =	swait.ge @!p0 [sflag:s5], $0x2000  }
0x63: {  	[sflag:s5] =	ssyncset.done @!p0 $0x0  }
0x64: {  	s7 =	simm.s32 @!p0 $0xB000;
	[sflag:s5] =	ssyncadd.s32 @!p0 $0xFFFFE000;
	s5 =	sadd.s32 @!p0 $0x2980, s20  }
0x65: {  	[spmem:s2] =	stream.indirect.scatter.add.f32 @!p0 [tilespmem:s7], [sflag:$0x9], $0x40, s5, s21, $0xb8;
	[tilespmem:$0x1F000] =	vst v63  }
0x66: {  	_ =	swait.ge @!p0 [sflag:s28], $0x2000  }
0x67: {  	[sflag:s28] =	ssyncset.done @!p0 $0x0  }
0x68: {  	s5 =	sadd.s32 @!p0 $0x580, s20;
	[sflag:s28] =	ssyncadd.s32 @!p0 $0xFFFFE000  }
0x69: {  	[tilespmem:s7], [sflag:$0x4] =	stream.indirect.gather @!p0 [hbm4b:s4+s21], $0x40, s5, s21, $0xb8;
	[tilespmem:$0x1F000] =	vst v63  }
0x6a: {  	_ =	swait.ge [sflag:s1], $0x2000  }
0x6b: {  	[sflag:s1] =	ssyncset.done $0x0  }
0x6c: {  	s7 =	sadd.s32 $0x2A00, s19;
	[sflag:s1] =	ssyncadd.s32 $0xFFFFE000  }
0x6d: {  	[spmem:s2] =	stream.indirect.scatter.add.f32 [tilespmem:s22], [sflag:$0x9], $0x40, s7, s14, $0xb8;
	[tilespmem:$0x1F000] =	vst v63  }
0x6e: {  	_ =	swait.ge [sflag:s12], $0x2000  }
0x6f: {  	[sflag:s12] =	ssyncset.done $0x0  }
0x70: {  	s5 =	simm.s32 @p0 $0x6;
	[sflag:s12] =	ssyncadd.s32 $0xFFFFE000  }
0x71: {  	_ =	swait.ge @p0 [sflag:s5], $0x2000  }
0x72: {  	[sflag:s5] =	ssyncset.done @p0 $0x0  }
0x73: {  	s7 =	simm.s32 @p0 $0xF000;
	[sflag:s5] =	ssyncadd.s32 @p0 $0xFFFFE000;
	s5 =	sadd.s32 @p0 $0x2A80, s23  }
0x74: {  	[spmem:s2] =	stream.indirect.scatter.add.f32 @p0 [tilespmem:s7], [sflag:$0x9], $0x40, s5, s24, $0xb8;
	[tilespmem:$0x1F000] =	vst v63  }
0x75: {  	_ =	swait.ge @p0 [sflag:s25], $0x2000  }
0x76: {  	[sflag:s25] =	ssyncset.done @p0 $0x0  }
0x77: {  	s5 =	sadd.s32 @!p0 $0x600, s20;
	s7 =	simm.s32 @!p0 $0xD000;
	[sflag:s25] =	ssyncadd.s32 @p0 $0xFFFFE000  }
0x78: {  	[tilespmem:s7], [sflag:$0x5] =	stream.indirect.gather @!p0 [hbm4b:s4+s21], $0x40, s5, s21, $0xb8;
	[tilespmem:$0x1F000] =	vst v63  }
0x79: {  	s5 =	simm.s32 @!p0 $0x6  }
0x7a: {  	_ =	swait.ge @!p0 [sflag:s5], $0x2000  }
0x7b: {  	[sflag:s5] =	ssyncset.done @!p0 $0x0  }
0x7c: {  	s7 =	simm.s32 @!p0 $0xF000;
	[sflag:s5] =	ssyncadd.s32 @!p0 $0xFFFFE000;
	s5 =	sadd.s32 @!p0 $0x2A80, s20  }
0x7d: {  	[spmem:s2] =	stream.indirect.scatter.add.f32 @!p0 [tilespmem:s7], [sflag:$0x9], $0x40, s5, s21, $0xb8;
	[tilespmem:$0x1F000] =	vst v63  }
0x7e: {  	_ =	swait.ge @!p0 [sflag:s28], $0x2000  }
0x7f: {  	[sflag:s28] =	ssyncset.done @!p0 $0x0  }
0x80: {  	s5 =	sadd.s32 @!p0 $0x680, s20;
	[sflag:s28] =	ssyncadd.s32 @!p0 $0xFFFFE000  }
0x81: {  	[tilespmem:s7], [sflag:$0x6] =	stream.indirect.gather @!p0 [hbm4b:s4+s21], $0x40, s5, s21, $0xb8;
	[tilespmem:$0x1F000] =	vst v63  }
0x82: {  	_ =	swait.ge [sflag:s0], $0x2000  }
0x83: {  	[sflag:s0] =	ssyncset.done $0x0  }
.Ltmp2:
0x84: {  	s28 =	sadd.s32 $0x2B00, s19;
	[sflag:s0] =	ssyncadd.s32 $0xFFFFE000;
	(pc) =	sbr.rel @p0 .LBB2_4-.Ltmp2, $4  }
0x85: {  	[spmem:s2] =	stream.indirect.scatter.add.f32 [tilespmem:s26], [sflag:$0x9], $0x40, s28, s14, $0xb8;
	[tilespmem:$0x1F000] =	vst v63  }
0x86: {  	_ =	swait.ge [sflag:s12], $0x2000  }
0x87: {  	[sflag:s12] =	ssyncset.done $0x0  }
0x88: {  	s20 =	sadd.s32 $0x2B80, s19;
	[sflag:s12] =	ssyncadd.s32 $0xFFFFE000  }
0x89: {  	s5 =	sadd.s32 $0x700, s19  }
0x8a: {  	[tilespmem:s26], [sflag:$0x7] =	stream.indirect.gather [hbm4b:s4+s14], $0x40, s5, s14, $0xb8;
	[tilespmem:$0x1F000] =	vst v63  }
0x8b: {  	_ =	swait.ge [sflag:s13], $0x2000  }
0x8c: {  	[sflag:s13] =	ssyncset.done $0x0  }
0x8d: {  	[sflag:s13] =	ssyncadd.s32 $0xFFFFE000  }
0x8e: {  	[spmem:s2] =	stream.indirect.scatter.add.f32 [tilespmem:s29], [sflag:$0x9], $0x40, s20, s14, $0xb8;
	[tilespmem:$0x1F000] =	vst v63  }
.Ltmp3:
0x8f: {  	_ = 	snop;
	(pc) =	sbr.rel .LBB2_2-.Ltmp3, $4  }
0x90: {  	_ =	swait.ge [sflag:s12], $0x2000  }
0x91: {  	[sflag:s12] =	ssyncset.done $0x0  }
0x92: {  	s28 =	sadd.s32 $0x780, s19;
	s17 =	sadd.s32 $0x1000, s17;
	[sflag:s12] =	ssyncadd.s32 $0xFFFFE000  }
0x93: {  	[tilespmem:s29], [sflag:$0x8] =	stream.indirect.gather [hbm4b:s4+s14], $0x40, s28, s14, $0xb8;
	[tilespmem:$0x1F000] =	vst v63  }
.LBB2_5:
0x94: {  	_ =	sfence.sel $0x180000  }
0x95: {  	[bflag:$0x0] =	sbarrier.arrive $0xFFFF  }
0x96: {  	_ =	strace $0x9000004A  }
0x97: {  	s0 =	stileid.u32;
	[bflag:$0x2] =	sbarrier.arrive $0xFFFF  }
0x98: {  	p0 =	sne.s32 s0, $0x0;
	s0 =	rddreg [dreg:$0x2]  }
0x99: {  	s0 =	sadd.s32 @!p0 $0x100000, s0  }
0x9a: {  	[sflag:s0] =	ssyncadd.tile.s32 @!p0 $0x1;
	_ =	shalt  }
.Lfunc_end2:
_tile_overlayer_lowered:
.L_overlay_start_2:
0x9b: {  	(tag) =	ssettag $0x2  }
0x9c: {  	s0 =	rddreg [dreg:$0x0];
	s2 =	stileid.u32  }
0x9d: {  	s1 =	rddreg [dreg:$0x1];
	p0 =	sne.s32 s2, $0x0  }
0x9e: {  	s3 =	rddreg [dreg:$0x2];
	[bflag:$0x3] =	sbarrier.arrive $0xFFFF;
	s2 =	simm.s32 @!p0 $0x1C09  }
0x9f: {  	[timem:s3], [sflag:s2] =	dma.local @!p0 [hbm:s0], s1  }
0xa0: {  	s0 =	simm.s32 @!p0 $0x9  }
0xa1: {  	_ =	swait.ge @!p0 [sflag:s0], s1  }
0xa2: {  	s1 =	ssub.s32 @!p0 $0x0, s1;
	[sflag:s0] =	ssyncset.done @!p0 $0x0  }
0xa3: {  	[sflag:s0] =	ssyncadd.s32 @!p0 s1  }
0xa4: {  	[bflag:$0x3] =	sbarrier.arrive $0xFFFF  }
0xa5: {  	_ =	shalt  }

// kernel: kernel.16.cloned.1.call-start
scs
__scs_entry_jumppad:
0x0: {  	(pc) =	sbr.rel $0x88, $3  }
0x1: {  	(tag) =	ssettag $0x0;
	lr =	simm.s32 $0x1  }
0x2: {  	[smem:$0x3F93] =	sst lr;
	_ =	strace $0xD0000000  }
0x3: {  	_ = 	snop  }
0x4: {  	_ = 	snop  }
0x5: {  	_ = 	snop  }
0x6: {  	_ = 	snop  }
0x7: {  	_ = 	snop  }
__scs_overlays_trampoline_lowered:
0x8: {  	[smem:$0x3FA2] =	sst s0  }
0x9: {  	[smem:$0x3FA3] =	sst s1  }
0xa: {  	[smem:$0x3FA4] =	sst s2  }
0xb: {  	[smem:$0x3FA5] =	sst s3  }
0xc: {  	[smem:$0x3FA6] =	sst s4  }
0xd: {  	[smem:$0x3FA7] =	sst s5  }
0xe: {  	[smem:$0x3FA8] =	sst s6  }
0xf: {  	[smem:$0x3FA9] =	sst s7  }
0x10: {  	[smem:$0x3FAA] =	sst s8  }
0x11: {  	[smem:$0x3FAB] =	sst s9;
	s0 =	simm.s32 @!p0 $0x0  }
0x12: {  	s1 =	sld [smem:$0x3F91];
	s0 =	simm.s32 @p0 $0x1  }
0x13: {  	[smem:$0x3FAC] =	sst s0;
	s0 =	simm.s32 @!p1 $0x0  }
0x14: {  	s2 =	sld [smem:$0x3F90];
	s0 =	simm.s32 @p1 $0x1  }
0x15: {  	[smem:$0x3FAD] =	sst s0;
	s0 =	simm.s32 @!p2 $0x0  }
0x16: {  	s3 =	sld [smem:$0x3FDB];
	s0 =	simm.s32 @p2 $0x1  }
0x17: {  	s4 =	simm.s32 $0x1BF5;
	[smem:$0x3FAF] =	sst s0  }
0x18: {  	s0 =	sld [smem:$0x3F92];
	_ =	swait.ge [sflag:s4], $0x0  }
0x19: {  	s7 =	sld [smem:$0x3F93]  }
0x1a: {  	s8 =	sadd.s32 $0xFFFFE003, lr  }
0x1b: {  	s9 =	sadd.s32 $0xFFFFFEF7, lr;
	s5 =	simm.s32 $0xFFFFFFFF;
	p2 =	slt.u32 s8, $0xFFFFF086  }
0x1c: {  	p1 =	slt.u32 s9, $0xF7A;
	s5 =	simm.s32 @!p2 $0x0  }
0x1d: {  	s5 =	simm.s32 @p1 $0x1;
	p0 =	seq.s32 s7, s2  }
0x1e: {  	s7 =	smul.u32 @!p0 $0xF7A, s2;
	p2 =	seq.s32 @!p0 s5, $0x0  }
0x1f: {  	s9 =	smul.u32 $0xF7A, s1;
	s8 =	simm.s32 @!p0 $0x1BF5;
	p2 =	por !p2, p0  }
0x20: {  	[sflag:s8] =	ssyncset.s32 @!p0 $0xFFFFF086;
	s6 =	sadd.s32 @!p0 s3, s7;
	s7 =	simm.s32 @!p0 $0x108  }
0x21: {  	s3 =	sadd.s32 s3, s9;
	s6 =	sadd.s32 @!p0 $0x88, s6;
	s7 =	simm.s32 @p2 $0x1082  }
0x22: {  	[simem:s7], [sflag:s8] =	dma.local @!p0 [hbm:s6], $0xF7A  }
0x23: {  	s9 =	sor.u32 $0xD0000000, s2;
	s6 =	simm.s32 $0x108;
	_ =	swait.ge @!p0 [sflag:s8], $0x0  }
0x24: {  	s3 =	sadd.s32 $0x88, s3;
	s6 =	simm.s32 @!p1 $0x1082;
	[sflag:s4] =	ssyncset.s32 $0xFFFFF086  }
0x25: {  	[simem:s6], [sflag:s4] =	dma.local [hbm:s3], $0xF7A  }
0x26: {  	[smem:$0x3F93] =	sst s1;
	(tag) =	ssettag s2;
	_ =	strace s9  }
0x27: {  	s1 =	sld [smem:$0x3FA3]  }
0x28: {  	s2 =	sld [smem:$0x3FA4]  }
0x29: {  	s4 =	sld [smem:$0x3FA6]  }
0x2a: {  	p0 =	seq.s32 s5, $0x0;
	s5 =	sld [smem:$0x3FA7]  }
0x2b: {  	s6 =	sld [smem:$0x3FA8]  }
0x2c: {  	s7 =	sld [smem:$0x3FA9]  }
0x2d: {  	s3 =	simm.s32 $0x108;
	s8 =	sld [smem:$0x3FAA]  }
0x2e: {  	s3 =	simm.s32 @!p0 $0x1082;
	s9 =	sld [smem:$0x3FAB]  }
0x2f: {  	lr =	sadd.s32 s0, s3;
	s0 =	sld [smem:$0x3FA2]  }
0x30: {  	s3 =	sld [smem:$0x3FA5]  }
0x31: {  	[smem:$0x3FAE] =	sst s10  }
0x32: {  	s10 =	sld [smem:$0x3FAC];
	_ =	sdelay $0x3  }
0x33: {  	p0 =	seq.s32 s10, $0x1;
	s10 =	sld [smem:$0x3FAE];
	_ =	sdelay $0x3  }
0x34: {  	[smem:$0x3FAE] =	sst s10  }
0x35: {  	s10 =	sld [smem:$0x3FAD];
	_ =	sdelay $0x3  }
0x36: {  	p1 =	seq.s32 s10, $0x1;
	s10 =	sld [smem:$0x3FAE];
	_ =	sdelay $0x3  }
0x37: {  	[smem:$0x3FAE] =	sst s10  }
0x38: {  	s10 =	sld [smem:$0x3FAF]  }
0x39: {  	_ = 	snop;
	(pc) =	sbr.ind lr, $3  }
0x3a: {  	_ = 	snop  }
0x3b: {  	_ = 	snop  }
0x3c: {  	p2 =	seq.s32 s10, $0x1;
	s10 =	sld [smem:$0x3FAE]  }
0x3d: {  	_ =	shalt  }
0x3e: {  	_ =	shalt  }
0x3f: {  	_ =	shalt  }
0x40: {  	_ =	shalt  }
0x41: {  	_ =	shalt  }
0x42: {  	_ =	shalt  }
0x43: {  	_ =	shalt  }
0x44: {  	_ =	shalt  }
0x45: {  	_ =	shalt  }
0x46: {  	_ =	shalt  }
0x47: {  	_ =	shalt  }
0x48: {  	_ =	shalt  }
0x49: {  	_ =	shalt  }
0x4a: {  	_ =	shalt  }
0x4b: {  	_ =	shalt  }
0x4c: {  	_ =	shalt  }
0x4d: {  	_ =	shalt  }
0x4e: {  	_ =	shalt  }
0x4f: {  	_ =	shalt  }
0x50: {  	_ =	shalt  }
0x51: {  	_ =	shalt  }
0x52: {  	_ =	shalt  }
0x53: {  	_ =	shalt  }
0x54: {  	_ =	shalt  }
0x55: {  	_ =	shalt  }
0x56: {  	_ =	shalt  }
0x57: {  	_ =	shalt  }
0x58: {  	_ =	shalt  }
0x59: {  	_ =	shalt  }
0x5a: {  	_ =	shalt  }
0x5b: {  	_ =	shalt  }
0x5c: {  	_ =	shalt  }
0x5d: {  	_ =	shalt  }
0x5e: {  	_ =	shalt  }
0x5f: {  	_ =	shalt  }
0x60: {  	_ =	shalt  }
0x61: {  	_ =	shalt  }
0x62: {  	_ =	shalt  }
0x63: {  	_ =	shalt  }
0x64: {  	_ =	shalt  }
0x65: {  	_ =	shalt  }
0x66: {  	_ =	shalt  }
0x67: {  	_ =	shalt  }
0x68: {  	_ =	shalt  }
0x69: {  	_ =	shalt  }
0x6a: {  	_ =	shalt  }
0x6b: {  	_ =	shalt  }
0x6c: {  	_ =	shalt  }
0x6d: {  	_ =	shalt  }
0x6e: {  	_ =	shalt  }
0x6f: {  	_ =	shalt  }
0x70: {  	_ =	shalt  }
0x71: {  	_ =	shalt  }
0x72: {  	_ =	shalt  }
0x73: {  	_ =	shalt  }
0x74: {  	_ =	shalt  }
0x75: {  	_ =	shalt  }
0x76: {  	_ =	shalt  }
0x77: {  	_ =	shalt  }
0x78: {  	_ =	shalt  }
0x79: {  	_ =	shalt  }
0x7a: {  	_ =	shalt  }
0x7b: {  	_ =	shalt  }
0x7c: {  	_ =	shalt  }
0x7d: {  	_ =	shalt  }
0x7e: {  	_ =	shalt  }
0x7f: {  	_ =	shalt  }
0x80: {  	_ =	shalt  }
0x81: {  	_ =	shalt  }
0x82: {  	_ =	shalt  }
0x83: {  	_ =	shalt  }
0x84: {  	_ =	shalt  }
0x85: {  	_ =	shalt  }
0x86: {  	_ =	shalt  }
0x87: {  	_ =	shalt  }
.Lfunc_end0:
.L_simem_size_0:
called_computation.2_lowered:
.L_overlay_start_0:
0x88: {  	s2 =	sld [smem:$0x3FD9]  }
0x89: {  	s3 =	sld [smem:$0x3FFE];
	_ =	sdelay $0x1  }
0x8a: {  	s1 =	srdreg.scid  }
0x8b: {  	s0 =	sand.u32 $0x1, s1  }
0x8c: {  	s16 =	sshll.u32 s0, $0xA;
	s2 =	sadd.s32 s3, s2  }
0x8d: {  	s2 =	sadd.s32 s2, s16  }
0x8e: {  	[smem:$0x3FBA] =	sst s2  }
0x8f: {  	_ = 	snop  }
0x90: {  	(tm) =	ssettm $0x1  }
0x91: {  	s17 =	sld [smem:$0x3FFB];
	_ =	sdelay $0x3  }
0x92: {  	_ =	strace s17  }
0x93: {  	s2 =	sld [smem:$0x3FFC];
	_ =	sdelay $0x3  }
0x94: {  	_ =	strace s2  }
0x95: {  	s2 =	sld [smem:$0x3FFD];
	_ =	sdelay $0x3  }
0x96: {  	_ =	strace s2  }
0x97: {  	_ =	strace $0x8FFFFFFF  }
0x98: {  	s18 =	sld [smem:$0x3FDB];
	_ =	sdelay $0x1  }
0x99: {  	s19 =	simm.s32 $_scs_section_size  }
0x9a: {  	s4 =	simm.s32 $_size__tile_overlayer_lowered;
	s5 =	simm.s32 $_tile_overlayer_lowered  }
0x9b: {  	s22 =	simm.s32 $0x1BFF;
	s21 =	sshll.u32 s5, $0x1;
	s2 =	sadd.s32 s19, s18  }
0x9c: {  	s6 =	simm.s32 $0x0;
	s20 =	sshll.u32 s4, $0x1;
	s4 =	sadd.s32 s21, s2  }
0x9d: {  	[timem:s6], [sflag:s22] =	dma.local [hbm:s4], s20  }
0x9e: {  	_ =	swait.ge [sflag:s22], s20  }
0x9f: {  	s3 =	ssub.s32 $0x0, s20;
	[sflag:s22] =	ssyncset.done $0x0  }
0xa0: {  	[sflag:s22] =	ssyncadd.s32 s3;
	_ =	sdelay $0x1  }
0xa1: {  	s23 =	simm.s32 $0x1B8B  }
0xa2: {  	_ =	swait.ge [sflag:s23], $0x1  }
0xa3: {  	[sflag:s23] =	ssyncset.done $0x0  }
0xa4: {  	s25 =	simm.s32 $0x1B8E;
	s24 =	sld [smem:$0x3FFE];
	[sflag:s23] =	ssyncadd.s32 $0xFFFFFFFF  }
0xa5: {  	s26 =	simm.s32 $execute0_lowered;
	[smem:$0x3FD2] =	sst s25  }
0xa6: {  	s4 =	sshll.u32 s26, $0x1;
	_ =	strace $0x8000004C;
	[dreg:$0x1] =	wrdreg $0xFFFFFFFF  }
0xa7: {  	s28 =	simm.s32 $_size_execute0_lowered;
	s2 =	sadd.s32 s2, s4;
	[dreg:$0x0] =	wrdreg $0x0  }
0xa8: {  	s4 =	sshll.u32 s28, $0x1;
	[dreg:$0x2] =	wrdreg s2  }
0xa9: {  	[dreg:$0x3] =	wrdreg s4  }
0xaa: {  	[dreg:$0x4] =	wrdreg $0xC0  }
0xab: {  	_ =	task [dreg:s6], $0x5FFFF  }
0xac: {  	[dreg:$0x1] =	wrdreg $0xFFFFFFFF  }
0xad: {  	[dreg:$0x0] =	wrdreg $0x60  }
0xae: {  	[dreg:$0x2] =	wrdreg s24  }
0xaf: {  	[dreg:$0x3] =	wrdreg $0x150000  }
0xb0: {  	[dreg:$0x4] =	wrdreg $0x9  }
0xb1: {  	_ =	task.clear_ibuf [dreg:s6], $0x5FFFF;
	_ =	strace $0x9000004C  }
0xb2: {  	s29 =	simm.s32 $0x9;
	_ =	strace $0x8000004E  }
0xb3: {  	_ =	swait.ge [sflag:s29], $0x1  }
0xb4: {  	[sflag:s29] =	ssyncadd.s32 $0xFFFFFFFF  }
0xb5: {  	_ =	strace $0x9000004E  }
0xb6: {  	_ =	sfence  }
0xb7: {  	s30 =	sld [smem:$0x0];
	_ =	sdelay $0x2  }
0xb8: {  	s31 =	sshll.u32 s1, $0xD;
	s1 =	sshrl.u32 s1, $0x2  }
0xb9: {  	s3 =	sand.u32 $0x4000, s31;
	s1 =	sadd.s32 s1, s30  }
0xba: {  	s0 =	sor.u32 s3, s0;
	s1 =	sshll.u32 s1, $0x11  }
0xbb: {  	s0 =	sor.u32 s1, s0  }
0xbc: {  	s0 =	sadd.s32 $0x8F2B, s0  }
0xbd: {  	[sflag:s0] =	ssyncadd.remote.s32 $0x1  }
0xbe: {  	_ =	sfence.sel $0xFFFF  }
0xbf: {  	[dreg:$0x0] =	wrdreg $0xFFFFFFFF;
	(pc) =	sbr.abs _section_cstart, $3  }
0xc0: {  	[dreg:$0x1] =	wrdreg $0xFFFFFFFF  }
0xc1: {  	_ =	task.clear_ibuf [dreg:s6], $0x2FFFF;
	_ =	strace $0x9FFFFFFF  }
0xc2: {  	(tm) =	ssettm $0x7FFFFFFF  }
0xc3: {  	_ =	shalt  }
tec
execute0_lowered:
.L_overlay_start_1:
0x0: {  	(tag) =	ssettag $0x1  }
0x1: {  	s0 =	srdreg.scid;
	s6 =	rddreg [dreg:$0x0]  }
0x2: {  	s11 =	stileid.u32;
	s2 =	rddreg [dreg:$0x1]  }
0x3: {  	s3 =	simm.s32 $0x0;
	s12 =	simm.s32 $0x9;
	s14 =	simm.s32 $0x80  }
0x4: {  	s15 =	simm.s32 $0x5000;
	s18 =	simm.s32 $0x9000;
	s22 =	simm.s32 $0xD000  }
0x5: {  	s29 =	simm.s32 $0x13000;
	s30 =	simm.s32 $0x1;
	s31 =	simm.s32 $0x3  }
0x6: {  	s13 =	simm.s32 $0x8;
	s16 =	simm.s32 $0x0;
	s0 =	sand.u32 $0x1, s0  }
0x7: {  	s7 =	smul.u32 $0xA000, s11;
	[smem:$0x7FF] =	sst s3;
	s4 =	sadd.s32 $0x17600, s6  }
0x8: {  	s24 =	sadd.s32 $0x2B000, s6;
	s25 =	sshll.u32 s11, $0x6;
	s1 =	sshll.u32 s0, $0x4  }
0x9: {  	s5 =	smul.u32 $0xA0000, s0;
	_ =	strace $0x8000004D;
	s0 =	ssub.s32 $0x2, s0  }
0xa: {  	[dreg:$0x3] =	wrdreg s24;
	s1 =	sor.u32 s11, s1;
	s9 =	sshrl.u32 s0, $0x1  }
0xb: {  	s26 =	sadd.s32 s7, s2;
	s1 =	smul.u32 $0x500, s1;
	s8 =	sadd.s32 s7, s5  }
.Ltmp0:
0xc: {  	s0 =	ssub.s32 s0, s9;
	s11 =	sshrl.u32 s26, $0x3;
	(pc) =	sbr.rel .LBB2_1-.Ltmp0, $4  }
0xd: {  	s26 =	simm.s32 $0x11000;
	s8 =	sshrl.u32 s8, $0x3;
	s1 =	sadd.s32 s1, s6  }
0xe: {  	s10 =	sadd.s32 s8, s6;
	s6 =	sor.u32 $0x1C09, s25;
	s28 =	sadd.s32 $0xD600, s1  }
0xf: {  	s8 =	sadd.s32 $0x3600, s1;
	s9 =	sadd.s32 $0x2C400, s10;
	s10 =	smax.u32 s0, $0x1  }
0x10: {  	s1 =	simm.s32 $0x5;
	s0 =	simm.s32 $0x7;
	[dreg:$0x4] =	wrdreg s28  }
.LBB2_4:
0x11: {  	_ =	swait.ge [sflag:s13], $0x2000  }
0x12: {  	[sflag:s13] =	ssyncset.done $0x0  }
0x13: {  	[sflag:s13] =	ssyncadd.s32 $0xFFFFE000  }
0x14: {  	[spmem:s2] =	stream.indirect.scatter.add.f32 [tilespmem:s29], [sflag:$0x9], $0x40, s20, s14, $0xb8;
	[tilespmem:$0x1F000] =	vst v63  }
0x15: {  	_ =	swait.ge [sflag:s12], $0x2000  }
0x16: {  	s16 =	sadd.s32 $0x1, s16;
	[sflag:s12] =	ssyncset.done $0x0  }
0x17: {  	p0 =	sne.s32 s16, s10;
	[sflag:s12] =	ssyncadd.s32 $0xFFFFE000  }
.Ltmp1:
0x18: {  	[bflag:$0x0] =	sbarrier.arrive $0xFFFF;
	(pc) =	sbr.rel @!p0 .LBB2_5-.Ltmp1, $4  }
0x19: {  	[hbm:s9], [sflag:s6] =	dma.local [spmem:s11], $0x1400  }
0x1a: {  	_ =	swait.ge [sflag:s12], $0x1400  }
0x1b: {  	[sflag:s12] =	ssyncset.done $0x0  }
0x1c: {  	[sflag:s12] =	ssyncadd.s32 $0xFFFFEC00  }
.LBB2_1:
0x1d: {  	s5 =	rddreg [dreg:$0x3]  }
0x1e: {  	[spmem:s11], [sflag:s6] =	dma.local [hbm:s5], $0x1400  }
0x1f: {  	_ =	swait.ge [sflag:s12], $0x1400  }
0x20: {  	[sflag:s12] =	ssyncset.done $0x0  }
0x21: {  	s28 =	rddreg [dreg:$0x4];
	[sflag:s12] =	ssyncadd.s32 $0xFFFFEC00  }
0x22: {  	[tilespmem:s3], [sflag:$0x9] =	stream.linear.gather [hbm4b:s28+s3], $0x2800, $0x38;
	[tilespmem:$0x1F000] =	vst v63  }
0x23: {  	_ =	swait.ge [sflag:s12], $0x2800  }
0x24: {  	[sflag:s12] =	ssyncset.done $0x0  }
0x25: {  	s7 =	simm.s32 $0x2800;
	[sflag:s12] =	ssyncadd.s32 $0xFFFFD800  }
0x26: {  	[tilespmem:s7], [sflag:$0x9] =	stream.linear.gather [hbm4b:s8+s3], $0x2800, $0x38;
	[tilespmem:$0x1F000] =	vst v63  }
0x27: {  	_ =	swait.ge [sflag:s12], $0x2800  }
0x28: {  	[sflag:s12] =	ssyncset.done $0x0  }
0x29: {  	[sflag:s12] =	ssyncadd.s32 $0xFFFFD800  }
0x2a: {  	[bflag:$0x0] =	sbarrier.arrive $0xFFFF  }
0x2b: {  	[tilespmem:s15], [sflag:$0x1] =	stream.indirect.gather [hbm4b:s4+s14], $0x40, s3, s14, $0xb8;
	[tilespmem:$0x1F000] =	vst v63  }
0x2c: {  	s17 =	simm.s32 $0x7000  }
0x2d: {  	[tilespmem:s17], [sflag:$0x2] =	stream.indirect.gather [hbm4b:s4+s14], $0x40, s14, s14, $0xb8;
	[tilespmem:$0x1F000] =	vst v63  }
0x2e: {  	s19 =	simm.s32 $0x100  }
0x2f: {  	[tilespmem:s18], [sflag:$0x3] =	stream.indirect.gather [hbm4b:s4+s14], $0x40, s19, s14, $0xb8;
	[tilespmem:$0x1F000] =	vst v63  }
0x30: {  	s20 =	simm.s32 $0x180;
	s7 =	simm.s32 $0xB000  }
0x31: {  	[tilespmem:s7], [sflag:$0x4] =	stream.indirect.gather [hbm4b:s4+s14], $0x40, s20, s14, $0xb8;
	[tilespmem:$0x1F000] =	vst v63  }
0x32: {  	s21 =	simm.s32 $0x200  }
0x33: {  	[tilespmem:s22], [sflag:$0x5] =	stream.indirect.gather [hbm4b:s4+s14], $0x40, s21, s14, $0xb8;
	[tilespmem:$0x1F000] =	vst v63  }
0x34: {  	s23 =	simm.s32 $0x280;
	s24 =	simm.s32 $0xF000  }
0x35: {  	[tilespmem:s24], [sflag:$0x6] =	stream.indirect.gather [hbm4b:s4+s14], $0x40, s23, s14, $0xb8;
	[tilespmem:$0x1F000] =	vst v63  }
0x36: {  	s25 =	simm.s32 $0x300  }
0x37: {  	[tilespmem:s26], [sflag:$0x7] =	stream.indirect.gather [hbm4b:s4+s14], $0x40, s25, s14, $0xb8;
	[tilespmem:$0x1F000] =	vst v63  }
0x38: {  	s28 =	simm.s32 $0x380;
	s17 =	simm.s32 $0x0  }
0x39: {  	[tilespmem:s29], [sflag:$0x8] =	stream.indirect.gather [hbm4b:s4+s14], $0x40, s28, s14, $0xb8;
	[tilespmem:$0x1F000] =	vst v63  }
.LBB2_2:
0x3a: {  	_ =	swait.ge [sflag:s30], $0x2000  }
0x3b: {  	s19 =	sshra.s32 s17, $0x2;
	[sflag:s30] =	ssyncset.done $0x0  }
0x3c: {  	s20 =	sadd.s32 $0x2800, s19;
	[sflag:s30] =	ssyncadd.s32 $0xFFFFE000  }
0x3d: {  	[spmem:s2] =	stream.indirect.scatter.add.f32 [tilespmem:s15], [sflag:$0x9], $0x40, s20, s14, $0xb8;
	[tilespmem:$0x1F000] =	vst v63  }
0x3e: {  	_ =	swait.ge [sflag:s12], $0x2000  }
0x3f: {  	p0 =	seq.s32 s17, $0x9000;
	[sflag:s12] =	ssyncset.done $0x0  }
0x40: {  	s20 =	simm.s32 @p0 $0x2;
	[sflag:s12] =	ssyncadd.s32 $0xFFFFE000  }
0x41: {  	s23 =	sshra.s32 @p0 s17, $0x2;
	_ =	swait.ge @p0 [sflag:s20], $0x2000  }
0x42: {  	s24 =	simm.s32 @p0 $0x80;
	s21 =	simm.s32 @p0 $0x7000;
	[sflag:s20] =	ssyncset.done @p0 $0x0  }
0x43: {  	s25 =	simm.s32 @p0 $0x9;
	[sflag:s20] =	ssyncadd.s32 @p0 $0xFFFFE000;
	s20 =	sadd.s32 @p0 $0x2880, s23  }
0x44: {  	[spmem:s2] =	stream.indirect.scatter.add.f32 @p0 [tilespmem:s21], [sflag:$0x9], $0x40, s20, s24, $0xb8;
	[tilespmem:$0x1F000] =	vst v63  }
0x45: {  	_ =	swait.ge @p0 [sflag:s25], $0x2000  }
0x46: {  	s5 =	simm.s32 @!p0 $0x5000;
	s20 =	sshra.s32 @!p0 s17, $0x2;
	[sflag:s25] =	ssyncset.done @p0 $0x0  }
0x47: {  	s21 =	simm.s32 @!p0 $0x80;
	s28 =	sadd.s32 @!p0 $0x400, s20;
	[sflag:s25] =	ssyncadd.s32 @p0 $0xFFFFE000  }
0x48: {  	[tilespmem:s5], [sflag:$0x1] =	stream.indirect.gather @!p0 [hbm4b:s4+s21], $0x40, s28, s21, $0xb8;
	[tilespmem:$0x1F000] =	vst v63  }
0x49: {  	s5 =	simm.s32 @!p0 $0x2  }
0x4a: {  	_ =	swait.ge @!p0 [sflag:s5], $0x2000  }
0x4b: {  	s7 =	simm.s32 @!p0 $0x7000;
	[sflag:s5] =	ssyncset.done @!p0 $0x0  }
0x4c: {  	s28 =	simm.s32 @!p0 $0x9;
	[sflag:s5] =	ssyncadd.s32 @!p0 $0xFFFFE000;
	s5 =	sadd.s32 @!p0 $0x2880, s20  }
0x4d: {  	[spmem:s2] =	stream.indirect.scatter.add.f32 @!p0 [tilespmem:s7], [sflag:$0x9], $0x40, s5, s21, $0xb8;
	[tilespmem:$0x1F000] =	vst v63  }
0x4e: {  	_ =	swait.ge @!p0 [sflag:s28], $0x2000  }
0x4f: {  	[sflag:s28] =	ssyncset.done @!p0 $0x0  }
0x50: {  	s5 =	sadd.s32 @!p0 $0x480, s20;
	[sflag:s28] =	ssyncadd.s32 @!p0 $0xFFFFE000  }
0x51: {  	[tilespmem:s7], [sflag:$0x2] =	stream.indirect.gather @!p0 [hbm4b:s4+s21], $0x40, s5, s21, $0xb8;
	[tilespmem:$0x1F000] =	vst v63  }
0x52: {  	_ =	swait.ge [sflag:s31], $0x2000  }
0x53: {  	[sflag:s31] =	ssyncset.done $0x0  }
0x54: {  	s7 =	sadd.s32 $0x2900, s19;
	[sflag:s31] =	ssyncadd.s32 $0xFFFFE000  }
0x55: {  	[spmem:s2] =	stream.indirect.scatter.add.f32 [tilespmem:s18], [sflag:$0x9], $0x40, s7, s14, $0xb8;
	[tilespmem:$0x1F000] =	vst v63  }
0x56: {  	_ =	swait.ge [sflag:s12], $0x2000  }
0x57: {  	[sflag:s12] =	ssyncset.done $0x0  }
0x58: {  	s5 =	simm.s32 @p0 $0x4;
	[sflag:s12] =	ssyncadd.s32 $0xFFFFE000  }
0x59: {  	_ =	swait.ge @p0 [sflag:s5], $0x2000  }
0x5a: {  	[sflag:s5] =	ssyncset.done @p0 $0x0  }
0x5b: {  	s7 =	simm.s32 @p0 $0xB000;
	[sflag:s5] =	ssyncadd.s32 @p0 $0xFFFFE000;
	s5 =	sadd.s32 @p0 $0x2980, s23  }
0x5c: {  	[spmem:s2] =	stream.indirect.scatter.add.f32 @p0 [tilespmem:s7], [sflag:$0x9], $0x40, s5, s24, $0xb8;
	[tilespmem:$0x1F000] =	vst v63  }
0x5d: {  	_ =	swait.ge @p0 [sflag:s25], $0x2000  }
0x5e: {  	[sflag:s25] =	ssyncset.done @p0 $0x0  }
0x5f: {  	s5 =	sadd.s32 @!p0 $0x500, s20;
	s7 =	simm.s32 @!p0 $0x9000;
	[sflag:s25] =	ssyncadd.s32 @p0 $0xFFFFE000  }
0x60: {  	[tilespmem:s7], [sflag:$0x3] =	stream.indirect.gather @!p0 [hbm4b:s4+s21], $0x40, s5, s21, $0xb8;
	[tilespmem:$0x1F000] =	vst v63  }
0x61: {  	s5 =	simm.s32 @!p0 $0x4  }
0x62: {  	_ =	swait.ge @!p0 [sflag:s5], $0x2000  }
0x63: {  	[sflag:s5] =	ssyncset.done @!p0 $0x0  }
0x64: {  	s7 =	simm.s32 @!p0 $0xB000;
	[sflag:s5] =	ssyncadd.s32 @!p0 $0xFFFFE000;
	s5 =	sadd.s32 @!p0 $0x2980, s20  }
0x65: {  	[spmem:s2] =	stream.indirect.scatter.add.f32 @!p0 [tilespmem:s7], [sflag:$0x9], $0x40, s5, s21, $0xb8;
	[tilespmem:$0x1F000] =	vst v63  }
0x66: {  	_ =	swait.ge @!p0 [sflag:s28], $0x2000  }
0x67: {  	[sflag:s28] =	ssyncset.done @!p0 $0x0  }
0x68: {  	s5 =	sadd.s32 @!p0 $0x580, s20;
	[sflag:s28] =	ssyncadd.s32 @!p0 $0xFFFFE000  }
0x69: {  	[tilespmem:s7], [sflag:$0x4] =	stream.indirect.gather @!p0 [hbm4b:s4+s21], $0x40, s5, s21, $0xb8;
	[tilespmem:$0x1F000] =	vst v63  }
0x6a: {  	_ =	swait.ge [sflag:s1], $0x2000  }
0x6b: {  	[sflag:s1] =	ssyncset.done $0x0  }
0x6c: {  	s7 =	sadd.s32 $0x2A00, s19;
	[sflag:s1] =	ssyncadd.s32 $0xFFFFE000  }
0x6d: {  	[spmem:s2] =	stream.indirect.scatter.add.f32 [tilespmem:s22], [sflag:$0x9], $0x40, s7, s14, $0xb8;
	[tilespmem:$0x1F000] =	vst v63  }
0x6e: {  	_ =	swait.ge [sflag:s12], $0x2000  }
0x6f: {  	[sflag:s12] =	ssyncset.done $0x0  }
0x70: {  	s5 =	simm.s32 @p0 $0x6;
	[sflag:s12] =	ssyncadd.s32 $0xFFFFE000  }
0x71: {  	_ =	swait.ge @p0 [sflag:s5], $0x2000  }
0x72: {  	[sflag:s5] =	ssyncset.done @p0 $0x0  }
0x73: {  	s7 =	simm.s32 @p0 $0xF000;
	[sflag:s5] =	ssyncadd.s32 @p0 $0xFFFFE000;
	s5 =	sadd.s32 @p0 $0x2A80, s23  }
0x74: {  	[spmem:s2] =	stream.indirect.scatter.add.f32 @p0 [tilespmem:s7], [sflag:$0x9], $0x40, s5, s24, $0xb8;
	[tilespmem:$0x1F000] =	vst v63  }
0x75: {  	_ =	swait.ge @p0 [sflag:s25], $0x2000  }
0x76: {  	[sflag:s25] =	ssyncset.done @p0 $0x0  }
0x77: {  	s5 =	sadd.s32 @!p0 $0x600, s20;
	s7 =	simm.s32 @!p0 $0xD000;
	[sflag:s25] =	ssyncadd.s32 @p0 $0xFFFFE000  }
0x78: {  	[tilespmem:s7], [sflag:$0x5] =	stream.indirect.gather @!p0 [hbm4b:s4+s21], $0x40, s5, s21, $0xb8;
	[tilespmem:$0x1F000] =	vst v63  }
0x79: {  	s5 =	simm.s32 @!p0 $0x6  }
0x7a: {  	_ =	swait.ge @!p0 [sflag:s5], $0x2000  }
0x7b: {  	[sflag:s5] =	ssyncset.done @!p0 $0x0  }
0x7c: {  	s7 =	simm.s32 @!p0 $0xF000;
	[sflag:s5] =	ssyncadd.s32 @!p0 $0xFFFFE000;
	s5 =	sadd.s32 @!p0 $0x2A80, s20  }
0x7d: {  	[spmem:s2] =	stream.indirect.scatter.add.f32 @!p0 [tilespmem:s7], [sflag:$0x9], $0x40, s5, s21, $0xb8;
	[tilespmem:$0x1F000] =	vst v63  }
0x7e: {  	_ =	swait.ge @!p0 [sflag:s28], $0x2000  }
0x7f: {  	[sflag:s28] =	ssyncset.done @!p0 $0x0  }
0x80: {  	s5 =	sadd.s32 @!p0 $0x680, s20;
	[sflag:s28] =	ssyncadd.s32 @!p0 $0xFFFFE000  }
0x81: {  	[tilespmem:s7], [sflag:$0x6] =	stream.indirect.gather @!p0 [hbm4b:s4+s21], $0x40, s5, s21, $0xb8;
	[tilespmem:$0x1F000] =	vst v63  }
0x82: {  	_ =	swait.ge [sflag:s0], $0x2000  }
0x83: {  	[sflag:s0] =	ssyncset.done $0x0  }
.Ltmp2:
0x84: {  	s28 =	sadd.s32 $0x2B00, s19;
	[sflag:s0] =	ssyncadd.s32 $0xFFFFE000;
	(pc) =	sbr.rel @p0 .LBB2_4-.Ltmp2, $4  }
0x85: {  	[spmem:s2] =	stream.indirect.scatter.add.f32 [tilespmem:s26], [sflag:$0x9], $0x40, s28, s14, $0xb8;
	[tilespmem:$0x1F000] =	vst v63  }
0x86: {  	_ =	swait.ge [sflag:s12], $0x2000  }
0x87: {  	[sflag:s12] =	ssyncset.done $0x0  }
0x88: {  	s20 =	sadd.s32 $0x2B80, s19;
	[sflag:s12] =	ssyncadd.s32 $0xFFFFE000  }
0x89: {  	s5 =	sadd.s32 $0x700, s19  }
0x8a: {  	[tilespmem:s26], [sflag:$0x7] =	stream.indirect.gather [hbm4b:s4+s14], $0x40, s5, s14, $0xb8;
	[tilespmem:$0x1F000] =	vst v63  }
0x8b: {  	_ =	swait.ge [sflag:s13], $0x2000  }
0x8c: {  	[sflag:s13] =	ssyncset.done $0x0  }
0x8d: {  	[sflag:s13] =	ssyncadd.s32 $0xFFFFE000  }
0x8e: {  	[spmem:s2] =	stream.indirect.scatter.add.f32 [tilespmem:s29], [sflag:$0x9], $0x40, s20, s14, $0xb8;
	[tilespmem:$0x1F000] =	vst v63  }
.Ltmp3:
0x8f: {  	_ = 	snop;
	(pc) =	sbr.rel .LBB2_2-.Ltmp3, $4  }
0x90: {  	_ =	swait.ge [sflag:s12], $0x2000  }
0x91: {  	[sflag:s12] =	ssyncset.done $0x0  }
0x92: {  	s28 =	sadd.s32 $0x780, s19;
	s17 =	sadd.s32 $0x1000, s17;
	[sflag:s12] =	ssyncadd.s32 $0xFFFFE000  }
0x93: {  	[tilespmem:s29], [sflag:$0x8] =	stream.indirect.gather [hbm4b:s4+s14], $0x40, s28, s14, $0xb8;
	[tilespmem:$0x1F000] =	vst v63  }
.LBB2_5:
0x94: {  	_ =	sfence.sel $0x180000  }
0x95: {  	[bflag:$0x0] =	sbarrier.arrive $0xFFFF  }
0x96: {  	_ =	strace $0x9000004D  }
0x97: {  	s0 =	stileid.u32;
	[bflag:$0x2] =	sbarrier.arrive $0xFFFF  }
0x98: {  	p0 =	sne.s32 s0, $0x0;
	s0 =	rddreg [dreg:$0x2]  }
0x99: {  	s0 =	sadd.s32 @!p0 $0x100000, s0  }
0x9a: {  	[sflag:s0] =	ssyncadd.tile.s32 @!p0 $0x1;
	_ =	shalt  }
.Lfunc_end2:
_tile_overlayer_lowered:
.L_overlay_start_2:
0x9b: {  	(tag) =	ssettag $0x2  }
0x9c: {  	s0 =	rddreg [dreg:$0x0];
	s2 =	stileid.u32  }
0x9d: {  	s1 =	rddreg [dreg:$0x1];
	p0 =	sne.s32 s2, $0x0  }
0x9e: {  	s3 =	rddreg [dreg:$0x2];
	[bflag:$0x3] =	sbarrier.arrive $0xFFFF;
	s2 =	simm.s32 @!p0 $0x1C09  }
0x9f: {  	[timem:s3], [sflag:s2] =	dma.local @!p0 [hbm:s0], s1  }
0xa0: {  	s0 =	simm.s32 @!p0 $0x9  }
0xa1: {  	_ =	swait.ge @!p0 [sflag:s0], s1  }
0xa2: {  	s1 =	ssub.s32 @!p0 $0x0, s1;
	[sflag:s0] =	ssyncset.done @!p0 $0x0  }
0xa3: {  	[sflag:s0] =	ssyncadd.s32 @!p0 s1  }
0xa4: {  	[bflag:$0x3] =	sbarrier.arrive $0xFFFF  }
0xa5: {  	_ =	shalt  }

// kernel: kernel.19.cloned.1.call-start
scs
__scs_entry_jumppad:
0x0: {  	(pc) =	sbr.rel $0x88, $3  }
0x1: {  	(tag) =	ssettag $0x0;
	lr =	simm.s32 $0x1  }
0x2: {  	[smem:$0x3F93] =	sst lr;
	_ =	strace $0xD0000000  }
0x3: {  	_ = 	snop  }
0x4: {  	_ = 	snop  }
0x5: {  	_ = 	snop  }
0x6: {  	_ = 	snop  }
0x7: {  	_ = 	snop  }
__scs_overlays_trampoline_lowered:
0x8: {  	[smem:$0x3FA2] =	sst s0  }
0x9: {  	[smem:$0x3FA3] =	sst s1  }
0xa: {  	[smem:$0x3FA4] =	sst s2  }
0xb: {  	[smem:$0x3FA5] =	sst s3  }
0xc: {  	[smem:$0x3FA6] =	sst s4  }
0xd: {  	[smem:$0x3FA7] =	sst s5  }
0xe: {  	[smem:$0x3FA8] =	sst s6  }
0xf: {  	[smem:$0x3FA9] =	sst s7  }
0x10: {  	[smem:$0x3FAA] =	sst s8  }
0x11: {  	[smem:$0x3FAB] =	sst s9;
	s0 =	simm.s32 @!p0 $0x0  }
0x12: {  	s1 =	sld [smem:$0x3F91];
	s0 =	simm.s32 @p0 $0x1  }
0x13: {  	[smem:$0x3FAC] =	sst s0;
	s0 =	simm.s32 @!p1 $0x0  }
0x14: {  	s2 =	sld [smem:$0x3F90];
	s0 =	simm.s32 @p1 $0x1  }
0x15: {  	[smem:$0x3FAD] =	sst s0;
	s0 =	simm.s32 @!p2 $0x0  }
0x16: {  	s3 =	sld [smem:$0x3FDB];
	s0 =	simm.s32 @p2 $0x1  }
0x17: {  	s4 =	simm.s32 $0x1BF5;
	[smem:$0x3FAF] =	sst s0  }
0x18: {  	s0 =	sld [smem:$0x3F92];
	_ =	swait.ge [sflag:s4], $0x0  }
0x19: {  	s7 =	sld [smem:$0x3F93]  }
0x1a: {  	s8 =	sadd.s32 $0xFFFFE003, lr  }
0x1b: {  	s9 =	sadd.s32 $0xFFFFFEF7, lr;
	s5 =	simm.s32 $0xFFFFFFFF;
	p2 =	slt.u32 s8, $0xFFFFF086  }
0x1c: {  	p1 =	slt.u32 s9, $0xF7A;
	s5 =	simm.s32 @!p2 $0x0  }
0x1d: {  	s5 =	simm.s32 @p1 $0x1;
	p0 =	seq.s32 s7, s2  }
0x1e: {  	s7 =	smul.u32 @!p0 $0xF7A, s2;
	p2 =	seq.s32 @!p0 s5, $0x0  }
0x1f: {  	s9 =	smul.u32 $0xF7A, s1;
	s8 =	simm.s32 @!p0 $0x1BF5;
	p2 =	por !p2, p0  }
0x20: {  	[sflag:s8] =	ssyncset.s32 @!p0 $0xFFFFF086;
	s6 =	sadd.s32 @!p0 s3, s7;
	s7 =	simm.s32 @!p0 $0x108  }
0x21: {  	s3 =	sadd.s32 s3, s9;
	s6 =	sadd.s32 @!p0 $0x88, s6;
	s7 =	simm.s32 @p2 $0x1082  }
0x22: {  	[simem:s7], [sflag:s8] =	dma.local @!p0 [hbm:s6], $0xF7A  }
0x23: {  	s9 =	sor.u32 $0xD0000000, s2;
	s6 =	simm.s32 $0x108;
	_ =	swait.ge @!p0 [sflag:s8], $0x0  }
0x24: {  	s3 =	sadd.s32 $0x88, s3;
	s6 =	simm.s32 @!p1 $0x1082;
	[sflag:s4] =	ssyncset.s32 $0xFFFFF086  }
0x25: {  	[simem:s6], [sflag:s4] =	dma.local [hbm:s3], $0xF7A  }
0x26: {  	[smem:$0x3F93] =	sst s1;
	(tag) =	ssettag s2;
	_ =	strace s9  }
0x27: {  	s1 =	sld [smem:$0x3FA3]  }
0x28: {  	s2 =	sld [smem:$0x3FA4]  }
0x29: {  	s4 =	sld [smem:$0x3FA6]  }
0x2a: {  	p0 =	seq.s32 s5, $0x0;
	s5 =	sld [smem:$0x3FA7]  }
0x2b: {  	s6 =	sld [smem:$0x3FA8]  }
0x2c: {  	s7 =	sld [smem:$0x3FA9]  }
0x2d: {  	s3 =	simm.s32 $0x108;
	s8 =	sld [smem:$0x3FAA]  }
0x2e: {  	s3 =	simm.s32 @!p0 $0x1082;
	s9 =	sld [smem:$0x3FAB]  }
0x2f: {  	lr =	sadd.s32 s0, s3;
	s0 =	sld [smem:$0x3FA2]  }
0x30: {  	s3 =	sld [smem:$0x3FA5]  }
0x31: {  	[smem:$0x3FAE] =	sst s10  }
0x32: {  	s10 =	sld [smem:$0x3FAC];
	_ =	sdelay $0x3  }
0x33: {  	p0 =	seq.s32 s10, $0x1;
	s10 =	sld [smem:$0x3FAE];
	_ =	sdelay $0x3  }
0x34: {  	[smem:$0x3FAE] =	sst s10  }
0x35: {  	s10 =	sld [smem:$0x3FAD];
	_ =	sdelay $0x3  }
0x36: {  	p1 =	seq.s32 s10, $0x1;
	s10 =	sld [smem:$0x3FAE];
	_ =	sdelay $0x3  }
0x37: {  	[smem:$0x3FAE] =	sst s10  }
0x38: {  	s10 =	sld [smem:$0x3FAF]  }
0x39: {  	_ = 	snop;
	(pc) =	sbr.ind lr, $3  }
0x3a: {  	_ = 	snop  }
0x3b: {  	_ = 	snop  }
0x3c: {  	p2 =	seq.s32 s10, $0x1;
	s10 =	sld [smem:$0x3FAE]  }
0x3d: {  	_ =	shalt  }
0x3e: {  	_ =	shalt  }
0x3f: {  	_ =	shalt  }
0x40: {  	_ =	shalt  }
0x41: {  	_ =	shalt  }
0x42: {  	_ =	shalt  }
0x43: {  	_ =	shalt  }
0x44: {  	_ =	shalt  }
0x45: {  	_ =	shalt  }
0x46: {  	_ =	shalt  }
0x47: {  	_ =	shalt  }
0x48: {  	_ =	shalt  }
0x49: {  	_ =	shalt  }
0x4a: {  	_ =	shalt  }
0x4b: {  	_ =	shalt  }
0x4c: {  	_ =	shalt  }
0x4d: {  	_ =	shalt  }
0x4e: {  	_ =	shalt  }
0x4f: {  	_ =	shalt  }
0x50: {  	_ =	shalt  }
0x51: {  	_ =	shalt  }
0x52: {  	_ =	shalt  }
0x53: {  	_ =	shalt  }
0x54: {  	_ =	shalt  }
0x55: {  	_ =	shalt  }
0x56: {  	_ =	shalt  }
0x57: {  	_ =	shalt  }
0x58: {  	_ =	shalt  }
0x59: {  	_ =	shalt  }
0x5a: {  	_ =	shalt  }
0x5b: {  	_ =	shalt  }
0x5c: {  	_ =	shalt  }
0x5d: {  	_ =	shalt  }
0x5e: {  	_ =	shalt  }
0x5f: {  	_ =	shalt  }
0x60: {  	_ =	shalt  }
0x61: {  	_ =	shalt  }
0x62: {  	_ =	shalt  }
0x63: {  	_ =	shalt  }
0x64: {  	_ =	shalt  }
0x65: {  	_ =	shalt  }
0x66: {  	_ =	shalt  }
0x67: {  	_ =	shalt  }
0x68: {  	_ =	shalt  }
0x69: {  	_ =	shalt  }
0x6a: {  	_ =	shalt  }
0x6b: {  	_ =	shalt  }
0x6c: {  	_ =	shalt  }
0x6d: {  	_ =	shalt  }
0x6e: {  	_ =	shalt  }
0x6f: {  	_ =	shalt  }
0x70: {  	_ =	shalt  }
0x71: {  	_ =	shalt  }
0x72: {  	_ =	shalt  }
0x73: {  	_ =	shalt  }
0x74: {  	_ =	shalt  }
0x75: {  	_ =	shalt  }
0x76: {  	_ =	shalt  }
0x77: {  	_ =	shalt  }
0x78: {  	_ =	shalt  }
0x79: {  	_ =	shalt  }
0x7a: {  	_ =	shalt  }
0x7b: {  	_ =	shalt  }
0x7c: {  	_ =	shalt  }
0x7d: {  	_ =	shalt  }
0x7e: {  	_ =	shalt  }
0x7f: {  	_ =	shalt  }
0x80: {  	_ =	shalt  }
0x81: {  	_ =	shalt  }
0x82: {  	_ =	shalt  }
0x83: {  	_ =	shalt  }
0x84: {  	_ =	shalt  }
0x85: {  	_ =	shalt  }
0x86: {  	_ =	shalt  }
0x87: {  	_ =	shalt  }
.Lfunc_end0:
.L_simem_size_0:
called_computation.3_lowered:
.L_overlay_start_0:
0x88: {  	s2 =	sld [smem:$0x3FD9]  }
0x89: {  	s3 =	sld [smem:$0x3FFE];
	_ =	sdelay $0x1  }
0x8a: {  	s1 =	srdreg.scid  }
0x8b: {  	s0 =	sand.u32 $0x1, s1  }
0x8c: {  	s16 =	sshll.u32 s0, $0xA;
	s2 =	sadd.s32 s3, s2  }
0x8d: {  	s2 =	sadd.s32 s2, s16  }
0x8e: {  	[smem:$0x3FBA] =	sst s2  }
0x8f: {  	_ = 	snop  }
0x90: {  	(tm) =	ssettm $0x1  }
0x91: {  	s17 =	sld [smem:$0x3FFB];
	_ =	sdelay $0x3  }
0x92: {  	_ =	strace s17  }
0x93: {  	s2 =	sld [smem:$0x3FFC];
	_ =	sdelay $0x3  }
0x94: {  	_ =	strace s2  }
0x95: {  	s2 =	sld [smem:$0x3FFD];
	_ =	sdelay $0x3  }
0x96: {  	_ =	strace s2  }
0x97: {  	_ =	strace $0x8FFFFFFF  }
0x98: {  	s18 =	sld [smem:$0x3FDB];
	_ =	sdelay $0x1  }
0x99: {  	s19 =	simm.s32 $_scs_section_size  }
0x9a: {  	s4 =	simm.s32 $_size__tile_overlayer_lowered;
	s5 =	simm.s32 $_tile_overlayer_lowered  }
0x9b: {  	s22 =	simm.s32 $0x1BFF;
	s21 =	sshll.u32 s5, $0x1;
	s2 =	sadd.s32 s19, s18  }
0x9c: {  	s6 =	simm.s32 $0x0;
	s20 =	sshll.u32 s4, $0x1;
	s4 =	sadd.s32 s21, s2  }
0x9d: {  	[timem:s6], [sflag:s22] =	dma.local [hbm:s4], s20  }
0x9e: {  	_ =	swait.ge [sflag:s22], s20  }
0x9f: {  	s3 =	ssub.s32 $0x0, s20;
	[sflag:s22] =	ssyncset.done $0x0  }
0xa0: {  	[sflag:s22] =	ssyncadd.s32 s3;
	_ =	sdelay $0x1  }
0xa1: {  	s23 =	simm.s32 $0x1B8B  }
0xa2: {  	_ =	swait.ge [sflag:s23], $0x1  }
0xa3: {  	[sflag:s23] =	ssyncset.done $0x0  }
0xa4: {  	s25 =	simm.s32 $0x1B8E;
	s24 =	sld [smem:$0x3FFE];
	[sflag:s23] =	ssyncadd.s32 $0xFFFFFFFF  }
0xa5: {  	s26 =	simm.s32 $execute0_lowered;
	[smem:$0x3FD2] =	sst s25  }
0xa6: {  	s4 =	sshll.u32 s26, $0x1;
	_ =	strace $0x8000004F;
	[dreg:$0x1] =	wrdreg $0xFFFFFFFF  }
0xa7: {  	s28 =	simm.s32 $_size_execute0_lowered;
	s2 =	sadd.s32 s2, s4;
	[dreg:$0x0] =	wrdreg $0x0  }
0xa8: {  	s4 =	sshll.u32 s28, $0x1;
	[dreg:$0x2] =	wrdreg s2  }
0xa9: {  	[dreg:$0x3] =	wrdreg s4  }
0xaa: {  	[dreg:$0x4] =	wrdreg $0xC0  }
0xab: {  	_ =	task [dreg:s6], $0x5FFFF  }
0xac: {  	[dreg:$0x1] =	wrdreg $0xFFFFFFFF  }
0xad: {  	[dreg:$0x0] =	wrdreg $0x60  }
0xae: {  	[dreg:$0x2] =	wrdreg s24  }
0xaf: {  	[dreg:$0x3] =	wrdreg $0x150000  }
0xb0: {  	[dreg:$0x4] =	wrdreg $0x9  }
0xb1: {  	_ =	task.clear_ibuf [dreg:s6], $0x5FFFF;
	_ =	strace $0x9000004F  }
0xb2: {  	s29 =	simm.s32 $0x9;
	_ =	strace $0x80000051  }
0xb3: {  	_ =	swait.ge [sflag:s29], $0x1  }
0xb4: {  	[sflag:s29] =	ssyncadd.s32 $0xFFFFFFFF  }
0xb5: {  	_ =	strace $0x90000051  }
0xb6: {  	_ =	sfence  }
0xb7: {  	s30 =	sld [smem:$0x0];
	_ =	sdelay $0x2  }
0xb8: {  	s31 =	sshll.u32 s1, $0xD;
	s1 =	sshrl.u32 s1, $0x2  }
0xb9: {  	s3 =	sand.u32 $0x4000, s31;
	s1 =	sadd.s32 s1, s30  }
0xba: {  	s0 =	sor.u32 s3, s0;
	s1 =	sshll.u32 s1, $0x11  }
0xbb: {  	s0 =	sor.u32 s1, s0  }
0xbc: {  	s0 =	sadd.s32 $0x8F2B, s0  }
0xbd: {  	[sflag:s0] =	ssyncadd.remote.s32 $0x1  }
0xbe: {  	_ =	sfence.sel $0xFFFF  }
0xbf: {  	[dreg:$0x0] =	wrdreg $0xFFFFFFFF;
	(pc) =	sbr.abs _section_cstart, $3  }
0xc0: {  	[dreg:$0x1] =	wrdreg $0xFFFFFFFF  }
0xc1: {  	_ =	task.clear_ibuf [dreg:s6], $0x2FFFF;
	_ =	strace $0x9FFFFFFF  }
0xc2: {  	(tm) =	ssettm $0x7FFFFFFF  }
0xc3: {  	_ =	shalt  }
tec
execute0_lowered:
.L_overlay_start_1:
0x0: {  	(tag) =	ssettag $0x1  }
0x1: {  	s0 =	srdreg.scid;
	s6 =	rddreg [dreg:$0x0]  }
0x2: {  	s11 =	stileid.u32;
	s2 =	rddreg [dreg:$0x1]  }
0x3: {  	s3 =	simm.s32 $0x0;
	s12 =	simm.s32 $0x9;
	s14 =	simm.s32 $0x80  }
0x4: {  	s15 =	simm.s32 $0x5000;
	s18 =	simm.s32 $0x9000;
	s22 =	simm.s32 $0xD000  }
0x5: {  	s29 =	simm.s32 $0x13000;
	s30 =	simm.s32 $0x1;
	s31 =	simm.s32 $0x3  }
0x6: {  	s13 =	simm.s32 $0x8;
	s16 =	simm.s32 $0x0;
	s0 =	sand.u32 $0x1, s0  }
0x7: {  	s7 =	smul.u32 $0xA000, s11;
	[smem:$0x7FF] =	sst s3;
	s4 =	sadd.s32 $0x17600, s6  }
0x8: {  	s24 =	sadd.s32 $0x2B000, s6;
	s25 =	sshll.u32 s11, $0x6;
	s1 =	sshll.u32 s0, $0x4  }
0x9: {  	s5 =	smul.u32 $0xA0000, s0;
	_ =	strace $0x80000050;
	s0 =	ssub.s32 $0x2, s0  }
0xa: {  	[dreg:$0x3] =	wrdreg s24;
	s1 =	sor.u32 s11, s1;
	s9 =	sshrl.u32 s0, $0x1  }
0xb: {  	s26 =	sadd.s32 s7, s2;
	s1 =	smul.u32 $0x500, s1;
	s8 =	sadd.s32 s7, s5  }
.Ltmp0:
0xc: {  	s0 =	ssub.s32 s0, s9;
	s11 =	sshrl.u32 s26, $0x3;
	(pc) =	sbr.rel .LBB2_1-.Ltmp0, $4  }
0xd: {  	s26 =	simm.s32 $0x11000;
	s8 =	sshrl.u32 s8, $0x3;
	s1 =	sadd.s32 s1, s6  }
0xe: {  	s10 =	sadd.s32 s8, s6;
	s6 =	sor.u32 $0x1C09, s25;
	s28 =	sadd.s32 $0xD600, s1  }
0xf: {  	s8 =	sadd.s32 $0x3600, s1;
	s9 =	sadd.s32 $0x2C400, s10;
	s10 =	smax.u32 s0, $0x1  }
0x10: {  	s1 =	simm.s32 $0x5;
	s0 =	simm.s32 $0x7;
	[dreg:$0x4] =	wrdreg s28  }
.LBB2_4:
0x11: {  	_ =	swait.ge [sflag:s13], $0x2000  }
0x12: {  	[sflag:s13] =	ssyncset.done $0x0  }
0x13: {  	[sflag:s13] =	ssyncadd.s32 $0xFFFFE000  }
0x14: {  	[spmem:s2] =	stream.indirect.scatter.add.f32 [tilespmem:s29], [sflag:$0x9], $0x40, s20, s14, $0xb8;
	[tilespmem:$0x1F000] =	vst v63  }
0x15: {  	_ =	swait.ge [sflag:s12], $0x2000  }
0x16: {  	s16 =	sadd.s32 $0x1, s16;
	[sflag:s12] =	ssyncset.done $0x0  }
0x17: {  	p0 =	sne.s32 s16, s10;
	[sflag:s12] =	ssyncadd.s32 $0xFFFFE000  }
.Ltmp1:
0x18: {  	[bflag:$0x0] =	sbarrier.arrive $0xFFFF;
	(pc) =	sbr.rel @!p0 .LBB2_5-.Ltmp1, $4  }
0x19: {  	[hbm:s9], [sflag:s6] =	dma.local [spmem:s11], $0x1400  }
0x1a: {  	_ =	swait.ge [sflag:s12], $0x1400  }
0x1b: {  	[sflag:s12] =	ssyncset.done $0x0  }
0x1c: {  	[sflag:s12] =	ssyncadd.s32 $0xFFFFEC00  }
.LBB2_1:
0x1d: {  	s5 =	rddreg [dreg:$0x3]  }
0x1e: {  	[spmem:s11], [sflag:s6] =	dma.local [hbm:s5], $0x1400  }
0x1f: {  	_ =	swait.ge [sflag:s12], $0x1400  }
0x20: {  	[sflag:s12] =	ssyncset.done $0x0  }
0x21: {  	s28 =	rddreg [dreg:$0x4];
	[sflag:s12] =	ssyncadd.s32 $0xFFFFEC00  }
0x22: {  	[tilespmem:s3], [sflag:$0x9] =	stream.linear.gather [hbm4b:s28+s3], $0x2800, $0x38;
	[tilespmem:$0x1F000] =	vst v63  }
0x23: {  	_ =	swait.ge [sflag:s12], $0x2800  }
0x24: {  	[sflag:s12] =	ssyncset.done $0x0  }
0x25: {  	s7 =	simm.s32 $0x2800;
	[sflag:s12] =	ssyncadd.s32 $0xFFFFD800  }
0x26: {  	[tilespmem:s7], [sflag:$0x9] =	stream.linear.gather [hbm4b:s8+s3], $0x2800, $0x38;
	[tilespmem:$0x1F000] =	vst v63  }
0x27: {  	_ =	swait.ge [sflag:s12], $0x2800  }
0x28: {  	[sflag:s12] =	ssyncset.done $0x0  }
0x29: {  	[sflag:s12] =	ssyncadd.s32 $0xFFFFD800  }
0x2a: {  	[bflag:$0x0] =	sbarrier.arrive $0xFFFF  }
0x2b: {  	[tilespmem:s15], [sflag:$0x1] =	stream.indirect.gather [hbm4b:s4+s14], $0x40, s3, s14, $0xb8;
	[tilespmem:$0x1F000] =	vst v63  }
0x2c: {  	s17 =	simm.s32 $0x7000  }
0x2d: {  	[tilespmem:s17], [sflag:$0x2] =	stream.indirect.gather [hbm4b:s4+s14], $0x40, s14, s14, $0xb8;
	[tilespmem:$0x1F000] =	vst v63  }
0x2e: {  	s19 =	simm.s32 $0x100  }
0x2f: {  	[tilespmem:s18], [sflag:$0x3] =	stream.indirect.gather [hbm4b:s4+s14], $0x40, s19, s14, $0xb8;
	[tilespmem:$0x1F000] =	vst v63  }
0x30: {  	s20 =	simm.s32 $0x180;
	s7 =	simm.s32 $0xB000  }
0x31: {  	[tilespmem:s7], [sflag:$0x4] =	stream.indirect.gather [hbm4b:s4+s14], $0x40, s20, s14, $0xb8;
	[tilespmem:$0x1F000] =	vst v63  }
0x32: {  	s21 =	simm.s32 $0x200  }
0x33: {  	[tilespmem:s22], [sflag:$0x5] =	stream.indirect.gather [hbm4b:s4+s14], $0x40, s21, s14, $0xb8;
	[tilespmem:$0x1F000] =	vst v63  }
0x34: {  	s23 =	simm.s32 $0x280;
	s24 =	simm.s32 $0xF000  }
0x35: {  	[tilespmem:s24], [sflag:$0x6] =	stream.indirect.gather [hbm4b:s4+s14], $0x40, s23, s14, $0xb8;
	[tilespmem:$0x1F000] =	vst v63  }
0x36: {  	s25 =	simm.s32 $0x300  }
0x37: {  	[tilespmem:s26], [sflag:$0x7] =	stream.indirect.gather [hbm4b:s4+s14], $0x40, s25, s14, $0xb8;
	[tilespmem:$0x1F000] =	vst v63  }
0x38: {  	s28 =	simm.s32 $0x380;
	s17 =	simm.s32 $0x0  }
0x39: {  	[tilespmem:s29], [sflag:$0x8] =	stream.indirect.gather [hbm4b:s4+s14], $0x40, s28, s14, $0xb8;
	[tilespmem:$0x1F000] =	vst v63  }
.LBB2_2:
0x3a: {  	_ =	swait.ge [sflag:s30], $0x2000  }
0x3b: {  	s19 =	sshra.s32 s17, $0x2;
	[sflag:s30] =	ssyncset.done $0x0  }
0x3c: {  	s20 =	sadd.s32 $0x2800, s19;
	[sflag:s30] =	ssyncadd.s32 $0xFFFFE000  }
0x3d: {  	[spmem:s2] =	stream.indirect.scatter.add.f32 [tilespmem:s15], [sflag:$0x9], $0x40, s20, s14, $0xb8;
	[tilespmem:$0x1F000] =	vst v63  }
0x3e: {  	_ =	swait.ge [sflag:s12], $0x2000  }
0x3f: {  	p0 =	seq.s32 s17, $0x9000;
	[sflag:s12] =	ssyncset.done $0x0  }
0x40: {  	s20 =	simm.s32 @p0 $0x2;
	[sflag:s12] =	ssyncadd.s32 $0xFFFFE000  }
0x41: {  	s23 =	sshra.s32 @p0 s17, $0x2;
	_ =	swait.ge @p0 [sflag:s20], $0x2000  }
0x42: {  	s24 =	simm.s32 @p0 $0x80;
	s21 =	simm.s32 @p0 $0x7000;
	[sflag:s20] =	ssyncset.done @p0 $0x0  }
0x43: {  	s25 =	simm.s32 @p0 $0x9;
	[sflag:s20] =	ssyncadd.s32 @p0 $0xFFFFE000;
	s20 =	sadd.s32 @p0 $0x2880, s23  }
0x44: {  	[spmem:s2] =	stream.indirect.scatter.add.f32 @p0 [tilespmem:s21], [sflag:$0x9], $0x40, s20, s24, $0xb8;
	[tilespmem:$0x1F000] =	vst v63  }
0x45: {  	_ =	swait.ge @p0 [sflag:s25], $0x2000  }
0x46: {  	s5 =	simm.s32 @!p0 $0x5000;
	s20 =	sshra.s32 @!p0 s17, $0x2;
	[sflag:s25] =	ssyncset.done @p0 $0x0  }
0x47: {  	s21 =	simm.s32 @!p0 $0x80;
	s28 =	sadd.s32 @!p0 $0x400, s20;
	[sflag:s25] =	ssyncadd.s32 @p0 $0xFFFFE000  }
0x48: {  	[tilespmem:s5], [sflag:$0x1] =	stream.indirect.gather @!p0 [hbm4b:s4+s21], $0x40, s28, s21, $0xb8;
	[tilespmem:$0x1F000] =	vst v63  }
0x49: {  	s5 =	simm.s32 @!p0 $0x2  }
0x4a: {  	_ =	swait.ge @!p0 [sflag:s5], $0x2000  }
0x4b: {  	s7 =	simm.s32 @!p0 $0x7000;
	[sflag:s5] =	ssyncset.done @!p0 $0x0  }
0x4c: {  	s28 =	simm.s32 @!p0 $0x9;
	[sflag:s5] =	ssyncadd.s32 @!p0 $0xFFFFE000;
	s5 =	sadd.s32 @!p0 $0x2880, s20  }
0x4d: {  	[spmem:s2] =	stream.indirect.scatter.add.f32 @!p0 [tilespmem:s7], [sflag:$0x9], $0x40, s5, s21, $0xb8;
	[tilespmem:$0x1F000] =	vst v63  }
0x4e: {  	_ =	swait.ge @!p0 [sflag:s28], $0x2000  }
0x4f: {  	[sflag:s28] =	ssyncset.done @!p0 $0x0  }
0x50: {  	s5 =	sadd.s32 @!p0 $0x480, s20;
	[sflag:s28] =	ssyncadd.s32 @!p0 $0xFFFFE000  }
0x51: {  	[tilespmem:s7], [sflag:$0x2] =	stream.indirect.gather @!p0 [hbm4b:s4+s21], $0x40, s5, s21, $0xb8;
	[tilespmem:$0x1F000] =	vst v63  }
0x52: {  	_ =	swait.ge [sflag:s31], $0x2000  }
0x53: {  	[sflag:s31] =	ssyncset.done $0x0  }
0x54: {  	s7 =	sadd.s32 $0x2900, s19;
	[sflag:s31] =	ssyncadd.s32 $0xFFFFE000  }
0x55: {  	[spmem:s2] =	stream.indirect.scatter.add.f32 [tilespmem:s18], [sflag:$0x9], $0x40, s7, s14, $0xb8;
	[tilespmem:$0x1F000] =	vst v63  }
0x56: {  	_ =	swait.ge [sflag:s12], $0x2000  }
0x57: {  	[sflag:s12] =	ssyncset.done $0x0  }
0x58: {  	s5 =	simm.s32 @p0 $0x4;
	[sflag:s12] =	ssyncadd.s32 $0xFFFFE000  }
0x59: {  	_ =	swait.ge @p0 [sflag:s5], $0x2000  }
0x5a: {  	[sflag:s5] =	ssyncset.done @p0 $0x0  }
0x5b: {  	s7 =	simm.s32 @p0 $0xB000;
	[sflag:s5] =	ssyncadd.s32 @p0 $0xFFFFE000;
	s5 =	sadd.s32 @p0 $0x2980, s23  }
0x5c: {  	[spmem:s2] =	stream.indirect.scatter.add.f32 @p0 [tilespmem:s7], [sflag:$0x9], $0x40, s5, s24, $0xb8;
	[tilespmem:$0x1F000] =	vst v63  }
0x5d: {  	_ =	swait.ge @p0 [sflag:s25], $0x2000  }
0x5e: {  	[sflag:s25] =	ssyncset.done @p0 $0x0  }
0x5f: {  	s5 =	sadd.s32 @!p0 $0x500, s20;
	s7 =	simm.s32 @!p0 $0x9000;
	[sflag:s25] =	ssyncadd.s32 @p0 $0xFFFFE000  }
0x60: {  	[tilespmem:s7], [sflag:$0x3] =	stream.indirect.gather @!p0 [hbm4b:s4+s21], $0x40, s5, s21, $0xb8;
	[tilespmem:$0x1F000] =	vst v63  }
0x61: {  	s5 =	simm.s32 @!p0 $0x4  }
0x62: {  	_ =	swait.ge @!p0 [sflag:s5], $0x2000  }
0x63: {  	[sflag:s5] =	ssyncset.done @!p0 $0x0  }
0x64: {  	s7 =	simm.s32 @!p0 $0xB000;
	[sflag:s5] =	ssyncadd.s32 @!p0 $0xFFFFE000;
	s5 =	sadd.s32 @!p0 $0x2980, s20  }
0x65: {  	[spmem:s2] =	stream.indirect.scatter.add.f32 @!p0 [tilespmem:s7], [sflag:$0x9], $0x40, s5, s21, $0xb8;
	[tilespmem:$0x1F000] =	vst v63  }
0x66: {  	_ =	swait.ge @!p0 [sflag:s28], $0x2000  }
0x67: {  	[sflag:s28] =	ssyncset.done @!p0 $0x0  }
0x68: {  	s5 =	sadd.s32 @!p0 $0x580, s20;
	[sflag:s28] =	ssyncadd.s32 @!p0 $0xFFFFE000  }
0x69: {  	[tilespmem:s7], [sflag:$0x4] =	stream.indirect.gather @!p0 [hbm4b:s4+s21], $0x40, s5, s21, $0xb8;
	[tilespmem:$0x1F000] =	vst v63  }
0x6a: {  	_ =	swait.ge [sflag:s1], $0x2000  }
0x6b: {  	[sflag:s1] =	ssyncset.done $0x0  }
0x6c: {  	s7 =	sadd.s32 $0x2A00, s19;
	[sflag:s1] =	ssyncadd.s32 $0xFFFFE000  }
0x6d: {  	[spmem:s2] =	stream.indirect.scatter.add.f32 [tilespmem:s22], [sflag:$0x9], $0x40, s7, s14, $0xb8;
	[tilespmem:$0x1F000] =	vst v63  }
0x6e: {  	_ =	swait.ge [sflag:s12], $0x2000  }
0x6f: {  	[sflag:s12] =	ssyncset.done $0x0  }
0x70: {  	s5 =	simm.s32 @p0 $0x6;
	[sflag:s12] =	ssyncadd.s32 $0xFFFFE000  }
0x71: {  	_ =	swait.ge @p0 [sflag:s5], $0x2000  }
0x72: {  	[sflag:s5] =	ssyncset.done @p0 $0x0  }
0x73: {  	s7 =	simm.s32 @p0 $0xF000;
	[sflag:s5] =	ssyncadd.s32 @p0 $0xFFFFE000;
	s5 =	sadd.s32 @p0 $0x2A80, s23  }
0x74: {  	[spmem:s2] =	stream.indirect.scatter.add.f32 @p0 [tilespmem:s7], [sflag:$0x9], $0x40, s5, s24, $0xb8;
	[tilespmem:$0x1F000] =	vst v63  }
0x75: {  	_ =	swait.ge @p0 [sflag:s25], $0x2000  }
0x76: {  	[sflag:s25] =	ssyncset.done @p0 $0x0  }
0x77: {  	s5 =	sadd.s32 @!p0 $0x600, s20;
	s7 =	simm.s32 @!p0 $0xD000;
	[sflag:s25] =	ssyncadd.s32 @p0 $0xFFFFE000  }
0x78: {  	[tilespmem:s7], [sflag:$0x5] =	stream.indirect.gather @!p0 [hbm4b:s4+s21], $0x40, s5, s21, $0xb8;
	[tilespmem:$0x1F000] =	vst v63  }
0x79: {  	s5 =	simm.s32 @!p0 $0x6  }
0x7a: {  	_ =	swait.ge @!p0 [sflag:s5], $0x2000  }
0x7b: {  	[sflag:s5] =	ssyncset.done @!p0 $0x0  }
0x7c: {  	s7 =	simm.s32 @!p0 $0xF000;
	[sflag:s5] =	ssyncadd.s32 @!p0 $0xFFFFE000;
	s5 =	sadd.s32 @!p0 $0x2A80, s20  }
0x7d: {  	[spmem:s2] =	stream.indirect.scatter.add.f32 @!p0 [tilespmem:s7], [sflag:$0x9], $0x40, s5, s21, $0xb8;
	[tilespmem:$0x1F000] =	vst v63  }
0x7e: {  	_ =	swait.ge @!p0 [sflag:s28], $0x2000  }
0x7f: {  	[sflag:s28] =	ssyncset.done @!p0 $0x0  }
0x80: {  	s5 =	sadd.s32 @!p0 $0x680, s20;
	[sflag:s28] =	ssyncadd.s32 @!p0 $0xFFFFE000  }
0x81: {  	[tilespmem:s7], [sflag:$0x6] =	stream.indirect.gather @!p0 [hbm4b:s4+s21], $0x40, s5, s21, $0xb8;
	[tilespmem:$0x1F000] =	vst v63  }
0x82: {  	_ =	swait.ge [sflag:s0], $0x2000  }
0x83: {  	[sflag:s0] =	ssyncset.done $0x0  }
.Ltmp2:
0x84: {  	s28 =	sadd.s32 $0x2B00, s19;
	[sflag:s0] =	ssyncadd.s32 $0xFFFFE000;
	(pc) =	sbr.rel @p0 .LBB2_4-.Ltmp2, $4  }
0x85: {  	[spmem:s2] =	stream.indirect.scatter.add.f32 [tilespmem:s26], [sflag:$0x9], $0x40, s28, s14, $0xb8;
	[tilespmem:$0x1F000] =	vst v63  }
0x86: {  	_ =	swait.ge [sflag:s12], $0x2000  }
0x87: {  	[sflag:s12] =	ssyncset.done $0x0  }
0x88: {  	s20 =	sadd.s32 $0x2B80, s19;
	[sflag:s12] =	ssyncadd.s32 $0xFFFFE000  }
0x89: {  	s5 =	sadd.s32 $0x700, s19  }
0x8a: {  	[tilespmem:s26], [sflag:$0x7] =	stream.indirect.gather [hbm4b:s4+s14], $0x40, s5, s14, $0xb8;
	[tilespmem:$0x1F000] =	vst v63  }
0x8b: {  	_ =	swait.ge [sflag:s13], $0x2000  }
0x8c: {  	[sflag:s13] =	ssyncset.done $0x0  }
0x8d: {  	[sflag:s13] =	ssyncadd.s32 $0xFFFFE000  }
0x8e: {  	[spmem:s2] =	stream.indirect.scatter.add.f32 [tilespmem:s29], [sflag:$0x9], $0x40, s20, s14, $0xb8;
	[tilespmem:$0x1F000] =	vst v63  }
.Ltmp3:
0x8f: {  	_ = 	snop;
	(pc) =	sbr.rel .LBB2_2-.Ltmp3, $4  }
0x90: {  	_ =	swait.ge [sflag:s12], $0x2000  }
0x91: {  	[sflag:s12] =	ssyncset.done $0x0  }
0x92: {  	s28 =	sadd.s32 $0x780, s19;
	s17 =	sadd.s32 $0x1000, s17;
	[sflag:s12] =	ssyncadd.s32 $0xFFFFE000  }
0x93: {  	[tilespmem:s29], [sflag:$0x8] =	stream.indirect.gather [hbm4b:s4+s14], $0x40, s28, s14, $0xb8;
	[tilespmem:$0x1F000] =	vst v63  }
.LBB2_5:
0x94: {  	_ =	sfence.sel $0x180000  }
0x95: {  	[bflag:$0x0] =	sbarrier.arrive $0xFFFF  }
0x96: {  	_ =	strace $0x90000050  }
0x97: {  	s0 =	stileid.u32;
	[bflag:$0x2] =	sbarrier.arrive $0xFFFF  }
0x98: {  	p0 =	sne.s32 s0, $0x0;
	s0 =	rddreg [dreg:$0x2]  }
0x99: {  	s0 =	sadd.s32 @!p0 $0x100000, s0  }
0x9a: {  	[sflag:s0] =	ssyncadd.tile.s32 @!p0 $0x1;
	_ =	shalt  }
.Lfunc_end2:
_tile_overlayer_lowered:
.L_overlay_start_2:
0x9b: {  	(tag) =	ssettag $0x2  }
0x9c: {  	s0 =	rddreg [dreg:$0x0];
	s2 =	stileid.u32  }
0x9d: {  	s1 =	rddreg [dreg:$0x1];
	p0 =	sne.s32 s2, $0x0  }
0x9e: {  	s3 =	rddreg [dreg:$0x2];
	[bflag:$0x3] =	sbarrier.arrive $0xFFFF;
	s2 =	simm.s32 @!p0 $0x1C09  }
0x9f: {  	[timem:s3], [sflag:s2] =	dma.local @!p0 [hbm:s0], s1  }
0xa0: {  	s0 =	simm.s32 @!p0 $0x9  }
0xa1: {  	_ =	swait.ge @!p0 [sflag:s0], s1  }
0xa2: {  	s1 =	ssub.s32 @!p0 $0x0, s1;
	[sflag:s0] =	ssyncset.done @!p0 $0x0  }
0xa3: {  	[sflag:s0] =	ssyncadd.s32 @!p0 s1  }
0xa4: {  	[bflag:$0x3] =	sbarrier.arrive $0xFFFF  }
0xa5: {  	_ =	shalt  }

</sc_bundles>
